<compile_context>
chip_gen: v7x
topology: tpu7x:2x2x1
jax: 0.10.2.dev20260603
libtpu: 0.0.44.dev20260713+nightly
codegen_flags: <defaults>
</compile_context>

<pallas_src>
import functools

import jax
import jax.numpy as jnp
from jax import lax
from jax.experimental import pallas as pl
from jax.experimental.pallas import tpu as pltpu
from jax.experimental.pallas import tpu_sc as plsc

_N = 10000
_E = 320000
_DH = 128
_DOUT = 40
_DOUT_PAD = 128
_EPS = 1e-5

_NC = 2
_NS = 16
_NW = _NC * _NS
_C = 80
_EPT = _E // _NW
_NCH = _EPT // _C
_NP = 10240
_RPT = _NP // _NS
_ZR = 128

_ROW_BLK = 1000


def _zero_vmem_2d(ref, rows, d):
    z = jnp.zeros((16,), jnp.float32)

    def body(i, _):
        for j in range(d // 16):
            ref[i, pl.ds(j * 16, 16)] = z
        return 0

    lax.fori_loop(0, rows, body, 0)


def _make_prop(d):
    mesh = plsc.VectorSubcoreMesh(core_axis_name="c", subcore_axis_name="s")

    @functools.partial(
        pl.kernel,
        out_type=jax.ShapeDtypeStruct((_NC, _NP, d), jnp.float32),
        mesh=mesh,
        scratch_types=[
            pltpu.VMEM((_NCH, _C), jnp.int32),
            pltpu.VMEM((_NCH, _C), jnp.int32),
            pltpu.VMEM((_C, d), jnp.float32),
            pltpu.VMEM_SHARED((_NP, d), jnp.float32),
            pltpu.SemaphoreType.DMA,
        ],
    )
    def prop(h_hbm, src_hbm, dst_hbm, out_hbm, src_v, dst_v, rows_v,
             acc_sh, sem):
        cid = lax.axis_index("c")
        sid = lax.axis_index("s")
        tid = cid * _NS + sid

        pltpu.sync_copy(src_hbm.at[tid], src_v)
        pltpu.sync_copy(dst_hbm.at[tid], dst_v)

        _zero_vmem_2d(rows_v, _C, d)
        for r in range(_RPT // _C):
            pltpu.sync_copy(rows_v, acc_sh.at[pl.ds(sid * _RPT + r * _C, _C)])
        plsc.subcore_barrier()

        def body(k, _):
            pltpu.async_copy(h_hbm.at[src_v.at[k]], rows_v, sem).wait()
            pltpu.sync_copy(rows_v, acc_sh.at[dst_v.at[k]], add=True)
            return 0

        lax.fori_loop(0, _NCH, body, 0)

        plsc.subcore_barrier()
        pltpu.sync_copy(acc_sh.at[pl.ds(sid * _RPT, _RPT)],
                        out_hbm.at[cid, pl.ds(sid * _RPT, _RPT)])

    return prop


def _make_deg():
    d = 128
    mesh = plsc.VectorSubcoreMesh(core_axis_name="c", subcore_axis_name="s")

    @functools.partial(
        pl.kernel,
        out_type=jax.ShapeDtypeStruct((_NC, _NP, d), jnp.float32),
        mesh=mesh,
        scratch_types=[
            pltpu.VMEM((_NCH, _C), jnp.int32),
            pltpu.VMEM((_C, d), jnp.float32),
            pltpu.VMEM_SHARED((_NP, d), jnp.float32),
        ],
    )
    def deg(dst_hbm, out_hbm, dst_v, ones_v, acc_sh):
        cid = lax.axis_index("c")
        sid = lax.axis_index("s")
        tid = cid * _NS + sid

        pltpu.sync_copy(dst_hbm.at[tid], dst_v)

        _zero_vmem_2d(ones_v, _C, d)
        for r in range(_RPT // _C):
            pltpu.sync_copy(ones_v, acc_sh.at[pl.ds(sid * _RPT + r * _C, _C)])

        one = jnp.ones((16,), jnp.float32)

        def fill(i, _):
            for j in range(d // 16):
                ones_v[i, pl.ds(j * 16, 16)] = one
            return 0

        lax.fori_loop(0, _C, fill, 0)
        plsc.subcore_barrier()

        def body(k, _):
            pltpu.sync_copy(ones_v, acc_sh.at[dst_v.at[k]], add=True)
            return 0

        lax.fori_loop(0, _NCH, body, 0)

        plsc.subcore_barrier()
        pltpu.sync_copy(acc_sh.at[pl.ds(sid * _RPT, _RPT)],
                        out_hbm.at[cid, pl.ds(sid * _RPT, _RPT)])

    return deg


_prop128 = _make_prop(_DH)
_deg_sc = _make_deg()



_BN_SCALE = 1.0 / (1.0 + _EPS) ** 0.5


def _mm_body(x_ref, w_ref, o_ref):
    o_ref[...] = jnp.dot(x_ref[...], w_ref[...],
                         preferred_element_type=jnp.float32)


def _mm1(x, w):
    return pl.pallas_call(
        _mm_body,
        grid=(_N // _ROW_BLK,),
        in_specs=[
            pl.BlockSpec((_ROW_BLK, _DH), lambda i: (i, 0)),
            pl.BlockSpec((_DH, _DH), lambda i: (0, 0)),
        ],
        out_specs=pl.BlockSpec((_ROW_BLK, _DH), lambda i: (i, 0)),
        out_shape=jax.ShapeDtypeStruct((_N, _DH), jnp.float32),
    )(x, w)


def _scale1_body(deg_ref, h_ref, dinv_ref, hp_ref, self_ref):
    deg = deg_ref[0, :, 0] + deg_ref[1, :, 0] + 2.0
    dinv = lax.rsqrt(deg)[:, None]
    h = h_ref[...]
    dinv_ref[...] = jnp.broadcast_to(dinv, h.shape)
    hp_ref[...] = dinv * h
    self_ref[...] = (2.0 * dinv * dinv) * h


def _scale1(deg16, h1):
    return pl.pallas_call(
        _scale1_body,
        grid=(_N // _ROW_BLK,),
        in_specs=[
            pl.BlockSpec((_NC, _ROW_BLK, _DH), lambda i: (0, i, 0)),
            pl.BlockSpec((_ROW_BLK, _DH), lambda i: (i, 0)),
        ],
        out_specs=[
            pl.BlockSpec((_ROW_BLK, _DH), lambda i: (i, 0)),
            pl.BlockSpec((_ROW_BLK, _DH), lambda i: (i, 0)),
            pl.BlockSpec((_ROW_BLK, _DH), lambda i: (i, 0)),
        ],
        out_shape=[
            jax.ShapeDtypeStruct((_N, _DH), jnp.float32),
            jax.ShapeDtypeStruct((_N, _DH), jnp.float32),
            jax.ShapeDtypeStruct((_N, _DH), jnp.float32),
        ],
    )(deg16, h1)


def _fuse_body(a_ref, self_ref, dinv_ref, w_ref, g_ref, be_ref,
               hp_ref, selfn_ref, *, dout):
    dinv = dinv_ref[...]
    t = dinv * (a_ref[0] + a_ref[1]) + self_ref[...]
    t = g_ref[...] * (t * _BN_SCALE) + be_ref[...]
    t = jnp.maximum(t, 0.0)
    h = jnp.dot(t, w_ref[...], preferred_element_type=jnp.float32)
    dv = dinv[:, :dout]
    hp_ref[...] = dv * h
    selfn_ref[...] = (2.0 * dv * dv) * h


def _fuse(a, self_prev, dinv, w, g, be, dout):
    return pl.pallas_call(
        functools.partial(_fuse_body, dout=dout),
        grid=(_N // _ROW_BLK,),
        in_specs=[
            pl.BlockSpec((_NC, _ROW_BLK, _DH), lambda i: (0, i, 0)),
            pl.BlockSpec((_ROW_BLK, _DH), lambda i: (i, 0)),
            pl.BlockSpec((_ROW_BLK, _DH), lambda i: (i, 0)),
            pl.BlockSpec((_DH, dout), lambda i: (0, 0)),
            pl.BlockSpec((1, _DH), lambda i: (0, 0)),
            pl.BlockSpec((1, _DH), lambda i: (0, 0)),
        ],
        out_specs=[
            pl.BlockSpec((_ROW_BLK, dout), lambda i: (i, 0)),
            pl.BlockSpec((_ROW_BLK, dout), lambda i: (i, 0)),
        ],
        out_shape=[
            jax.ShapeDtypeStruct((_N, dout), jnp.float32),
            jax.ShapeDtypeStruct((_N, dout), jnp.float32),
        ],
    )(a, self_prev, dinv, w, g, be)


def _final_body(a_ref, self_ref, dinv_ref, b_ref, o_ref):
    dv = dinv_ref[:, :_DOUT_PAD]
    t = dv * (a_ref[0] + a_ref[1]) + self_ref[...] + b_ref[...]
    col = lax.broadcasted_iota(jnp.int32, t.shape, 1)
    valid = col < _DOUT
    m = jnp.max(jnp.where(valid, t, -1e30), axis=1, keepdims=True)
    e = jnp.where(valid, jnp.exp(t - m), 0.0)
    lse = jnp.log(jnp.sum(e, axis=1, keepdims=True))
    o_ref[...] = t - m - lse


def _final(a3, self3, dinv, b3p):
    return pl.pallas_call(
        _final_body,
        grid=(_N // _ROW_BLK,),
        in_specs=[
            pl.BlockSpec((_NC, _ROW_BLK, _DOUT_PAD), lambda i: (0, i, 0)),
            pl.BlockSpec((_ROW_BLK, _DOUT_PAD), lambda i: (i, 0)),
            pl.BlockSpec((_ROW_BLK, _DH), lambda i: (i, 0)),
            pl.BlockSpec((1, _DOUT_PAD), lambda i: (0, 0)),
        ],
        out_specs=pl.BlockSpec((_ROW_BLK, _DOUT_PAD), lambda i: (i, 0)),
        out_shape=jax.ShapeDtypeStruct((_N, _DOUT_PAD), jnp.float32),
    )(a3, self3, dinv, b3p)


def kernel(x, edge_index, W1, W2, W3, b3, g1, be1, g2, be2):
    src = edge_index[0].reshape(_NW, _NCH, _C)
    dst = edge_index[1].reshape(_NW, _NCH, _C)
    w3p = jnp.pad(W3, ((0, 0), (0, _DOUT_PAD - _DOUT)))
    b3p = jnp.pad(b3, (0, _DOUT_PAD - _DOUT)).reshape(1, _DOUT_PAD)
    g1r = g1.reshape(1, _DH)
    be1r = be1.reshape(1, _DH)
    g2r = g2.reshape(1, _DH)
    be2r = be2.reshape(1, _DH)

    deg16 = _deg_sc(dst)
    h1 = _mm1(x, W1)
    dinv, h1p, self1 = _scale1(deg16, h1)
    a1 = _prop128(h1p, src, dst)
    h2p, self2 = _fuse(a1, self1, dinv, W2, g1r, be1r, _DH)
    a2 = _prop128(h2p, src, dst)
    h3p, self3 = _fuse(a2, self2, dinv, w3p, g2r, be2r, _DOUT_PAD)
    a3 = _prop128(h3p, src, dst)
    out = _final(a3, self3, dinv, b3p)
    return out[:, :_DOUT]

# --- scband reference (transcript-rebuilt; emitter-appended) ---
"""Pipeline reference for scband-qgcn-fp-85736137163009 (READ-ONLY COPY).

The authoritative reference and input builder live on the scoring server;
editing this copy changes nothing except your own understanding.
"""

import jax, jax.numpy as jnp
import numpy as np

N = 10000
E = 320000
DIN = 128
DH = 128
DOUT = 40
EPS = 1e-5


def setup_inputs(seed: int = 0) -> dict:
    key = jax.random.key(seed)
    ks = jax.random.split(key, 12)
    x = jax.random.normal(ks[0], (N, DIN), dtype=jnp.float32)
    edge_index = jax.random.randint(ks[1], (2, E), 0, N, dtype=jnp.int32)
    # GCN conv weights (PyG layout: [in, out]), glorot-ish init
    W1 = jax.random.normal(ks[2], (DIN, DH), dtype=jnp.float32) * (1.0 / np.sqrt(DIN))
    W2 = jax.random.normal(ks[3], (DH, DH), dtype=jnp.float32) * (1.0 / np.sqrt(DH))
    W3 = jax.random.normal(ks[4], (DH, DOUT), dtype=jnp.float32) * (1.0 / np.sqrt(DH))
    b3 = jnp.zeros((DOUT,), dtype=jnp.float32)
    # BatchNorm affine params (eval mode: running_mean=0, running_var=1)
    g1 = jnp.ones((DH,), dtype=jnp.float32)
    be1 = jnp.zeros((DH,), dtype=jnp.float32)
    g2 = jnp.ones((DH,), dtype=jnp.float32)
    be2 = jnp.zeros((DH,), dtype=jnp.float32)
    return {"x": x, "edge_index": edge_index, "W1": W1, "W2": W2, "W3": W3,
            "b3": b3, "g1": g1, "be1": be1, "g2": g2, "be2": be2}


def _gcn_conv(x, edge_index, W, b):
    # GCNConv with improved=True: A_hat = A + 2*I, out = D^{-1/2} A_hat D^{-1/2} X W
    src = edge_index[0]
    dst = edge_index[1]
    h = x @ W
    n = x.shape[0]
    deg = jax.ops.segment_sum(jnp.ones((src.shape[0],), dtype=x.dtype), dst,
                              num_segments=n) + 2.0
    dinv = jax.lax.rsqrt(deg)
    norm = dinv[src] * dinv[dst]
    msg = h[src] * norm[:, None]
    out = jax.ops.segment_sum(msg, dst, num_segments=n)
    # self-loop contribution with fill_value 2.0
    out = out + (2.0 * dinv * dinv)[:, None] * h
    if b is not None:
        out = out + b
    return out


def _bn_eval(h, gamma, beta):
    # BatchNorm1d in eval mode with running_mean=0, running_var=1
    return gamma * (h / jnp.sqrt(1.0 + EPS)) + beta


def reference(x, edge_index, W1, W2, W3, b3, g1, be1, g2, be2):
    h = _gcn_conv(x, edge_index, W1, None)
    h = _bn_eval(h, g1, be1)
    h = jax.nn.relu(h)
    # dropout is identity in eval mode
    h = _gcn_conv(h, edge_index, W2, None)
    h = _bn_eval(h, g2, be2)
    h = jax.nn.relu(h)
    out = _gcn_conv(h, edge_index, W3, b3)
    return jax.nn.log_softmax(out, axis=-1)

if __name__ == "__main__":
    import jax
    _d = setup_inputs()
    print(jax.jit(kernel)(*tuple(_d.values())))

</pallas_src>

<mosaic_0001>
#map = affine_map<(d0, d1) -> (0, 0, 0)>
module attributes {stable_mosaic.version = 14 : i64} {
  func.func @deg(%arg0: i32, %arg1: i32, %arg2: memref<32x125x80xi32, #tpu.memory_space<hbm>>, %arg3: memref<2x10240x128xf32, #tpu.memory_space<hbm>>, %arg4: memref<125x80xi32, #tpu.memory_space<vmem>>, %arg5: memref<80x128xf32, #tpu.memory_space<vmem>>, %arg6: memref<10240x128xf32, #tpu.memory_space<vmem_shared>>) attributes {dimension_semantics = [#tpu.dimension_semantics<core_parallel>, #tpu.dimension_semantics<subcore_parallel>], iteration_bounds = array<i64: 2, 16>, scalar_prefetch = 0 : i64, scratch_operands = 3 : i64, tpu.core_type = #tpu.core_type<sc_vector_subcore>, window_params = [{transform_indices = #map}, {transform_indices = #map}]} {
    %mul3A = arith.constant 16 : i32
    %mul3A_0 = arith.muli %arg0, %mul3A : i32
    %add3A = arith.addi %mul3A_0, %arg1 : i32
    "tpu.region"() ({
      %run_scoped3A = tpu.sem_alloc : memref<!tpu.dma_semaphore, #tpu.memory_space<semaphore_mem>>
      %dma_start3A = arith.constant 0 : i32
      %dma_start3A_61 = arith.constant 0 : i32
      %dma_start3A_62 = tpu.memref_slice %arg2[%add3A, %dma_start3A, %dma_start3A_61] : memref<32x125x80xi32, #tpu.memory_space<hbm>> -> memref<1x125x80xi32, #tpu.memory_space<hbm>>
      %dma_start3A_63 = tpu.memref_squeeze %dma_start3A_62 : memref<1x125x80xi32, #tpu.memory_space<hbm>> -> memref<125x80xi32, #tpu.memory_space<hbm>>
      %dma_start3A_64 = arith.constant 0 : i32
      %dma_start3A_65 = arith.constant 0 : i32
      %dma_start3A_66 = tpu.memref_slice %arg2[%add3A, %dma_start3A_64, %dma_start3A_65] : memref<32x125x80xi32, #tpu.memory_space<hbm>> -> memref<1x125x80xi32, #tpu.memory_space<hbm>>
      %dma_start3A_67 = tpu.memref_squeeze %dma_start3A_66 : memref<1x125x80xi32, #tpu.memory_space<hbm>> -> memref<125x80xi32, #tpu.memory_space<hbm>>
      tpu.enqueue_dma source(%dma_start3A_67 : memref<125x80xi32, #tpu.memory_space<hbm>>) target(%arg4 : memref<125x80xi32, #tpu.memory_space<vmem>>) target_semaphore(%run_scoped3A : memref<!tpu.dma_semaphore, #tpu.memory_space<semaphore_mem>>)
      %dma_wait3A = arith.constant 0 : i32
      %dma_wait3A_68 = arith.constant 0 : i32
      %dma_wait3A_69 = tpu.memref_slice %arg2[%add3A, %dma_wait3A, %dma_wait3A_68] : memref<32x125x80xi32, #tpu.memory_space<hbm>> -> memref<1x125x80xi32, #tpu.memory_space<hbm>>
      %dma_wait3A_70 = tpu.memref_squeeze %dma_wait3A_69 : memref<1x125x80xi32, #tpu.memory_space<hbm>> -> memref<125x80xi32, #tpu.memory_space<hbm>>
      %dma_wait3A_71 = arith.constant 0 : i32
      %dma_wait3A_72 = arith.constant 0 : i32
      %dma_wait3A_73 = tpu.memref_slice %arg2[%add3A, %dma_wait3A_71, %dma_wait3A_72] : memref<32x125x80xi32, #tpu.memory_space<hbm>> -> memref<1x125x80xi32, #tpu.memory_space<hbm>>
      %dma_wait3A_74 = tpu.memref_squeeze %dma_wait3A_73 : memref<1x125x80xi32, #tpu.memory_space<hbm>> -> memref<125x80xi32, #tpu.memory_space<hbm>>
      tpu.wait_dma2 semaphore(%run_scoped3A : memref<!tpu.dma_semaphore, #tpu.memory_space<semaphore_mem>>) src(%dma_wait3A_74 : memref<125x80xi32, #tpu.memory_space<hbm>>) dst(%arg4 : memref<125x80xi32, #tpu.memory_space<vmem>>)
      tpu.yield
    }) : () -> ()
    %broadcast_in_dim3A = arith.constant 0.000000e+00 : f32
    %broadcast_in_dim3A_1 = vector.broadcast %broadcast_in_dim3A : f32 to vector<16xf32>
    %scan3A = arith.constant 0 : i32
    %scan3A_2 = arith.constant 0 : i32
    %scan3A_3 = arith.constant 80 : i32
    %scan3A_4 = arith.addi %scan3A_2, %scan3A_3 : i32
    %scan3A_5 = arith.constant 1 : i32
    %scan3A_6 = scf.for %scan3A_61 = %scan3A_2 to %scan3A_4 step %scan3A_5 iter_args(%scan3A_62 = %scan3A) -> (i32)  : i32 {
      %swap3A = arith.index_cast %scan3A_61 : i32 to index
      %swap3A_63 = arith.constant 0 : index
      %swap3A_64 = tpu.vector_load %arg5[%swap3A, %swap3A_63] {strides = array<i32>} : memref<80x128xf32, #tpu.memory_space<vmem>>, vector<1x16xf32>,
      %swap3A_65 = vector.shape_cast %swap3A_64 : vector<1x16xf32> to vector<16xf32>
      %swap3A_66 = vector.shape_cast %broadcast_in_dim3A_1 : vector<16xf32> to vector<1x16xf32>
      tpu.vector_store %arg5[%swap3A, %swap3A_63], %swap3A_66 {strides = array<i32>} : memref<80x128xf32, #tpu.memory_space<vmem>>, vector<1x16xf32>,
      %swap3A_67 = arith.index_cast %scan3A_61 : i32 to index
      %swap3A_68 = arith.constant 16 : index
      %swap3A_69 = tpu.vector_load %arg5[%swap3A_67, %swap3A_68] {strides = array<i32>} : memref<80x128xf32, #tpu.memory_space<vmem>>, vector<1x16xf32>,
      %swap3A_70 = vector.shape_cast %swap3A_69 : vector<1x16xf32> to vector<16xf32>
      %swap3A_71 = vector.shape_cast %broadcast_in_dim3A_1 : vector<16xf32> to vector<1x16xf32>
      tpu.vector_store %arg5[%swap3A_67, %swap3A_68], %swap3A_71 {strides = array<i32>} : memref<80x128xf32, #tpu.memory_space<vmem>>, vector<1x16xf32>,
      %swap3A_72 = arith.index_cast %scan3A_61 : i32 to index
      %swap3A_73 = arith.constant 32 : index
      %swap3A_74 = tpu.vector_load %arg5[%swap3A_72, %swap3A_73] {strides = array<i32>} : memref<80x128xf32, #tpu.memory_space<vmem>>, vector<1x16xf32>,
      %swap3A_75 = vector.shape_cast %swap3A_74 : vector<1x16xf32> to vector<16xf32>
      %swap3A_76 = vector.shape_cast %broadcast_in_dim3A_1 : vector<16xf32> to vector<1x16xf32>
      tpu.vector_store %arg5[%swap3A_72, %swap3A_73], %swap3A_76 {strides = array<i32>} : memref<80x128xf32, #tpu.memory_space<vmem>>, vector<1x16xf32>,
      %swap3A_77 = arith.index_cast %scan3A_61 : i32 to index
      %swap3A_78 = arith.constant 48 : index
      %swap3A_79 = tpu.vector_load %arg5[%swap3A_77, %swap3A_78] {strides = array<i32>} : memref<80x128xf32, #tpu.memory_space<vmem>>, vector<1x16xf32>,
      %swap3A_80 = vector.shape_cast %swap3A_79 : vector<1x16xf32> to vector<16xf32>
      %swap3A_81 = vector.shape_cast %broadcast_in_dim3A_1 : vector<16xf32> to vector<1x16xf32>
      tpu.vector_store %arg5[%swap3A_77, %swap3A_78], %swap3A_81 {strides = array<i32>} : memref<80x128xf32, #tpu.memory_space<vmem>>, vector<1x16xf32>,
      %swap3A_82 = arith.index_cast %scan3A_61 : i32 to index
      %swap3A_83 = arith.constant 64 : index
      %swap3A_84 = tpu.vector_load %arg5[%swap3A_82, %swap3A_83] {strides = array<i32>} : memref<80x128xf32, #tpu.memory_space<vmem>>, vector<1x16xf32>,
      %swap3A_85 = vector.shape_cast %swap3A_84 : vector<1x16xf32> to vector<16xf32>
      %swap3A_86 = vector.shape_cast %broadcast_in_dim3A_1 : vector<16xf32> to vector<1x16xf32>
      tpu.vector_store %arg5[%swap3A_82, %swap3A_83], %swap3A_86 {strides = array<i32>} : memref<80x128xf32, #tpu.memory_space<vmem>>, vector<1x16xf32>,
      %swap3A_87 = arith.index_cast %scan3A_61 : i32 to index
      %swap3A_88 = arith.constant 80 : index
      %swap3A_89 = tpu.vector_load %arg5[%swap3A_87, %swap3A_88] {strides = array<i32>} : memref<80x128xf32, #tpu.memory_space<vmem>>, vector<1x16xf32>,
      %swap3A_90 = vector.shape_cast %swap3A_89 : vector<1x16xf32> to vector<16xf32>
      %swap3A_91 = vector.shape_cast %broadcast_in_dim3A_1 : vector<16xf32> to vector<1x16xf32>
      tpu.vector_store %arg5[%swap3A_87, %swap3A_88], %swap3A_91 {strides = array<i32>} : memref<80x128xf32, #tpu.memory_space<vmem>>, vector<1x16xf32>,
      %swap3A_92 = arith.index_cast %scan3A_61 : i32 to index
      %swap3A_93 = arith.constant 96 : index
      %swap3A_94 = tpu.vector_load %arg5[%swap3A_92, %swap3A_93] {strides = array<i32>} : memref<80x128xf32, #tpu.memory_space<vmem>>, vector<1x16xf32>,
      %swap3A_95 = vector.shape_cast %swap3A_94 : vector<1x16xf32> to vector<16xf32>
      %swap3A_96 = vector.shape_cast %broadcast_in_dim3A_1 : vector<16xf32> to vector<1x16xf32>
      tpu.vector_store %arg5[%swap3A_92, %swap3A_93], %swap3A_96 {strides = array<i32>} : memref<80x128xf32, #tpu.memory_space<vmem>>, vector<1x16xf32>,
      %swap3A_97 = arith.index_cast %scan3A_61 : i32 to index
      %swap3A_98 = arith.constant 112 : index
      %swap3A_99 = tpu.vector_load %arg5[%swap3A_97, %swap3A_98] {strides = array<i32>} : memref<80x128xf32, #tpu.memory_space<vmem>>, vector<1x16xf32>,
      %swap3A_100 = vector.shape_cast %swap3A_99 : vector<1x16xf32> to vector<16xf32>
      %swap3A_101 = vector.shape_cast %broadcast_in_dim3A_1 : vector<16xf32> to vector<1x16xf32>
      tpu.vector_store %arg5[%swap3A_97, %swap3A_98], %swap3A_101 {strides = array<i32>} : memref<80x128xf32, #tpu.memory_space<vmem>>, vector<1x16xf32>,
      %scan3A_102 = arith.constant 0 : i32
      scf.yield %scan3A_102 : i32
    }
    %scan3A_7 = arith.constant 80 : i32
    %mul3A_8 = arith.constant 640 : i32
    %mul3A_9 = arith.muli %arg1, %mul3A_8 : i32
    %add3A_10 = arith.constant 0 : i32
    %add3A_11 = arith.addi %mul3A_9, %add3A_10 : i32
    "tpu.region"() ({
      %run_scoped3A = tpu.sem_alloc : memref<!tpu.dma_semaphore, #tpu.memory_space<semaphore_mem>>
      %dma_start3A = arith.constant 0 : i32
      %dma_start3A_61 = tpu.memref_slice %arg6[%add3A_11, %dma_start3A] : memref<10240x128xf32, #tpu.memory_space<vmem_shared>> -> memref<80x128xf32, #tpu.memory_space<vmem_shared>>
      %dma_start3A_62 = arith.constant 0 : i32
      %dma_start3A_63 = tpu.memref_slice %arg6[%add3A_11, %dma_start3A_62] : memref<10240x128xf32, #tpu.memory_space<vmem_shared>> -> memref<80x128xf32, #tpu.memory_space<vmem_shared>>
      tpu.enqueue_dma source(%arg5 : memref<80x128xf32, #tpu.memory_space<vmem>>) target(%dma_start3A_63 : memref<80x128xf32, #tpu.memory_space<vmem_shared>>) target_semaphore(%run_scoped3A : memref<!tpu.dma_semaphore, #tpu.memory_space<semaphore_mem>>)
      %dma_wait3A = arith.constant 0 : i32
      %dma_wait3A_64 = tpu.memref_slice %arg6[%add3A_11, %dma_wait3A] : memref<10240x128xf32, #tpu.memory_space<vmem_shared>> -> memref<80x128xf32, #tpu.memory_space<vmem_shared>>
      %dma_wait3A_65 = arith.constant 0 : i32
      %dma_wait3A_66 = tpu.memref_slice %arg6[%add3A_11, %dma_wait3A_65] : memref<10240x128xf32, #tpu.memory_space<vmem_shared>> -> memref<80x128xf32, #tpu.memory_space<vmem_shared>>
      tpu.wait_dma2 semaphore(%run_scoped3A : memref<!tpu.dma_semaphore, #tpu.memory_space<semaphore_mem>>) src(%arg5 : memref<80x128xf32, #tpu.memory_space<vmem>>) dst(%dma_wait3A_66 : memref<80x128xf32, #tpu.memory_space<vmem_shared>>)
      tpu.yield
    }) : () -> ()
    %mul3A_12 = arith.constant 640 : i32
    %mul3A_13 = arith.muli %arg1, %mul3A_12 : i32
    %add3A_14 = arith.constant 80 : i32
    %add3A_15 = arith.addi %mul3A_13, %add3A_14 : i32
    "tpu.region"() ({
      %run_scoped3A = tpu.sem_alloc : memref<!tpu.dma_semaphore, #tpu.memory_space<semaphore_mem>>
      %dma_start3A = arith.constant 0 : i32
      %dma_start3A_61 = tpu.memref_slice %arg6[%add3A_15, %dma_start3A] : memref<10240x128xf32, #tpu.memory_space<vmem_shared>> -> memref<80x128xf32, #tpu.memory_space<vmem_shared>>
      %dma_start3A_62 = arith.constant 0 : i32
      %dma_start3A_63 = tpu.memref_slice %arg6[%add3A_15, %dma_start3A_62] : memref<10240x128xf32, #tpu.memory_space<vmem_shared>> -> memref<80x128xf32, #tpu.memory_space<vmem_shared>>
      tpu.enqueue_dma source(%arg5 : memref<80x128xf32, #tpu.memory_space<vmem>>) target(%dma_start3A_63 : memref<80x128xf32, #tpu.memory_space<vmem_shared>>) target_semaphore(%run_scoped3A : memref<!tpu.dma_semaphore, #tpu.memory_space<semaphore_mem>>)
      %dma_wait3A = arith.constant 0 : i32
      %dma_wait3A_64 = tpu.memref_slice %arg6[%add3A_15, %dma_wait3A] : memref<10240x128xf32, #tpu.memory_space<vmem_shared>> -> memref<80x128xf32, #tpu.memory_space<vmem_shared>>
      %dma_wait3A_65 = arith.constant 0 : i32
      %dma_wait3A_66 = tpu.memref_slice %arg6[%add3A_15, %dma_wait3A_65] : memref<10240x128xf32, #tpu.memory_space<vmem_shared>> -> memref<80x128xf32, #tpu.memory_space<vmem_shared>>
      tpu.wait_dma2 semaphore(%run_scoped3A : memref<!tpu.dma_semaphore, #tpu.memory_space<semaphore_mem>>) src(%arg5 : memref<80x128xf32, #tpu.memory_space<vmem>>) dst(%dma_wait3A_66 : memref<80x128xf32, #tpu.memory_space<vmem_shared>>)
      tpu.yield
    }) : () -> ()
    %mul3A_16 = arith.constant 640 : i32
    %mul3A_17 = arith.muli %arg1, %mul3A_16 : i32
    %add3A_18 = arith.constant 160 : i32
    %add3A_19 = arith.addi %mul3A_17, %add3A_18 : i32
    "tpu.region"() ({
      %run_scoped3A = tpu.sem_alloc : memref<!tpu.dma_semaphore, #tpu.memory_space<semaphore_mem>>
      %dma_start3A = arith.constant 0 : i32
      %dma_start3A_61 = tpu.memref_slice %arg6[%add3A_19, %dma_start3A] : memref<10240x128xf32, #tpu.memory_space<vmem_shared>> -> memref<80x128xf32, #tpu.memory_space<vmem_shared>>
      %dma_start3A_62 = arith.constant 0 : i32
      %dma_start3A_63 = tpu.memref_slice %arg6[%add3A_19, %dma_start3A_62] : memref<10240x128xf32, #tpu.memory_space<vmem_shared>> -> memref<80x128xf32, #tpu.memory_space<vmem_shared>>
      tpu.enqueue_dma source(%arg5 : memref<80x128xf32, #tpu.memory_space<vmem>>) target(%dma_start3A_63 : memref<80x128xf32, #tpu.memory_space<vmem_shared>>) target_semaphore(%run_scoped3A : memref<!tpu.dma_semaphore, #tpu.memory_space<semaphore_mem>>)
      %dma_wait3A = arith.constant 0 : i32
      %dma_wait3A_64 = tpu.memref_slice %arg6[%add3A_19, %dma_wait3A] : memref<10240x128xf32, #tpu.memory_space<vmem_shared>> -> memref<80x128xf32, #tpu.memory_space<vmem_shared>>
      %dma_wait3A_65 = arith.constant 0 : i32
      %dma_wait3A_66 = tpu.memref_slice %arg6[%add3A_19, %dma_wait3A_65] : memref<10240x128xf32, #tpu.memory_space<vmem_shared>> -> memref<80x128xf32, #tpu.memory_space<vmem_shared>>
      tpu.wait_dma2 semaphore(%run_scoped3A : memref<!tpu.dma_semaphore, #tpu.memory_space<semaphore_mem>>) src(%arg5 : memref<80x128xf32, #tpu.memory_space<vmem>>) dst(%dma_wait3A_66 : memref<80x128xf32, #tpu.memory_space<vmem_shared>>)
      tpu.yield
    }) : () -> ()
    %mul3A_20 = arith.constant 640 : i32
    %mul3A_21 = arith.muli %arg1, %mul3A_20 : i32
    %add3A_22 = arith.constant 240 : i32
    %add3A_23 = arith.addi %mul3A_21, %add3A_22 : i32
    "tpu.region"() ({
      %run_scoped3A = tpu.sem_alloc : memref<!tpu.dma_semaphore, #tpu.memory_space<semaphore_mem>>
      %dma_start3A = arith.constant 0 : i32
      %dma_start3A_61 = tpu.memref_slice %arg6[%add3A_23, %dma_start3A] : memref<10240x128xf32, #tpu.memory_space<vmem_shared>> -> memref<80x128xf32, #tpu.memory_space<vmem_shared>>
      %dma_start3A_62 = arith.constant 0 : i32
      %dma_start3A_63 = tpu.memref_slice %arg6[%add3A_23, %dma_start3A_62] : memref<10240x128xf32, #tpu.memory_space<vmem_shared>> -> memref<80x128xf32, #tpu.memory_space<vmem_shared>>
      tpu.enqueue_dma source(%arg5 : memref<80x128xf32, #tpu.memory_space<vmem>>) target(%dma_start3A_63 : memref<80x128xf32, #tpu.memory_space<vmem_shared>>) target_semaphore(%run_scoped3A : memref<!tpu.dma_semaphore, #tpu.memory_space<semaphore_mem>>)
      %dma_wait3A = arith.constant 0 : i32
      %dma_wait3A_64 = tpu.memref_slice %arg6[%add3A_23, %dma_wait3A] : memref<10240x128xf32, #tpu.memory_space<vmem_shared>> -> memref<80x128xf32, #tpu.memory_space<vmem_shared>>
      %dma_wait3A_65 = arith.constant 0 : i32
      %dma_wait3A_66 = tpu.memref_slice %arg6[%add3A_23, %dma_wait3A_65] : memref<10240x128xf32, #tpu.memory_space<vmem_shared>> -> memref<80x128xf32, #tpu.memory_space<vmem_shared>>
      tpu.wait_dma2 semaphore(%run_scoped3A : memref<!tpu.dma_semaphore, #tpu.memory_space<semaphore_mem>>) src(%arg5 : memref<80x128xf32, #tpu.memory_space<vmem>>) dst(%dma_wait3A_66 : memref<80x128xf32, #tpu.memory_space<vmem_shared>>)
      tpu.yield
    }) : () -> ()
    %mul3A_24 = arith.constant 640 : i32
    %mul3A_25 = arith.muli %arg1, %mul3A_24 : i32
    %add3A_26 = arith.constant 320 : i32
    %add3A_27 = arith.addi %mul3A_25, %add3A_26 : i32
    "tpu.region"() ({
      %run_scoped3A = tpu.sem_alloc : memref<!tpu.dma_semaphore, #tpu.memory_space<semaphore_mem>>
      %dma_start3A = arith.constant 0 : i32
      %dma_start3A_61 = tpu.memref_slice %arg6[%add3A_27, %dma_start3A] : memref<10240x128xf32, #tpu.memory_space<vmem_shared>> -> memref<80x128xf32, #tpu.memory_space<vmem_shared>>
      %dma_start3A_62 = arith.constant 0 : i32
      %dma_start3A_63 = tpu.memref_slice %arg6[%add3A_27, %dma_start3A_62] : memref<10240x128xf32, #tpu.memory_space<vmem_shared>> -> memref<80x128xf32, #tpu.memory_space<vmem_shared>>
      tpu.enqueue_dma source(%arg5 : memref<80x128xf32, #tpu.memory_space<vmem>>) target(%dma_start3A_63 : memref<80x128xf32, #tpu.memory_space<vmem_shared>>) target_semaphore(%run_scoped3A : memref<!tpu.dma_semaphore, #tpu.memory_space<semaphore_mem>>)
      %dma_wait3A = arith.constant 0 : i32
      %dma_wait3A_64 = tpu.memref_slice %arg6[%add3A_27, %dma_wait3A] : memref<10240x128xf32, #tpu.memory_space<vmem_shared>> -> memref<80x128xf32, #tpu.memory_space<vmem_shared>>
      %dma_wait3A_65 = arith.constant 0 : i32
      %dma_wait3A_66 = tpu.memref_slice %arg6[%add3A_27, %dma_wait3A_65] : memref<10240x128xf32, #tpu.memory_space<vmem_shared>> -> memref<80x128xf32, #tpu.memory_space<vmem_shared>>
      tpu.wait_dma2 semaphore(%run_scoped3A : memref<!tpu.dma_semaphore, #tpu.memory_space<semaphore_mem>>) src(%arg5 : memref<80x128xf32, #tpu.memory_space<vmem>>) dst(%dma_wait3A_66 : memref<80x128xf32, #tpu.memory_space<vmem_shared>>)
      tpu.yield
    }) : () -> ()
    %mul3A_28 = arith.constant 640 : i32
    %mul3A_29 = arith.muli %arg1, %mul3A_28 : i32
    %add3A_30 = arith.constant 400 : i32
    %add3A_31 = arith.addi %mul3A_29, %add3A_30 : i32
    "tpu.region"() ({
      %run_scoped3A = tpu.sem_alloc : memref<!tpu.dma_semaphore, #tpu.memory_space<semaphore_mem>>
      %dma_start3A = arith.constant 0 : i32
      %dma_start3A_61 = tpu.memref_slice %arg6[%add3A_31, %dma_start3A] : memref<10240x128xf32, #tpu.memory_space<vmem_shared>> -> memref<80x128xf32, #tpu.memory_space<vmem_shared>>
      %dma_start3A_62 = arith.constant 0 : i32
      %dma_start3A_63 = tpu.memref_slice %arg6[%add3A_31, %dma_start3A_62] : memref<10240x128xf32, #tpu.memory_space<vmem_shared>> -> memref<80x128xf32, #tpu.memory_space<vmem_shared>>
      tpu.enqueue_dma source(%arg5 : memref<80x128xf32, #tpu.memory_space<vmem>>) target(%dma_start3A_63 : memref<80x128xf32, #tpu.memory_space<vmem_shared>>) target_semaphore(%run_scoped3A : memref<!tpu.dma_semaphore, #tpu.memory_space<semaphore_mem>>)
      %dma_wait3A = arith.constant 0 : i32
      %dma_wait3A_64 = tpu.memref_slice %arg6[%add3A_31, %dma_wait3A] : memref<10240x128xf32, #tpu.memory_space<vmem_shared>> -> memref<80x128xf32, #tpu.memory_space<vmem_shared>>
      %dma_wait3A_65 = arith.constant 0 : i32
      %dma_wait3A_66 = tpu.memref_slice %arg6[%add3A_31, %dma_wait3A_65] : memref<10240x128xf32, #tpu.memory_space<vmem_shared>> -> memref<80x128xf32, #tpu.memory_space<vmem_shared>>
      tpu.wait_dma2 semaphore(%run_scoped3A : memref<!tpu.dma_semaphore, #tpu.memory_space<semaphore_mem>>) src(%arg5 : memref<80x128xf32, #tpu.memory_space<vmem>>) dst(%dma_wait3A_66 : memref<80x128xf32, #tpu.memory_space<vmem_shared>>)
      tpu.yield
    }) : () -> ()
    %mul3A_32 = arith.constant 640 : i32
    %mul3A_33 = arith.muli %arg1, %mul3A_32 : i32
    %add3A_34 = arith.constant 480 : i32
    %add3A_35 = arith.addi %mul3A_33, %add3A_34 : i32
    "tpu.region"() ({
      %run_scoped3A = tpu.sem_alloc : memref<!tpu.dma_semaphore, #tpu.memory_space<semaphore_mem>>
      %dma_start3A = arith.constant 0 : i32
      %dma_start3A_61 = tpu.memref_slice %arg6[%add3A_35, %dma_start3A] : memref<10240x128xf32, #tpu.memory_space<vmem_shared>> -> memref<80x128xf32, #tpu.memory_space<vmem_shared>>
      %dma_start3A_62 = arith.constant 0 : i32
      %dma_start3A_63 = tpu.memref_slice %arg6[%add3A_35, %dma_start3A_62] : memref<10240x128xf32, #tpu.memory_space<vmem_shared>> -> memref<80x128xf32, #tpu.memory_space<vmem_shared>>
      tpu.enqueue_dma source(%arg5 : memref<80x128xf32, #tpu.memory_space<vmem>>) target(%dma_start3A_63 : memref<80x128xf32, #tpu.memory_space<vmem_shared>>) target_semaphore(%run_scoped3A : memref<!tpu.dma_semaphore, #tpu.memory_space<semaphore_mem>>)
      %dma_wait3A = arith.constant 0 : i32
      %dma_wait3A_64 = tpu.memref_slice %arg6[%add3A_35, %dma_wait3A] : memref<10240x128xf32, #tpu.memory_space<vmem_shared>> -> memref<80x128xf32, #tpu.memory_space<vmem_shared>>
      %dma_wait3A_65 = arith.constant 0 : i32
      %dma_wait3A_66 = tpu.memref_slice %arg6[%add3A_35, %dma_wait3A_65] : memref<10240x128xf32, #tpu.memory_space<vmem_shared>> -> memref<80x128xf32, #tpu.memory_space<vmem_shared>>
      tpu.wait_dma2 semaphore(%run_scoped3A : memref<!tpu.dma_semaphore, #tpu.memory_space<semaphore_mem>>) src(%arg5 : memref<80x128xf32, #tpu.memory_space<vmem>>) dst(%dma_wait3A_66 : memref<80x128xf32, #tpu.memory_space<vmem_shared>>)
      tpu.yield
    }) : () -> ()
    %mul3A_36 = arith.constant 640 : i32
    %mul3A_37 = arith.muli %arg1, %mul3A_36 : i32
    %add3A_38 = arith.constant 560 : i32
    %add3A_39 = arith.addi %mul3A_37, %add3A_38 : i32
    "tpu.region"() ({
      %run_scoped3A = tpu.sem_alloc : memref<!tpu.dma_semaphore, #tpu.memory_space<semaphore_mem>>
      %dma_start3A = arith.constant 0 : i32
      %dma_start3A_61 = tpu.memref_slice %arg6[%add3A_39, %dma_start3A] : memref<10240x128xf32, #tpu.memory_space<vmem_shared>> -> memref<80x128xf32, #tpu.memory_space<vmem_shared>>
      %dma_start3A_62 = arith.constant 0 : i32
      %dma_start3A_63 = tpu.memref_slice %arg6[%add3A_39, %dma_start3A_62] : memref<10240x128xf32, #tpu.memory_space<vmem_shared>> -> memref<80x128xf32, #tpu.memory_space<vmem_shared>>
      tpu.enqueue_dma source(%arg5 : memref<80x128xf32, #tpu.memory_space<vmem>>) target(%dma_start3A_63 : memref<80x128xf32, #tpu.memory_space<vmem_shared>>) target_semaphore(%run_scoped3A : memref<!tpu.dma_semaphore, #tpu.memory_space<semaphore_mem>>)
      %dma_wait3A = arith.constant 0 : i32
      %dma_wait3A_64 = tpu.memref_slice %arg6[%add3A_39, %dma_wait3A] : memref<10240x128xf32, #tpu.memory_space<vmem_shared>> -> memref<80x128xf32, #tpu.memory_space<vmem_shared>>
      %dma_wait3A_65 = arith.constant 0 : i32
      %dma_wait3A_66 = tpu.memref_slice %arg6[%add3A_39, %dma_wait3A_65] : memref<10240x128xf32, #tpu.memory_space<vmem_shared>> -> memref<80x128xf32, #tpu.memory_space<vmem_shared>>
      tpu.wait_dma2 semaphore(%run_scoped3A : memref<!tpu.dma_semaphore, #tpu.memory_space<semaphore_mem>>) src(%arg5 : memref<80x128xf32, #tpu.memory_space<vmem>>) dst(%dma_wait3A_66 : memref<80x128xf32, #tpu.memory_space<vmem_shared>>)
      tpu.yield
    }) : () -> ()
    %broadcast_in_dim3A_40 = arith.constant 1.000000e+00 : f32
    %broadcast_in_dim3A_41 = vector.broadcast %broadcast_in_dim3A_40 : f32 to vector<16xf32>
    %scan3A_42 = arith.constant 0 : i32
    %scan3A_43 = arith.constant 0 : i32
    %scan3A_44 = arith.constant 80 : i32
    %scan3A_45 = arith.addi %scan3A_43, %scan3A_44 : i32
    %scan3A_46 = arith.constant 1 : i32
    %scan3A_47 = scf.for %scan3A_61 = %scan3A_43 to %scan3A_45 step %scan3A_46 iter_args(%scan3A_62 = %scan3A_42) -> (i32)  : i32 {
      %swap3A = arith.index_cast %scan3A_61 : i32 to index
      %swap3A_63 = arith.constant 0 : index
      %swap3A_64 = tpu.vector_load %arg5[%swap3A, %swap3A_63] {strides = array<i32>} : memref<80x128xf32, #tpu.memory_space<vmem>>, vector<1x16xf32>,
      %swap3A_65 = vector.shape_cast %swap3A_64 : vector<1x16xf32> to vector<16xf32>
      %swap3A_66 = vector.shape_cast %broadcast_in_dim3A_41 : vector<16xf32> to vector<1x16xf32>
      tpu.vector_store %arg5[%swap3A, %swap3A_63], %swap3A_66 {strides = array<i32>} : memref<80x128xf32, #tpu.memory_space<vmem>>, vector<1x16xf32>,
      %swap3A_67 = arith.index_cast %scan3A_61 : i32 to index
      %swap3A_68 = arith.constant 16 : index
      %swap3A_69 = tpu.vector_load %arg5[%swap3A_67, %swap3A_68] {strides = array<i32>} : memref<80x128xf32, #tpu.memory_space<vmem>>, vector<1x16xf32>,
      %swap3A_70 = vector.shape_cast %swap3A_69 : vector<1x16xf32> to vector<16xf32>
      %swap3A_71 = vector.shape_cast %broadcast_in_dim3A_41 : vector<16xf32> to vector<1x16xf32>
      tpu.vector_store %arg5[%swap3A_67, %swap3A_68], %swap3A_71 {strides = array<i32>} : memref<80x128xf32, #tpu.memory_space<vmem>>, vector<1x16xf32>,
      %swap3A_72 = arith.index_cast %scan3A_61 : i32 to index
      %swap3A_73 = arith.constant 32 : index
      %swap3A_74 = tpu.vector_load %arg5[%swap3A_72, %swap3A_73] {strides = array<i32>} : memref<80x128xf32, #tpu.memory_space<vmem>>, vector<1x16xf32>,
      %swap3A_75 = vector.shape_cast %swap3A_74 : vector<1x16xf32> to vector<16xf32>
      %swap3A_76 = vector.shape_cast %broadcast_in_dim3A_41 : vector<16xf32> to vector<1x16xf32>
      tpu.vector_store %arg5[%swap3A_72, %swap3A_73], %swap3A_76 {strides = array<i32>} : memref<80x128xf32, #tpu.memory_space<vmem>>, vector<1x16xf32>,
      %swap3A_77 = arith.index_cast %scan3A_61 : i32 to index
      %swap3A_78 = arith.constant 48 : index
      %swap3A_79 = tpu.vector_load %arg5[%swap3A_77, %swap3A_78] {strides = array<i32>} : memref<80x128xf32, #tpu.memory_space<vmem>>, vector<1x16xf32>,
      %swap3A_80 = vector.shape_cast %swap3A_79 : vector<1x16xf32> to vector<16xf32>
      %swap3A_81 = vector.shape_cast %broadcast_in_dim3A_41 : vector<16xf32> to vector<1x16xf32>
      tpu.vector_store %arg5[%swap3A_77, %swap3A_78], %swap3A_81 {strides = array<i32>} : memref<80x128xf32, #tpu.memory_space<vmem>>, vector<1x16xf32>,
      %swap3A_82 = arith.index_cast %scan3A_61 : i32 to index
      %swap3A_83 = arith.constant 64 : index
      %swap3A_84 = tpu.vector_load %arg5[%swap3A_82, %swap3A_83] {strides = array<i32>} : memref<80x128xf32, #tpu.memory_space<vmem>>, vector<1x16xf32>,
      %swap3A_85 = vector.shape_cast %swap3A_84 : vector<1x16xf32> to vector<16xf32>
      %swap3A_86 = vector.shape_cast %broadcast_in_dim3A_41 : vector<16xf32> to vector<1x16xf32>
      tpu.vector_store %arg5[%swap3A_82, %swap3A_83], %swap3A_86 {strides = array<i32>} : memref<80x128xf32, #tpu.memory_space<vmem>>, vector<1x16xf32>,
      %swap3A_87 = arith.index_cast %scan3A_61 : i32 to index
      %swap3A_88 = arith.constant 80 : index
      %swap3A_89 = tpu.vector_load %arg5[%swap3A_87, %swap3A_88] {strides = array<i32>} : memref<80x128xf32, #tpu.memory_space<vmem>>, vector<1x16xf32>,
      %swap3A_90 = vector.shape_cast %swap3A_89 : vector<1x16xf32> to vector<16xf32>
      %swap3A_91 = vector.shape_cast %broadcast_in_dim3A_41 : vector<16xf32> to vector<1x16xf32>
      tpu.vector_store %arg5[%swap3A_87, %swap3A_88], %swap3A_91 {strides = array<i32>} : memref<80x128xf32, #tpu.memory_space<vmem>>, vector<1x16xf32>,
      %swap3A_92 = arith.index_cast %scan3A_61 : i32 to index
      %swap3A_93 = arith.constant 96 : index
      %swap3A_94 = tpu.vector_load %arg5[%swap3A_92, %swap3A_93] {strides = array<i32>} : memref<80x128xf32, #tpu.memory_space<vmem>>, vector<1x16xf32>,
      %swap3A_95 = vector.shape_cast %swap3A_94 : vector<1x16xf32> to vector<16xf32>
      %swap3A_96 = vector.shape_cast %broadcast_in_dim3A_41 : vector<16xf32> to vector<1x16xf32>
      tpu.vector_store %arg5[%swap3A_92, %swap3A_93], %swap3A_96 {strides = array<i32>} : memref<80x128xf32, #tpu.memory_space<vmem>>, vector<1x16xf32>,
      %swap3A_97 = arith.index_cast %scan3A_61 : i32 to index
      %swap3A_98 = arith.constant 112 : index
      %swap3A_99 = tpu.vector_load %arg5[%swap3A_97, %swap3A_98] {strides = array<i32>} : memref<80x128xf32, #tpu.memory_space<vmem>>, vector<1x16xf32>,
      %swap3A_100 = vector.shape_cast %swap3A_99 : vector<1x16xf32> to vector<16xf32>
      %swap3A_101 = vector.shape_cast %broadcast_in_dim3A_41 : vector<16xf32> to vector<1x16xf32>
      tpu.vector_store %arg5[%swap3A_97, %swap3A_98], %swap3A_101 {strides = array<i32>} : memref<80x128xf32, #tpu.memory_space<vmem>>, vector<1x16xf32>,
      %scan3A_102 = arith.constant 0 : i32
      scf.yield %scan3A_102 : i32
    }
    %scan3A_48 = arith.constant 80 : i32
    %barrier3A = arith.constant 0 : index
    tpu.barrier barrier_id(%barrier3A)
    %scan3A_49 = arith.constant 0 : i32
    %scan3A_50 = arith.constant 0 : i32
    %scan3A_51 = arith.constant 125 : i32
    %scan3A_52 = arith.addi %scan3A_50, %scan3A_51 : i32
    %scan3A_53 = arith.constant 1 : i32
    %scan3A_54 = scf.for %scan3A_61 = %scan3A_50 to %scan3A_52 step %scan3A_53 iter_args(%scan3A_62 = %scan3A_49) -> (i32)  : i32 {
      "tpu.region"() ({
        %run_scoped3A = tpu.sem_alloc : memref<!tpu.dma_semaphore, #tpu.memory_space<semaphore_mem>>
        %dma_start3A = arith.constant 0 : i32
        %dma_start3A_64 = tpu.memref_slice %arg4[%scan3A_61, %dma_start3A] : memref<125x80xi32, #tpu.memory_space<vmem>> -> memref<1x80xi32, #tpu.memory_space<vmem>>
        %dma_start3A_65 = tpu.memref_squeeze %dma_start3A_64 : memref<1x80xi32, #tpu.memory_space<vmem>> -> memref<80xi32, #tpu.memory_space<vmem>>
        %dma_start3A_66 = arith.constant 0 : i32
        %dma_start3A_67 = arith.constant 0 : i32
        %dma_start3A_68 = tpu.memref_slice %arg6[%dma_start3A_66, %dma_start3A_67] : memref<10240x128xf32, #tpu.memory_space<vmem_shared>> -> memref<10240x128xf32, #tpu.memory_space<vmem_shared>>
        tpu.enqueue_indirect_dma source(%arg5 : memref<80x128xf32, #tpu.memory_space<vmem>>) target(%dma_start3A_68 : memref<10240x128xf32, #tpu.memory_space<vmem_shared>>) offsets(%dma_start3A_65 : memref<80xi32, #tpu.memory_space<vmem>>) semaphore(%run_scoped3A : memref<!tpu.dma_semaphore, #tpu.memory_space<semaphore_mem>>) {add = true}
        %dma_wait3A = arith.constant 0 : i32
        %dma_wait3A_69 = tpu.memref_slice %arg4[%scan3A_61, %dma_wait3A] : memref<125x80xi32, #tpu.memory_space<vmem>> -> memref<1x80xi32, #tpu.memory_space<vmem>>
        %dma_wait3A_70 = tpu.memref_squeeze %dma_wait3A_69 : memref<1x80xi32, #tpu.memory_space<vmem>> -> memref<80xi32, #tpu.memory_space<vmem>>
        %dma_wait3A_71 = arith.constant 0 : i32
        %dma_wait3A_72 = arith.constant 0 : i32
        %dma_wait3A_73 = tpu.memref_slice %arg6[%dma_wait3A_71, %dma_wait3A_72] : memref<10240x128xf32, #tpu.memory_space<vmem_shared>> -> memref<10240x128xf32, #tpu.memory_space<vmem_shared>>
        tpu.wait_indirect_dma semaphore(%run_scoped3A : memref<!tpu.dma_semaphore, #tpu.memory_space<semaphore_mem>>) src(%arg5 : memref<80x128xf32, #tpu.memory_space<vmem>>) dst(%dma_wait3A_73 : memref<10240x128xf32, #tpu.memory_space<vmem_shared>>)
        tpu.yield
      }) : () -> ()
      %scan3A_63 = arith.constant 0 : i32
      scf.yield %scan3A_63 : i32
    }
    %scan3A_55 = arith.constant 125 : i32
    %barrier3A_56 = arith.constant 0 : index
    tpu.barrier barrier_id(%barrier3A_56)
    %mul3A_57 = arith.constant 640 : i32
    %mul3A_58 = arith.muli %arg1, %mul3A_57 : i32
    %mul3A_59 = arith.constant 640 : i32
    %mul3A_60 = arith.muli %arg1, %mul3A_59 : i32
    "tpu.region"() ({
      %run_scoped3A = tpu.sem_alloc : memref<!tpu.dma_semaphore, #tpu.memory_space<semaphore_mem>>
      %dma_start3A = arith.constant 0 : i32
      %dma_start3A_61 = tpu.memref_slice %arg3[%arg0, %mul3A_60, %dma_start3A] : memref<2x10240x128xf32, #tpu.memory_space<hbm>> -> memref<1x640x128xf32, #tpu.memory_space<hbm>>
      %dma_start3A_62 = tpu.memref_squeeze %dma_start3A_61 : memref<1x640x128xf32, #tpu.memory_space<hbm>> -> memref<640x128xf32, #tpu.memory_space<hbm>>
      %dma_start3A_63 = arith.constant 0 : i32
      %dma_start3A_64 = tpu.memref_slice %arg6[%mul3A_58, %dma_start3A_63] : memref<10240x128xf32, #tpu.memory_space<vmem_shared>> -> memref<640x128xf32, #tpu.memory_space<vmem_shared>>
      tpu.enqueue_dma source(%dma_start3A_64 : memref<640x128xf32, #tpu.memory_space<vmem_shared>>) target(%dma_start3A_62 : memref<640x128xf32, #tpu.memory_space<hbm>>) target_semaphore(%run_scoped3A : memref<!tpu.dma_semaphore, #tpu.memory_space<semaphore_mem>>)
      %dma_wait3A = arith.constant 0 : i32
      %dma_wait3A_65 = tpu.memref_slice %arg3[%arg0, %mul3A_60, %dma_wait3A] : memref<2x10240x128xf32, #tpu.memory_space<hbm>> -> memref<1x640x128xf32, #tpu.memory_space<hbm>>
      %dma_wait3A_66 = tpu.memref_squeeze %dma_wait3A_65 : memref<1x640x128xf32, #tpu.memory_space<hbm>> -> memref<640x128xf32, #tpu.memory_space<hbm>>
      %dma_wait3A_67 = arith.constant 0 : i32
      %dma_wait3A_68 = tpu.memref_slice %arg6[%mul3A_58, %dma_wait3A_67] : memref<10240x128xf32, #tpu.memory_space<vmem_shared>> -> memref<640x128xf32, #tpu.memory_space<vmem_shared>>
      tpu.wait_dma2 semaphore(%run_scoped3A : memref<!tpu.dma_semaphore, #tpu.memory_space<semaphore_mem>>) src(%dma_wait3A_68 : memref<640x128xf32, #tpu.memory_space<vmem_shared>>) dst(%dma_wait3A_66 : memref<640x128xf32, #tpu.memory_space<hbm>>)
      tpu.yield
    }) : () -> ()
    return
  }
}

#map = affine_map<(d0, d1) -> (0, 0)>
#map1 = affine_map<(d0, d1) -> (0, 0, 0)>
module attributes {stable_mosaic.version = 14 : i64} {
  func.func @prop(%arg0: i32, %arg1: i32, %arg2: memref<10000x128xf32, #tpu.memory_space<hbm>>, %arg3: memref<32x125x80xi32, #tpu.memory_space<hbm>>, %arg4: memref<32x125x80xi32, #tpu.memory_space<hbm>>, %arg5: memref<2x10240x128xf32, #tpu.memory_space<hbm>>, %arg6: memref<125x80xi32, #tpu.memory_space<vmem>>, %arg7: memref<125x80xi32, #tpu.memory_space<vmem>>, %arg8: memref<80x128xf32, #tpu.memory_space<vmem>>, %arg9: memref<10240x128xf32, #tpu.memory_space<vmem_shared>>, %arg10: memref<!tpu.dma_semaphore, #tpu.memory_space<semaphore_mem>>) attributes {dimension_semantics = [#tpu.dimension_semantics<core_parallel>, #tpu.dimension_semantics<subcore_parallel>], iteration_bounds = array<i64: 2, 16>, scalar_prefetch = 0 : i64, scratch_operands = 5 : i64, tpu.core_type = #tpu.core_type<sc_vector_subcore>, window_params = [{transform_indices = #map}, {transform_indices = #map1}, {transform_indices = #map1}, {transform_indices = #map1}]} {
    %mul3A = arith.constant 16 : i32
    %mul3A_0 = arith.muli %arg0, %mul3A : i32
    %add3A = arith.addi %mul3A_0, %arg1 : i32
    "tpu.region"() ({
      %run_scoped3A = tpu.sem_alloc : memref<!tpu.dma_semaphore, #tpu.memory_space<semaphore_mem>>
      %dma_start3A = arith.constant 0 : i32
      %dma_start3A_52 = arith.constant 0 : i32
      %dma_start3A_53 = tpu.memref_slice %arg3[%add3A, %dma_start3A, %dma_start3A_52] : memref<32x125x80xi32, #tpu.memory_space<hbm>> -> memref<1x125x80xi32, #tpu.memory_space<hbm>>
      %dma_start3A_54 = tpu.memref_squeeze %dma_start3A_53 : memref<1x125x80xi32, #tpu.memory_space<hbm>> -> memref<125x80xi32, #tpu.memory_space<hbm>>
      %dma_start3A_55 = arith.constant 0 : i32
      %dma_start3A_56 = arith.constant 0 : i32
      %dma_start3A_57 = tpu.memref_slice %arg3[%add3A, %dma_start3A_55, %dma_start3A_56] : memref<32x125x80xi32, #tpu.memory_space<hbm>> -> memref<1x125x80xi32, #tpu.memory_space<hbm>>
      %dma_start3A_58 = tpu.memref_squeeze %dma_start3A_57 : memref<1x125x80xi32, #tpu.memory_space<hbm>> -> memref<125x80xi32, #tpu.memory_space<hbm>>
      tpu.enqueue_dma source(%dma_start3A_58 : memref<125x80xi32, #tpu.memory_space<hbm>>) target(%arg6 : memref<125x80xi32, #tpu.memory_space<vmem>>) target_semaphore(%run_scoped3A : memref<!tpu.dma_semaphore, #tpu.memory_space<semaphore_mem>>)
      %dma_wait3A = arith.constant 0 : i32
      %dma_wait3A_59 = arith.constant 0 : i32
      %dma_wait3A_60 = tpu.memref_slice %arg3[%add3A, %dma_wait3A, %dma_wait3A_59] : memref<32x125x80xi32, #tpu.memory_space<hbm>> -> memref<1x125x80xi32, #tpu.memory_space<hbm>>
      %dma_wait3A_61 = tpu.memref_squeeze %dma_wait3A_60 : memref<1x125x80xi32, #tpu.memory_space<hbm>> -> memref<125x80xi32, #tpu.memory_space<hbm>>
      %dma_wait3A_62 = arith.constant 0 : i32
      %dma_wait3A_63 = arith.constant 0 : i32
      %dma_wait3A_64 = tpu.memref_slice %arg3[%add3A, %dma_wait3A_62, %dma_wait3A_63] : memref<32x125x80xi32, #tpu.memory_space<hbm>> -> memref<1x125x80xi32, #tpu.memory_space<hbm>>
      %dma_wait3A_65 = tpu.memref_squeeze %dma_wait3A_64 : memref<1x125x80xi32, #tpu.memory_space<hbm>> -> memref<125x80xi32, #tpu.memory_space<hbm>>
      tpu.wait_dma2 semaphore(%run_scoped3A : memref<!tpu.dma_semaphore, #tpu.memory_space<semaphore_mem>>) src(%dma_wait3A_65 : memref<125x80xi32, #tpu.memory_space<hbm>>) dst(%arg6 : memref<125x80xi32, #tpu.memory_space<vmem>>)
      tpu.yield
    }) : () -> ()
    "tpu.region"() ({
      %run_scoped3A = tpu.sem_alloc : memref<!tpu.dma_semaphore, #tpu.memory_space<semaphore_mem>>
      %dma_start3A = arith.constant 0 : i32
      %dma_start3A_52 = arith.constant 0 : i32
      %dma_start3A_53 = tpu.memref_slice %arg4[%add3A, %dma_start3A, %dma_start3A_52] : memref<32x125x80xi32, #tpu.memory_space<hbm>> -> memref<1x125x80xi32, #tpu.memory_space<hbm>>
      %dma_start3A_54 = tpu.memref_squeeze %dma_start3A_53 : memref<1x125x80xi32, #tpu.memory_space<hbm>> -> memref<125x80xi32, #tpu.memory_space<hbm>>
      %dma_start3A_55 = arith.constant 0 : i32
      %dma_start3A_56 = arith.constant 0 : i32
      %dma_start3A_57 = tpu.memref_slice %arg4[%add3A, %dma_start3A_55, %dma_start3A_56] : memref<32x125x80xi32, #tpu.memory_space<hbm>> -> memref<1x125x80xi32, #tpu.memory_space<hbm>>
      %dma_start3A_58 = tpu.memref_squeeze %dma_start3A_57 : memref<1x125x80xi32, #tpu.memory_space<hbm>> -> memref<125x80xi32, #tpu.memory_space<hbm>>
      tpu.enqueue_dma source(%dma_start3A_58 : memref<125x80xi32, #tpu.memory_space<hbm>>) target(%arg7 : memref<125x80xi32, #tpu.memory_space<vmem>>) target_semaphore(%run_scoped3A : memref<!tpu.dma_semaphore, #tpu.memory_space<semaphore_mem>>)
      %dma_wait3A = arith.constant 0 : i32
      %dma_wait3A_59 = arith.constant 0 : i32
      %dma_wait3A_60 = tpu.memref_slice %arg4[%add3A, %dma_wait3A, %dma_wait3A_59] : memref<32x125x80xi32, #tpu.memory_space<hbm>> -> memref<1x125x80xi32, #tpu.memory_space<hbm>>
      %dma_wait3A_61 = tpu.memref_squeeze %dma_wait3A_60 : memref<1x125x80xi32, #tpu.memory_space<hbm>> -> memref<125x80xi32, #tpu.memory_space<hbm>>
      %dma_wait3A_62 = arith.constant 0 : i32
      %dma_wait3A_63 = arith.constant 0 : i32
      %dma_wait3A_64 = tpu.memref_slice %arg4[%add3A, %dma_wait3A_62, %dma_wait3A_63] : memref<32x125x80xi32, #tpu.memory_space<hbm>> -> memref<1x125x80xi32, #tpu.memory_space<hbm>>
      %dma_wait3A_65 = tpu.memref_squeeze %dma_wait3A_64 : memref<1x125x80xi32, #tpu.memory_space<hbm>> -> memref<125x80xi32, #tpu.memory_space<hbm>>
      tpu.wait_dma2 semaphore(%run_scoped3A : memref<!tpu.dma_semaphore, #tpu.memory_space<semaphore_mem>>) src(%dma_wait3A_65 : memref<125x80xi32, #tpu.memory_space<hbm>>) dst(%arg7 : memref<125x80xi32, #tpu.memory_space<vmem>>)
      tpu.yield
    }) : () -> ()
    %broadcast_in_dim3A = arith.constant 0.000000e+00 : f32
    %broadcast_in_dim3A_1 = vector.broadcast %broadcast_in_dim3A : f32 to vector<16xf32>
    %scan3A = arith.constant 0 : i32
    %scan3A_2 = arith.constant 0 : i32
    %scan3A_3 = arith.constant 80 : i32
    %scan3A_4 = arith.addi %scan3A_2, %scan3A_3 : i32
    %scan3A_5 = arith.constant 1 : i32
    %scan3A_6 = scf.for %scan3A_52 = %scan3A_2 to %scan3A_4 step %scan3A_5 iter_args(%scan3A_53 = %scan3A) -> (i32)  : i32 {
      %swap3A = arith.index_cast %scan3A_52 : i32 to index
      %swap3A_54 = arith.constant 0 : index
      %swap3A_55 = tpu.vector_load %arg8[%swap3A, %swap3A_54] {strides = array<i32>} : memref<80x128xf32, #tpu.memory_space<vmem>>, vector<1x16xf32>,
      %swap3A_56 = vector.shape_cast %swap3A_55 : vector<1x16xf32> to vector<16xf32>
      %swap3A_57 = vector.shape_cast %broadcast_in_dim3A_1 : vector<16xf32> to vector<1x16xf32>
      tpu.vector_store %arg8[%swap3A, %swap3A_54], %swap3A_57 {strides = array<i32>} : memref<80x128xf32, #tpu.memory_space<vmem>>, vector<1x16xf32>,
      %swap3A_58 = arith.index_cast %scan3A_52 : i32 to index
      %swap3A_59 = arith.constant 16 : index
      %swap3A_60 = tpu.vector_load %arg8[%swap3A_58, %swap3A_59] {strides = array<i32>} : memref<80x128xf32, #tpu.memory_space<vmem>>, vector<1x16xf32>,
      %swap3A_61 = vector.shape_cast %swap3A_60 : vector<1x16xf32> to vector<16xf32>
      %swap3A_62 = vector.shape_cast %broadcast_in_dim3A_1 : vector<16xf32> to vector<1x16xf32>
      tpu.vector_store %arg8[%swap3A_58, %swap3A_59], %swap3A_62 {strides = array<i32>} : memref<80x128xf32, #tpu.memory_space<vmem>>, vector<1x16xf32>,
      %swap3A_63 = arith.index_cast %scan3A_52 : i32 to index
      %swap3A_64 = arith.constant 32 : index
      %swap3A_65 = tpu.vector_load %arg8[%swap3A_63, %swap3A_64] {strides = array<i32>} : memref<80x128xf32, #tpu.memory_space<vmem>>, vector<1x16xf32>,
      %swap3A_66 = vector.shape_cast %swap3A_65 : vector<1x16xf32> to vector<16xf32>
      %swap3A_67 = vector.shape_cast %broadcast_in_dim3A_1 : vector<16xf32> to vector<1x16xf32>
      tpu.vector_store %arg8[%swap3A_63, %swap3A_64], %swap3A_67 {strides = array<i32>} : memref<80x128xf32, #tpu.memory_space<vmem>>, vector<1x16xf32>,
      %swap3A_68 = arith.index_cast %scan3A_52 : i32 to index
      %swap3A_69 = arith.constant 48 : index
      %swap3A_70 = tpu.vector_load %arg8[%swap3A_68, %swap3A_69] {strides = array<i32>} : memref<80x128xf32, #tpu.memory_space<vmem>>, vector<1x16xf32>,
      %swap3A_71 = vector.shape_cast %swap3A_70 : vector<1x16xf32> to vector<16xf32>
      %swap3A_72 = vector.shape_cast %broadcast_in_dim3A_1 : vector<16xf32> to vector<1x16xf32>
      tpu.vector_store %arg8[%swap3A_68, %swap3A_69], %swap3A_72 {strides = array<i32>} : memref<80x128xf32, #tpu.memory_space<vmem>>, vector<1x16xf32>,
      %swap3A_73 = arith.index_cast %scan3A_52 : i32 to index
      %swap3A_74 = arith.constant 64 : index
      %swap3A_75 = tpu.vector_load %arg8[%swap3A_73, %swap3A_74] {strides = array<i32>} : memref<80x128xf32, #tpu.memory_space<vmem>>, vector<1x16xf32>,
      %swap3A_76 = vector.shape_cast %swap3A_75 : vector<1x16xf32> to vector<16xf32>
      %swap3A_77 = vector.shape_cast %broadcast_in_dim3A_1 : vector<16xf32> to vector<1x16xf32>
      tpu.vector_store %arg8[%swap3A_73, %swap3A_74], %swap3A_77 {strides = array<i32>} : memref<80x128xf32, #tpu.memory_space<vmem>>, vector<1x16xf32>,
      %swap3A_78 = arith.index_cast %scan3A_52 : i32 to index
      %swap3A_79 = arith.constant 80 : index
      %swap3A_80 = tpu.vector_load %arg8[%swap3A_78, %swap3A_79] {strides = array<i32>} : memref<80x128xf32, #tpu.memory_space<vmem>>, vector<1x16xf32>,
      %swap3A_81 = vector.shape_cast %swap3A_80 : vector<1x16xf32> to vector<16xf32>
      %swap3A_82 = vector.shape_cast %broadcast_in_dim3A_1 : vector<16xf32> to vector<1x16xf32>
      tpu.vector_store %arg8[%swap3A_78, %swap3A_79], %swap3A_82 {strides = array<i32>} : memref<80x128xf32, #tpu.memory_space<vmem>>, vector<1x16xf32>,
      %swap3A_83 = arith.index_cast %scan3A_52 : i32 to index
      %swap3A_84 = arith.constant 96 : index
      %swap3A_85 = tpu.vector_load %arg8[%swap3A_83, %swap3A_84] {strides = array<i32>} : memref<80x128xf32, #tpu.memory_space<vmem>>, vector<1x16xf32>,
      %swap3A_86 = vector.shape_cast %swap3A_85 : vector<1x16xf32> to vector<16xf32>
      %swap3A_87 = vector.shape_cast %broadcast_in_dim3A_1 : vector<16xf32> to vector<1x16xf32>
      tpu.vector_store %arg8[%swap3A_83, %swap3A_84], %swap3A_87 {strides = array<i32>} : memref<80x128xf32, #tpu.memory_space<vmem>>, vector<1x16xf32>,
      %swap3A_88 = arith.index_cast %scan3A_52 : i32 to index
      %swap3A_89 = arith.constant 112 : index
      %swap3A_90 = tpu.vector_load %arg8[%swap3A_88, %swap3A_89] {strides = array<i32>} : memref<80x128xf32, #tpu.memory_space<vmem>>, vector<1x16xf32>,
      %swap3A_91 = vector.shape_cast %swap3A_90 : vector<1x16xf32> to vector<16xf32>
      %swap3A_92 = vector.shape_cast %broadcast_in_dim3A_1 : vector<16xf32> to vector<1x16xf32>
      tpu.vector_store %arg8[%swap3A_88, %swap3A_89], %swap3A_92 {strides = array<i32>} : memref<80x128xf32, #tpu.memory_space<vmem>>, vector<1x16xf32>,
      %scan3A_93 = arith.constant 0 : i32
      scf.yield %scan3A_93 : i32
    }
    %scan3A_7 = arith.constant 80 : i32
    %mul3A_8 = arith.constant 640 : i32
    %mul3A_9 = arith.muli %arg1, %mul3A_8 : i32
    %add3A_10 = arith.constant 0 : i32
    %add3A_11 = arith.addi %mul3A_9, %add3A_10 : i32
    "tpu.region"() ({
      %run_scoped3A = tpu.sem_alloc : memref<!tpu.dma_semaphore, #tpu.memory_space<semaphore_mem>>
      %dma_start3A = arith.constant 0 : i32
      %dma_start3A_52 = tpu.memref_slice %arg9[%add3A_11, %dma_start3A] : memref<10240x128xf32, #tpu.memory_space<vmem_shared>> -> memref<80x128xf32, #tpu.memory_space<vmem_shared>>
      %dma_start3A_53 = arith.constant 0 : i32
      %dma_start3A_54 = tpu.memref_slice %arg9[%add3A_11, %dma_start3A_53] : memref<10240x128xf32, #tpu.memory_space<vmem_shared>> -> memref<80x128xf32, #tpu.memory_space<vmem_shared>>
      tpu.enqueue_dma source(%arg8 : memref<80x128xf32, #tpu.memory_space<vmem>>) target(%dma_start3A_54 : memref<80x128xf32, #tpu.memory_space<vmem_shared>>) target_semaphore(%run_scoped3A : memref<!tpu.dma_semaphore, #tpu.memory_space<semaphore_mem>>)
      %dma_wait3A = arith.constant 0 : i32
      %dma_wait3A_55 = tpu.memref_slice %arg9[%add3A_11, %dma_wait3A] : memref<10240x128xf32, #tpu.memory_space<vmem_shared>> -> memref<80x128xf32, #tpu.memory_space<vmem_shared>>
      %dma_wait3A_56 = arith.constant 0 : i32
      %dma_wait3A_57 = tpu.memref_slice %arg9[%add3A_11, %dma_wait3A_56] : memref<10240x128xf32, #tpu.memory_space<vmem_shared>> -> memref<80x128xf32, #tpu.memory_space<vmem_shared>>
      tpu.wait_dma2 semaphore(%run_scoped3A : memref<!tpu.dma_semaphore, #tpu.memory_space<semaphore_mem>>) src(%arg8 : memref<80x128xf32, #tpu.memory_space<vmem>>) dst(%dma_wait3A_57 : memref<80x128xf32, #tpu.memory_space<vmem_shared>>)
      tpu.yield
    }) : () -> ()
    %mul3A_12 = arith.constant 640 : i32
    %mul3A_13 = arith.muli %arg1, %mul3A_12 : i32
    %add3A_14 = arith.constant 80 : i32
    %add3A_15 = arith.addi %mul3A_13, %add3A_14 : i32
    "tpu.region"() ({
      %run_scoped3A = tpu.sem_alloc : memref<!tpu.dma_semaphore, #tpu.memory_space<semaphore_mem>>
      %dma_start3A = arith.constant 0 : i32
      %dma_start3A_52 = tpu.memref_slice %arg9[%add3A_15, %dma_start3A] : memref<10240x128xf32, #tpu.memory_space<vmem_shared>> -> memref<80x128xf32, #tpu.memory_space<vmem_shared>>
      %dma_start3A_53 = arith.constant 0 : i32
      %dma_start3A_54 = tpu.memref_slice %arg9[%add3A_15, %dma_start3A_53] : memref<10240x128xf32, #tpu.memory_space<vmem_shared>> -> memref<80x128xf32, #tpu.memory_space<vmem_shared>>
      tpu.enqueue_dma source(%arg8 : memref<80x128xf32, #tpu.memory_space<vmem>>) target(%dma_start3A_54 : memref<80x128xf32, #tpu.memory_space<vmem_shared>>) target_semaphore(%run_scoped3A : memref<!tpu.dma_semaphore, #tpu.memory_space<semaphore_mem>>)
      %dma_wait3A = arith.constant 0 : i32
      %dma_wait3A_55 = tpu.memref_slice %arg9[%add3A_15, %dma_wait3A] : memref<10240x128xf32, #tpu.memory_space<vmem_shared>> -> memref<80x128xf32, #tpu.memory_space<vmem_shared>>
      %dma_wait3A_56 = arith.constant 0 : i32
      %dma_wait3A_57 = tpu.memref_slice %arg9[%add3A_15, %dma_wait3A_56] : memref<10240x128xf32, #tpu.memory_space<vmem_shared>> -> memref<80x128xf32, #tpu.memory_space<vmem_shared>>
      tpu.wait_dma2 semaphore(%run_scoped3A : memref<!tpu.dma_semaphore, #tpu.memory_space<semaphore_mem>>) src(%arg8 : memref<80x128xf32, #tpu.memory_space<vmem>>) dst(%dma_wait3A_57 : memref<80x128xf32, #tpu.memory_space<vmem_shared>>)
      tpu.yield
    }) : () -> ()
    %mul3A_16 = arith.constant 640 : i32
    %mul3A_17 = arith.muli %arg1, %mul3A_16 : i32
    %add3A_18 = arith.constant 160 : i32
    %add3A_19 = arith.addi %mul3A_17, %add3A_18 : i32
    "tpu.region"() ({
      %run_scoped3A = tpu.sem_alloc : memref<!tpu.dma_semaphore, #tpu.memory_space<semaphore_mem>>
      %dma_start3A = arith.constant 0 : i32
      %dma_start3A_52 = tpu.memref_slice %arg9[%add3A_19, %dma_start3A] : memref<10240x128xf32, #tpu.memory_space<vmem_shared>> -> memref<80x128xf32, #tpu.memory_space<vmem_shared>>
      %dma_start3A_53 = arith.constant 0 : i32
      %dma_start3A_54 = tpu.memref_slice %arg9[%add3A_19, %dma_start3A_53] : memref<10240x128xf32, #tpu.memory_space<vmem_shared>> -> memref<80x128xf32, #tpu.memory_space<vmem_shared>>
      tpu.enqueue_dma source(%arg8 : memref<80x128xf32, #tpu.memory_space<vmem>>) target(%dma_start3A_54 : memref<80x128xf32, #tpu.memory_space<vmem_shared>>) target_semaphore(%run_scoped3A : memref<!tpu.dma_semaphore, #tpu.memory_space<semaphore_mem>>)
      %dma_wait3A = arith.constant 0 : i32
      %dma_wait3A_55 = tpu.memref_slice %arg9[%add3A_19, %dma_wait3A] : memref<10240x128xf32, #tpu.memory_space<vmem_shared>> -> memref<80x128xf32, #tpu.memory_space<vmem_shared>>
      %dma_wait3A_56 = arith.constant 0 : i32
      %dma_wait3A_57 = tpu.memref_slice %arg9[%add3A_19, %dma_wait3A_56] : memref<10240x128xf32, #tpu.memory_space<vmem_shared>> -> memref<80x128xf32, #tpu.memory_space<vmem_shared>>
      tpu.wait_dma2 semaphore(%run_scoped3A : memref<!tpu.dma_semaphore, #tpu.memory_space<semaphore_mem>>) src(%arg8 : memref<80x128xf32, #tpu.memory_space<vmem>>) dst(%dma_wait3A_57 : memref<80x128xf32, #tpu.memory_space<vmem_shared>>)
      tpu.yield
    }) : () -> ()
    %mul3A_20 = arith.constant 640 : i32
    %mul3A_21 = arith.muli %arg1, %mul3A_20 : i32
    %add3A_22 = arith.constant 240 : i32
    %add3A_23 = arith.addi %mul3A_21, %add3A_22 : i32
    "tpu.region"() ({
      %run_scoped3A = tpu.sem_alloc : memref<!tpu.dma_semaphore, #tpu.memory_space<semaphore_mem>>
      %dma_start3A = arith.constant 0 : i32
      %dma_start3A_52 = tpu.memref_slice %arg9[%add3A_23, %dma_start3A] : memref<10240x128xf32, #tpu.memory_space<vmem_shared>> -> memref<80x128xf32, #tpu.memory_space<vmem_shared>>
      %dma_start3A_53 = arith.constant 0 : i32
      %dma_start3A_54 = tpu.memref_slice %arg9[%add3A_23, %dma_start3A_53] : memref<10240x128xf32, #tpu.memory_space<vmem_shared>> -> memref<80x128xf32, #tpu.memory_space<vmem_shared>>
      tpu.enqueue_dma source(%arg8 : memref<80x128xf32, #tpu.memory_space<vmem>>) target(%dma_start3A_54 : memref<80x128xf32, #tpu.memory_space<vmem_shared>>) target_semaphore(%run_scoped3A : memref<!tpu.dma_semaphore, #tpu.memory_space<semaphore_mem>>)
      %dma_wait3A = arith.constant 0 : i32
      %dma_wait3A_55 = tpu.memref_slice %arg9[%add3A_23, %dma_wait3A] : memref<10240x128xf32, #tpu.memory_space<vmem_shared>> -> memref<80x128xf32, #tpu.memory_space<vmem_shared>>
      %dma_wait3A_56 = arith.constant 0 : i32
      %dma_wait3A_57 = tpu.memref_slice %arg9[%add3A_23, %dma_wait3A_56] : memref<10240x128xf32, #tpu.memory_space<vmem_shared>> -> memref<80x128xf32, #tpu.memory_space<vmem_shared>>
      tpu.wait_dma2 semaphore(%run_scoped3A : memref<!tpu.dma_semaphore, #tpu.memory_space<semaphore_mem>>) src(%arg8 : memref<80x128xf32, #tpu.memory_space<vmem>>) dst(%dma_wait3A_57 : memref<80x128xf32, #tpu.memory_space<vmem_shared>>)
      tpu.yield
    }) : () -> ()
    %mul3A_24 = arith.constant 640 : i32
    %mul3A_25 = arith.muli %arg1, %mul3A_24 : i32
    %add3A_26 = arith.constant 320 : i32
    %add3A_27 = arith.addi %mul3A_25, %add3A_26 : i32
    "tpu.region"() ({
      %run_scoped3A = tpu.sem_alloc : memref<!tpu.dma_semaphore, #tpu.memory_space<semaphore_mem>>
      %dma_start3A = arith.constant 0 : i32
      %dma_start3A_52 = tpu.memref_slice %arg9[%add3A_27, %dma_start3A] : memref<10240x128xf32, #tpu.memory_space<vmem_shared>> -> memref<80x128xf32, #tpu.memory_space<vmem_shared>>
      %dma_start3A_53 = arith.constant 0 : i32
      %dma_start3A_54 = tpu.memref_slice %arg9[%add3A_27, %dma_start3A_53] : memref<10240x128xf32, #tpu.memory_space<vmem_shared>> -> memref<80x128xf32, #tpu.memory_space<vmem_shared>>
      tpu.enqueue_dma source(%arg8 : memref<80x128xf32, #tpu.memory_space<vmem>>) target(%dma_start3A_54 : memref<80x128xf32, #tpu.memory_space<vmem_shared>>) target_semaphore(%run_scoped3A : memref<!tpu.dma_semaphore, #tpu.memory_space<semaphore_mem>>)
      %dma_wait3A = arith.constant 0 : i32
      %dma_wait3A_55 = tpu.memref_slice %arg9[%add3A_27, %dma_wait3A] : memref<10240x128xf32, #tpu.memory_space<vmem_shared>> -> memref<80x128xf32, #tpu.memory_space<vmem_shared>>
      %dma_wait3A_56 = arith.constant 0 : i32
      %dma_wait3A_57 = tpu.memref_slice %arg9[%add3A_27, %dma_wait3A_56] : memref<10240x128xf32, #tpu.memory_space<vmem_shared>> -> memref<80x128xf32, #tpu.memory_space<vmem_shared>>
      tpu.wait_dma2 semaphore(%run_scoped3A : memref<!tpu.dma_semaphore, #tpu.memory_space<semaphore_mem>>) src(%arg8 : memref<80x128xf32, #tpu.memory_space<vmem>>) dst(%dma_wait3A_57 : memref<80x128xf32, #tpu.memory_space<vmem_shared>>)
      tpu.yield
    }) : () -> ()
    %mul3A_28 = arith.constant 640 : i32
    %mul3A_29 = arith.muli %arg1, %mul3A_28 : i32
    %add3A_30 = arith.constant 400 : i32
    %add3A_31 = arith.addi %mul3A_29, %add3A_30 : i32
    "tpu.region"() ({
      %run_scoped3A = tpu.sem_alloc : memref<!tpu.dma_semaphore, #tpu.memory_space<semaphore_mem>>
      %dma_start3A = arith.constant 0 : i32
      %dma_start3A_52 = tpu.memref_slice %arg9[%add3A_31, %dma_start3A] : memref<10240x128xf32, #tpu.memory_space<vmem_shared>> -> memref<80x128xf32, #tpu.memory_space<vmem_shared>>
      %dma_start3A_53 = arith.constant 0 : i32
      %dma_start3A_54 = tpu.memref_slice %arg9[%add3A_31, %dma_start3A_53] : memref<10240x128xf32, #tpu.memory_space<vmem_shared>> -> memref<80x128xf32, #tpu.memory_space<vmem_shared>>
      tpu.enqueue_dma source(%arg8 : memref<80x128xf32, #tpu.memory_space<vmem>>) target(%dma_start3A_54 : memref<80x128xf32, #tpu.memory_space<vmem_shared>>) target_semaphore(%run_scoped3A : memref<!tpu.dma_semaphore, #tpu.memory_space<semaphore_mem>>)
      %dma_wait3A = arith.constant 0 : i32
      %dma_wait3A_55 = tpu.memref_slice %arg9[%add3A_31, %dma_wait3A] : memref<10240x128xf32, #tpu.memory_space<vmem_shared>> -> memref<80x128xf32, #tpu.memory_space<vmem_shared>>
      %dma_wait3A_56 = arith.constant 0 : i32
      %dma_wait3A_57 = tpu.memref_slice %arg9[%add3A_31, %dma_wait3A_56] : memref<10240x128xf32, #tpu.memory_space<vmem_shared>> -> memref<80x128xf32, #tpu.memory_space<vmem_shared>>
      tpu.wait_dma2 semaphore(%run_scoped3A : memref<!tpu.dma_semaphore, #tpu.memory_space<semaphore_mem>>) src(%arg8 : memref<80x128xf32, #tpu.memory_space<vmem>>) dst(%dma_wait3A_57 : memref<80x128xf32, #tpu.memory_space<vmem_shared>>)
      tpu.yield
    }) : () -> ()
    %mul3A_32 = arith.constant 640 : i32
    %mul3A_33 = arith.muli %arg1, %mul3A_32 : i32
    %add3A_34 = arith.constant 480 : i32
    %add3A_35 = arith.addi %mul3A_33, %add3A_34 : i32
    "tpu.region"() ({
      %run_scoped3A = tpu.sem_alloc : memref<!tpu.dma_semaphore, #tpu.memory_space<semaphore_mem>>
      %dma_start3A = arith.constant 0 : i32
      %dma_start3A_52 = tpu.memref_slice %arg9[%add3A_35, %dma_start3A] : memref<10240x128xf32, #tpu.memory_space<vmem_shared>> -> memref<80x128xf32, #tpu.memory_space<vmem_shared>>
      %dma_start3A_53 = arith.constant 0 : i32
      %dma_start3A_54 = tpu.memref_slice %arg9[%add3A_35, %dma_start3A_53] : memref<10240x128xf32, #tpu.memory_space<vmem_shared>> -> memref<80x128xf32, #tpu.memory_space<vmem_shared>>
      tpu.enqueue_dma source(%arg8 : memref<80x128xf32, #tpu.memory_space<vmem>>) target(%dma_start3A_54 : memref<80x128xf32, #tpu.memory_space<vmem_shared>>) target_semaphore(%run_scoped3A : memref<!tpu.dma_semaphore, #tpu.memory_space<semaphore_mem>>)
      %dma_wait3A = arith.constant 0 : i32
      %dma_wait3A_55 = tpu.memref_slice %arg9[%add3A_35, %dma_wait3A] : memref<10240x128xf32, #tpu.memory_space<vmem_shared>> -> memref<80x128xf32, #tpu.memory_space<vmem_shared>>
      %dma_wait3A_56 = arith.constant 0 : i32
      %dma_wait3A_57 = tpu.memref_slice %arg9[%add3A_35, %dma_wait3A_56] : memref<10240x128xf32, #tpu.memory_space<vmem_shared>> -> memref<80x128xf32, #tpu.memory_space<vmem_shared>>
      tpu.wait_dma2 semaphore(%run_scoped3A : memref<!tpu.dma_semaphore, #tpu.memory_space<semaphore_mem>>) src(%arg8 : memref<80x128xf32, #tpu.memory_space<vmem>>) dst(%dma_wait3A_57 : memref<80x128xf32, #tpu.memory_space<vmem_shared>>)
      tpu.yield
    }) : () -> ()
    %mul3A_36 = arith.constant 640 : i32
    %mul3A_37 = arith.muli %arg1, %mul3A_36 : i32
    %add3A_38 = arith.constant 560 : i32
    %add3A_39 = arith.addi %mul3A_37, %add3A_38 : i32
    "tpu.region"() ({
      %run_scoped3A = tpu.sem_alloc : memref<!tpu.dma_semaphore, #tpu.memory_space<semaphore_mem>>
      %dma_start3A = arith.constant 0 : i32
      %dma_start3A_52 = tpu.memref_slice %arg9[%add3A_39, %dma_start3A] : memref<10240x128xf32, #tpu.memory_space<vmem_shared>> -> memref<80x128xf32, #tpu.memory_space<vmem_shared>>
      %dma_start3A_53 = arith.constant 0 : i32
      %dma_start3A_54 = tpu.memref_slice %arg9[%add3A_39, %dma_start3A_53] : memref<10240x128xf32, #tpu.memory_space<vmem_shared>> -> memref<80x128xf32, #tpu.memory_space<vmem_shared>>
      tpu.enqueue_dma source(%arg8 : memref<80x128xf32, #tpu.memory_space<vmem>>) target(%dma_start3A_54 : memref<80x128xf32, #tpu.memory_space<vmem_shared>>) target_semaphore(%run_scoped3A : memref<!tpu.dma_semaphore, #tpu.memory_space<semaphore_mem>>)
      %dma_wait3A = arith.constant 0 : i32
      %dma_wait3A_55 = tpu.memref_slice %arg9[%add3A_39, %dma_wait3A] : memref<10240x128xf32, #tpu.memory_space<vmem_shared>> -> memref<80x128xf32, #tpu.memory_space<vmem_shared>>
      %dma_wait3A_56 = arith.constant 0 : i32
      %dma_wait3A_57 = tpu.memref_slice %arg9[%add3A_39, %dma_wait3A_56] : memref<10240x128xf32, #tpu.memory_space<vmem_shared>> -> memref<80x128xf32, #tpu.memory_space<vmem_shared>>
      tpu.wait_dma2 semaphore(%run_scoped3A : memref<!tpu.dma_semaphore, #tpu.memory_space<semaphore_mem>>) src(%arg8 : memref<80x128xf32, #tpu.memory_space<vmem>>) dst(%dma_wait3A_57 : memref<80x128xf32, #tpu.memory_space<vmem_shared>>)
      tpu.yield
    }) : () -> ()
    %barrier3A = arith.constant 0 : index
    tpu.barrier barrier_id(%barrier3A)
    %scan3A_40 = arith.constant 0 : i32
    %scan3A_41 = arith.constant 0 : i32
    %scan3A_42 = arith.constant 125 : i32
    %scan3A_43 = arith.addi %scan3A_41, %scan3A_42 : i32
    %scan3A_44 = arith.constant 1 : i32
    %scan3A_45 = scf.for %scan3A_52 = %scan3A_41 to %scan3A_43 step %scan3A_44 iter_args(%scan3A_53 = %scan3A_40) -> (i32)  : i32 {
      %dma_start3A = arith.constant 0 : i32
      %dma_start3A_54 = tpu.memref_slice %arg6[%scan3A_52, %dma_start3A] : memref<125x80xi32, #tpu.memory_space<vmem>> -> memref<1x80xi32, #tpu.memory_space<vmem>>
      %dma_start3A_55 = tpu.memref_squeeze %dma_start3A_54 : memref<1x80xi32, #tpu.memory_space<vmem>> -> memref<80xi32, #tpu.memory_space<vmem>>
      %dma_start3A_56 = arith.constant 0 : i32
      %dma_start3A_57 = arith.constant 0 : i32
      %dma_start3A_58 = tpu.memref_slice %arg2[%dma_start3A_56, %dma_start3A_57] : memref<10000x128xf32, #tpu.memory_space<hbm>> -> memref<10000x128xf32, #tpu.memory_space<hbm>>
      tpu.enqueue_indirect_dma source(%dma_start3A_58 : memref<10000x128xf32, #tpu.memory_space<hbm>>) target(%arg8 : memref<80x128xf32, #tpu.memory_space<vmem>>) offsets(%dma_start3A_55 : memref<80xi32, #tpu.memory_space<vmem>>) semaphore(%arg10 : memref<!tpu.dma_semaphore, #tpu.memory_space<semaphore_mem>>)
      %dma_wait3A = arith.constant 0 : i32
      %dma_wait3A_59 = tpu.memref_slice %arg6[%scan3A_52, %dma_wait3A] : memref<125x80xi32, #tpu.memory_space<vmem>> -> memref<1x80xi32, #tpu.memory_space<vmem>>
      %dma_wait3A_60 = tpu.memref_squeeze %dma_wait3A_59 : memref<1x80xi32, #tpu.memory_space<vmem>> -> memref<80xi32, #tpu.memory_space<vmem>>
      %dma_wait3A_61 = arith.constant 0 : i32
      %dma_wait3A_62 = arith.constant 0 : i32
      %dma_wait3A_63 = tpu.memref_slice %arg2[%dma_wait3A_61, %dma_wait3A_62] : memref<10000x128xf32, #tpu.memory_space<hbm>> -> memref<10000x128xf32, #tpu.memory_space<hbm>>
      tpu.wait_indirect_dma semaphore(%arg10 : memref<!tpu.dma_semaphore, #tpu.memory_space<semaphore_mem>>) src(%dma_wait3A_63 : memref<10000x128xf32, #tpu.memory_space<hbm>>) dst(%arg8 : memref<80x128xf32, #tpu.memory_space<vmem>>)
      "tpu.region"() ({
        %run_scoped3A = tpu.sem_alloc : memref<!tpu.dma_semaphore, #tpu.memory_space<semaphore_mem>>
        %dma_start3A_65 = arith.constant 0 : i32
        %dma_start3A_66 = tpu.memref_slice %arg7[%scan3A_52, %dma_start3A_65] : memref<125x80xi32, #tpu.memory_space<vmem>> -> memref<1x80xi32, #tpu.memory_space<vmem>>
        %dma_start3A_67 = tpu.memref_squeeze %dma_start3A_66 : memref<1x80xi32, #tpu.memory_space<vmem>> -> memref<80xi32, #tpu.memory_space<vmem>>
        %dma_start3A_68 = arith.constant 0 : i32
        %dma_start3A_69 = arith.constant 0 : i32
        %dma_start3A_70 = tpu.memref_slice %arg9[%dma_start3A_68, %dma_start3A_69] : memref<10240x128xf32, #tpu.memory_space<vmem_shared>> -> memref<10240x128xf32, #tpu.memory_space<vmem_shared>>
        tpu.enqueue_indirect_dma source(%arg8 : memref<80x128xf32, #tpu.memory_space<vmem>>) target(%dma_start3A_70 : memref<10240x128xf32, #tpu.memory_space<vmem_shared>>) offsets(%dma_start3A_67 : memref<80xi32, #tpu.memory_space<vmem>>) semaphore(%run_scoped3A : memref<!tpu.dma_semaphore, #tpu.memory_space<semaphore_mem>>) {add = true}
        %dma_wait3A_71 = arith.constant 0 : i32
        %dma_wait3A_72 = tpu.memref_slice %arg7[%scan3A_52, %dma_wait3A_71] : memref<125x80xi32, #tpu.memory_space<vmem>> -> memref<1x80xi32, #tpu.memory_space<vmem>>
        %dma_wait3A_73 = tpu.memref_squeeze %dma_wait3A_72 : memref<1x80xi32, #tpu.memory_space<vmem>> -> memref<80xi32, #tpu.memory_space<vmem>>
        %dma_wait3A_74 = arith.constant 0 : i32
        %dma_wait3A_75 = arith.constant 0 : i32
        %dma_wait3A_76 = tpu.memref_slice %arg9[%dma_wait3A_74, %dma_wait3A_75] : memref<10240x128xf32, #tpu.memory_space<vmem_shared>> -> memref<10240x128xf32, #tpu.memory_space<vmem_shared>>
        tpu.wait_indirect_dma semaphore(%run_scoped3A : memref<!tpu.dma_semaphore, #tpu.memory_space<semaphore_mem>>) src(%arg8 : memref<80x128xf32, #tpu.memory_space<vmem>>) dst(%dma_wait3A_76 : memref<10240x128xf32, #tpu.memory_space<vmem_shared>>)
        tpu.yield
      }) : () -> ()
      %scan3A_64 = arith.constant 0 : i32
      scf.yield %scan3A_64 : i32
    }
    %scan3A_46 = arith.constant 125 : i32
    %barrier3A_47 = arith.constant 0 : index
    tpu.barrier barrier_id(%barrier3A_47)
    %mul3A_48 = arith.constant 640 : i32
    %mul3A_49 = arith.muli %arg1, %mul3A_48 : i32
    %mul3A_50 = arith.constant 640 : i32
    %mul3A_51 = arith.muli %arg1, %mul3A_50 : i32
    "tpu.region"() ({
      %run_scoped3A = tpu.sem_alloc : memref<!tpu.dma_semaphore, #tpu.memory_space<semaphore_mem>>
      %dma_start3A = arith.constant 0 : i32
      %dma_start3A_52 = tpu.memref_slice %arg5[%arg0, %mul3A_51, %dma_start3A] : memref<2x10240x128xf32, #tpu.memory_space<hbm>> -> memref<1x640x128xf32, #tpu.memory_space<hbm>>
      %dma_start3A_53 = tpu.memref_squeeze %dma_start3A_52 : memref<1x640x128xf32, #tpu.memory_space<hbm>> -> memref<640x128xf32, #tpu.memory_space<hbm>>
      %dma_start3A_54 = arith.constant 0 : i32
      %dma_start3A_55 = tpu.memref_slice %arg9[%mul3A_49, %dma_start3A_54] : memref<10240x128xf32, #tpu.memory_space<vmem_shared>> -> memref<640x128xf32, #tpu.memory_space<vmem_shared>>
      tpu.enqueue_dma source(%dma_start3A_55 : memref<640x128xf32, #tpu.memory_space<vmem_shared>>) target(%dma_start3A_53 : memref<640x128xf32, #tpu.memory_space<hbm>>) target_semaphore(%run_scoped3A : memref<!tpu.dma_semaphore, #tpu.memory_space<semaphore_mem>>)
      %dma_wait3A = arith.constant 0 : i32
      %dma_wait3A_56 = tpu.memref_slice %arg5[%arg0, %mul3A_51, %dma_wait3A] : memref<2x10240x128xf32, #tpu.memory_space<hbm>> -> memref<1x640x128xf32, #tpu.memory_space<hbm>>
      %dma_wait3A_57 = tpu.memref_squeeze %dma_wait3A_56 : memref<1x640x128xf32, #tpu.memory_space<hbm>> -> memref<640x128xf32, #tpu.memory_space<hbm>>
      %dma_wait3A_58 = arith.constant 0 : i32
      %dma_wait3A_59 = tpu.memref_slice %arg9[%mul3A_49, %dma_wait3A_58] : memref<10240x128xf32, #tpu.memory_space<vmem_shared>> -> memref<640x128xf32, #tpu.memory_space<vmem_shared>>
      tpu.wait_dma2 semaphore(%run_scoped3A : memref<!tpu.dma_semaphore, #tpu.memory_space<semaphore_mem>>) src(%dma_wait3A_59 : memref<640x128xf32, #tpu.memory_space<vmem_shared>>) dst(%dma_wait3A_57 : memref<640x128xf32, #tpu.memory_space<hbm>>)
      tpu.yield
    }) : () -> ()
    return
  }
}

#map = affine_map<(d0, d1) -> (0, 0)>
#map1 = affine_map<(d0, d1) -> (0, 0, 0)>
module attributes {stable_mosaic.version = 14 : i64} {
  func.func @prop(%arg0: i32, %arg1: i32, %arg2: memref<10000x128xf32, #tpu.memory_space<hbm>>, %arg3: memref<32x125x80xi32, #tpu.memory_space<hbm>>, %arg4: memref<32x125x80xi32, #tpu.memory_space<hbm>>, %arg5: memref<2x10240x128xf32, #tpu.memory_space<hbm>>, %arg6: memref<125x80xi32, #tpu.memory_space<vmem>>, %arg7: memref<125x80xi32, #tpu.memory_space<vmem>>, %arg8: memref<80x128xf32, #tpu.memory_space<vmem>>, %arg9: memref<10240x128xf32, #tpu.memory_space<vmem_shared>>, %arg10: memref<!tpu.dma_semaphore, #tpu.memory_space<semaphore_mem>>) attributes {dimension_semantics = [#tpu.dimension_semantics<core_parallel>, #tpu.dimension_semantics<subcore_parallel>], iteration_bounds = array<i64: 2, 16>, scalar_prefetch = 0 : i64, scratch_operands = 5 : i64, tpu.core_type = #tpu.core_type<sc_vector_subcore>, window_params = [{transform_indices = #map}, {transform_indices = #map1}, {transform_indices = #map1}, {transform_indices = #map1}]} {
    %mul3A = arith.constant 16 : i32
    %mul3A_0 = arith.muli %arg0, %mul3A : i32
    %add3A = arith.addi %mul3A_0, %arg1 : i32
    "tpu.region"() ({
      %run_scoped3A = tpu.sem_alloc : memref<!tpu.dma_semaphore, #tpu.memory_space<semaphore_mem>>
      %dma_start3A = arith.constant 0 : i32
      %dma_start3A_52 = arith.constant 0 : i32
      %dma_start3A_53 = tpu.memref_slice %arg3[%add3A, %dma_start3A, %dma_start3A_52] : memref<32x125x80xi32, #tpu.memory_space<hbm>> -> memref<1x125x80xi32, #tpu.memory_space<hbm>>
      %dma_start3A_54 = tpu.memref_squeeze %dma_start3A_53 : memref<1x125x80xi32, #tpu.memory_space<hbm>> -> memref<125x80xi32, #tpu.memory_space<hbm>>
      %dma_start3A_55 = arith.constant 0 : i32
      %dma_start3A_56 = arith.constant 0 : i32
      %dma_start3A_57 = tpu.memref_slice %arg3[%add3A, %dma_start3A_55, %dma_start3A_56] : memref<32x125x80xi32, #tpu.memory_space<hbm>> -> memref<1x125x80xi32, #tpu.memory_space<hbm>>
      %dma_start3A_58 = tpu.memref_squeeze %dma_start3A_57 : memref<1x125x80xi32, #tpu.memory_space<hbm>> -> memref<125x80xi32, #tpu.memory_space<hbm>>
      tpu.enqueue_dma source(%dma_start3A_58 : memref<125x80xi32, #tpu.memory_space<hbm>>) target(%arg6 : memref<125x80xi32, #tpu.memory_space<vmem>>) target_semaphore(%run_scoped3A : memref<!tpu.dma_semaphore, #tpu.memory_space<semaphore_mem>>)
      %dma_wait3A = arith.constant 0 : i32
      %dma_wait3A_59 = arith.constant 0 : i32
      %dma_wait3A_60 = tpu.memref_slice %arg3[%add3A, %dma_wait3A, %dma_wait3A_59] : memref<32x125x80xi32, #tpu.memory_space<hbm>> -> memref<1x125x80xi32, #tpu.memory_space<hbm>>
      %dma_wait3A_61 = tpu.memref_squeeze %dma_wait3A_60 : memref<1x125x80xi32, #tpu.memory_space<hbm>> -> memref<125x80xi32, #tpu.memory_space<hbm>>
      %dma_wait3A_62 = arith.constant 0 : i32
      %dma_wait3A_63 = arith.constant 0 : i32
      %dma_wait3A_64 = tpu.memref_slice %arg3[%add3A, %dma_wait3A_62, %dma_wait3A_63] : memref<32x125x80xi32, #tpu.memory_space<hbm>> -> memref<1x125x80xi32, #tpu.memory_space<hbm>>
      %dma_wait3A_65 = tpu.memref_squeeze %dma_wait3A_64 : memref<1x125x80xi32, #tpu.memory_space<hbm>> -> memref<125x80xi32, #tpu.memory_space<hbm>>
      tpu.wait_dma2 semaphore(%run_scoped3A : memref<!tpu.dma_semaphore, #tpu.memory_space<semaphore_mem>>) src(%dma_wait3A_65 : memref<125x80xi32, #tpu.memory_space<hbm>>) dst(%arg6 : memref<125x80xi32, #tpu.memory_space<vmem>>)
      tpu.yield
    }) : () -> ()
    "tpu.region"() ({
      %run_scoped3A = tpu.sem_alloc : memref<!tpu.dma_semaphore, #tpu.memory_space<semaphore_mem>>
      %dma_start3A = arith.constant 0 : i32
      %dma_start3A_52 = arith.constant 0 : i32
      %dma_start3A_53 = tpu.memref_slice %arg4[%add3A, %dma_start3A, %dma_start3A_52] : memref<32x125x80xi32, #tpu.memory_space<hbm>> -> memref<1x125x80xi32, #tpu.memory_space<hbm>>
      %dma_start3A_54 = tpu.memref_squeeze %dma_start3A_53 : memref<1x125x80xi32, #tpu.memory_space<hbm>> -> memref<125x80xi32, #tpu.memory_space<hbm>>
      %dma_start3A_55 = arith.constant 0 : i32
      %dma_start3A_56 = arith.constant 0 : i32
      %dma_start3A_57 = tpu.memref_slice %arg4[%add3A, %dma_start3A_55, %dma_start3A_56] : memref<32x125x80xi32, #tpu.memory_space<hbm>> -> memref<1x125x80xi32, #tpu.memory_space<hbm>>
      %dma_start3A_58 = tpu.memref_squeeze %dma_start3A_57 : memref<1x125x80xi32, #tpu.memory_space<hbm>> -> memref<125x80xi32, #tpu.memory_space<hbm>>
      tpu.enqueue_dma source(%dma_start3A_58 : memref<125x80xi32, #tpu.memory_space<hbm>>) target(%arg7 : memref<125x80xi32, #tpu.memory_space<vmem>>) target_semaphore(%run_scoped3A : memref<!tpu.dma_semaphore, #tpu.memory_space<semaphore_mem>>)
      %dma_wait3A = arith.constant 0 : i32
      %dma_wait3A_59 = arith.constant 0 : i32
      %dma_wait3A_60 = tpu.memref_slice %arg4[%add3A, %dma_wait3A, %dma_wait3A_59] : memref<32x125x80xi32, #tpu.memory_space<hbm>> -> memref<1x125x80xi32, #tpu.memory_space<hbm>>
      %dma_wait3A_61 = tpu.memref_squeeze %dma_wait3A_60 : memref<1x125x80xi32, #tpu.memory_space<hbm>> -> memref<125x80xi32, #tpu.memory_space<hbm>>
      %dma_wait3A_62 = arith.constant 0 : i32
      %dma_wait3A_63 = arith.constant 0 : i32
      %dma_wait3A_64 = tpu.memref_slice %arg4[%add3A, %dma_wait3A_62, %dma_wait3A_63] : memref<32x125x80xi32, #tpu.memory_space<hbm>> -> memref<1x125x80xi32, #tpu.memory_space<hbm>>
      %dma_wait3A_65 = tpu.memref_squeeze %dma_wait3A_64 : memref<1x125x80xi32, #tpu.memory_space<hbm>> -> memref<125x80xi32, #tpu.memory_space<hbm>>
      tpu.wait_dma2 semaphore(%run_scoped3A : memref<!tpu.dma_semaphore, #tpu.memory_space<semaphore_mem>>) src(%dma_wait3A_65 : memref<125x80xi32, #tpu.memory_space<hbm>>) dst(%arg7 : memref<125x80xi32, #tpu.memory_space<vmem>>)
      tpu.yield
    }) : () -> ()
    %broadcast_in_dim3A = arith.constant 0.000000e+00 : f32
    %broadcast_in_dim3A_1 = vector.broadcast %broadcast_in_dim3A : f32 to vector<16xf32>
    %scan3A = arith.constant 0 : i32
    %scan3A_2 = arith.constant 0 : i32
    %scan3A_3 = arith.constant 80 : i32
    %scan3A_4 = arith.addi %scan3A_2, %scan3A_3 : i32
    %scan3A_5 = arith.constant 1 : i32
    %scan3A_6 = scf.for %scan3A_52 = %scan3A_2 to %scan3A_4 step %scan3A_5 iter_args(%scan3A_53 = %scan3A) -> (i32)  : i32 {
      %swap3A = arith.index_cast %scan3A_52 : i32 to index
      %swap3A_54 = arith.constant 0 : index
      %swap3A_55 = tpu.vector_load %arg8[%swap3A, %swap3A_54] {strides = array<i32>} : memref<80x128xf32, #tpu.memory_space<vmem>>, vector<1x16xf32>,
      %swap3A_56 = vector.shape_cast %swap3A_55 : vector<1x16xf32> to vector<16xf32>
      %swap3A_57 = vector.shape_cast %broadcast_in_dim3A_1 : vector<16xf32> to vector<1x16xf32>
      tpu.vector_store %arg8[%swap3A, %swap3A_54], %swap3A_57 {strides = array<i32>} : memref<80x128xf32, #tpu.memory_space<vmem>>, vector<1x16xf32>,
      %swap3A_58 = arith.index_cast %scan3A_52 : i32 to index
      %swap3A_59 = arith.constant 16 : index
      %swap3A_60 = tpu.vector_load %arg8[%swap3A_58, %swap3A_59] {strides = array<i32>} : memref<80x128xf32, #tpu.memory_space<vmem>>, vector<1x16xf32>,
      %swap3A_61 = vector.shape_cast %swap3A_60 : vector<1x16xf32> to vector<16xf32>
      %swap3A_62 = vector.shape_cast %broadcast_in_dim3A_1 : vector<16xf32> to vector<1x16xf32>
      tpu.vector_store %arg8[%swap3A_58, %swap3A_59], %swap3A_62 {strides = array<i32>} : memref<80x128xf32, #tpu.memory_space<vmem>>, vector<1x16xf32>,
      %swap3A_63 = arith.index_cast %scan3A_52 : i32 to index
      %swap3A_64 = arith.constant 32 : index
      %swap3A_65 = tpu.vector_load %arg8[%swap3A_63, %swap3A_64] {strides = array<i32>} : memref<80x128xf32, #tpu.memory_space<vmem>>, vector<1x16xf32>,
      %swap3A_66 = vector.shape_cast %swap3A_65 : vector<1x16xf32> to vector<16xf32>
      %swap3A_67 = vector.shape_cast %broadcast_in_dim3A_1 : vector<16xf32> to vector<1x16xf32>
      tpu.vector_store %arg8[%swap3A_63, %swap3A_64], %swap3A_67 {strides = array<i32>} : memref<80x128xf32, #tpu.memory_space<vmem>>, vector<1x16xf32>,
      %swap3A_68 = arith.index_cast %scan3A_52 : i32 to index
      %swap3A_69 = arith.constant 48 : index
      %swap3A_70 = tpu.vector_load %arg8[%swap3A_68, %swap3A_69] {strides = array<i32>} : memref<80x128xf32, #tpu.memory_space<vmem>>, vector<1x16xf32>,
      %swap3A_71 = vector.shape_cast %swap3A_70 : vector<1x16xf32> to vector<16xf32>
      %swap3A_72 = vector.shape_cast %broadcast_in_dim3A_1 : vector<16xf32> to vector<1x16xf32>
      tpu.vector_store %arg8[%swap3A_68, %swap3A_69], %swap3A_72 {strides = array<i32>} : memref<80x128xf32, #tpu.memory_space<vmem>>, vector<1x16xf32>,
      %swap3A_73 = arith.index_cast %scan3A_52 : i32 to index
      %swap3A_74 = arith.constant 64 : index
      %swap3A_75 = tpu.vector_load %arg8[%swap3A_73, %swap3A_74] {strides = array<i32>} : memref<80x128xf32, #tpu.memory_space<vmem>>, vector<1x16xf32>,
      %swap3A_76 = vector.shape_cast %swap3A_75 : vector<1x16xf32> to vector<16xf32>
      %swap3A_77 = vector.shape_cast %broadcast_in_dim3A_1 : vector<16xf32> to vector<1x16xf32>
      tpu.vector_store %arg8[%swap3A_73, %swap3A_74], %swap3A_77 {strides = array<i32>} : memref<80x128xf32, #tpu.memory_space<vmem>>, vector<1x16xf32>,
      %swap3A_78 = arith.index_cast %scan3A_52 : i32 to index
      %swap3A_79 = arith.constant 80 : index
      %swap3A_80 = tpu.vector_load %arg8[%swap3A_78, %swap3A_79] {strides = array<i32>} : memref<80x128xf32, #tpu.memory_space<vmem>>, vector<1x16xf32>,
      %swap3A_81 = vector.shape_cast %swap3A_80 : vector<1x16xf32> to vector<16xf32>
      %swap3A_82 = vector.shape_cast %broadcast_in_dim3A_1 : vector<16xf32> to vector<1x16xf32>
      tpu.vector_store %arg8[%swap3A_78, %swap3A_79], %swap3A_82 {strides = array<i32>} : memref<80x128xf32, #tpu.memory_space<vmem>>, vector<1x16xf32>,
      %swap3A_83 = arith.index_cast %scan3A_52 : i32 to index
      %swap3A_84 = arith.constant 96 : index
      %swap3A_85 = tpu.vector_load %arg8[%swap3A_83, %swap3A_84] {strides = array<i32>} : memref<80x128xf32, #tpu.memory_space<vmem>>, vector<1x16xf32>,
      %swap3A_86 = vector.shape_cast %swap3A_85 : vector<1x16xf32> to vector<16xf32>
      %swap3A_87 = vector.shape_cast %broadcast_in_dim3A_1 : vector<16xf32> to vector<1x16xf32>
      tpu.vector_store %arg8[%swap3A_83, %swap3A_84], %swap3A_87 {strides = array<i32>} : memref<80x128xf32, #tpu.memory_space<vmem>>, vector<1x16xf32>,
      %swap3A_88 = arith.index_cast %scan3A_52 : i32 to index
      %swap3A_89 = arith.constant 112 : index
      %swap3A_90 = tpu.vector_load %arg8[%swap3A_88, %swap3A_89] {strides = array<i32>} : memref<80x128xf32, #tpu.memory_space<vmem>>, vector<1x16xf32>,
      %swap3A_91 = vector.shape_cast %swap3A_90 : vector<1x16xf32> to vector<16xf32>
      %swap3A_92 = vector.shape_cast %broadcast_in_dim3A_1 : vector<16xf32> to vector<1x16xf32>
      tpu.vector_store %arg8[%swap3A_88, %swap3A_89], %swap3A_92 {strides = array<i32>} : memref<80x128xf32, #tpu.memory_space<vmem>>, vector<1x16xf32>,
      %scan3A_93 = arith.constant 0 : i32
      scf.yield %scan3A_93 : i32
    }
    %scan3A_7 = arith.constant 80 : i32
    %mul3A_8 = arith.constant 640 : i32
    %mul3A_9 = arith.muli %arg1, %mul3A_8 : i32
    %add3A_10 = arith.constant 0 : i32
    %add3A_11 = arith.addi %mul3A_9, %add3A_10 : i32
    "tpu.region"() ({
      %run_scoped3A = tpu.sem_alloc : memref<!tpu.dma_semaphore, #tpu.memory_space<semaphore_mem>>
      %dma_start3A = arith.constant 0 : i32
      %dma_start3A_52 = tpu.memref_slice %arg9[%add3A_11, %dma_start3A] : memref<10240x128xf32, #tpu.memory_space<vmem_shared>> -> memref<80x128xf32, #tpu.memory_space<vmem_shared>>
      %dma_start3A_53 = arith.constant 0 : i32
      %dma_start3A_54 = tpu.memref_slice %arg9[%add3A_11, %dma_start3A_53] : memref<10240x128xf32, #tpu.memory_space<vmem_shared>> -> memref<80x128xf32, #tpu.memory_space<vmem_shared>>
      tpu.enqueue_dma source(%arg8 : memref<80x128xf32, #tpu.memory_space<vmem>>) target(%dma_start3A_54 : memref<80x128xf32, #tpu.memory_space<vmem_shared>>) target_semaphore(%run_scoped3A : memref<!tpu.dma_semaphore, #tpu.memory_space<semaphore_mem>>)
      %dma_wait3A = arith.constant 0 : i32
      %dma_wait3A_55 = tpu.memref_slice %arg9[%add3A_11, %dma_wait3A] : memref<10240x128xf32, #tpu.memory_space<vmem_shared>> -> memref<80x128xf32, #tpu.memory_space<vmem_shared>>
      %dma_wait3A_56 = arith.constant 0 : i32
      %dma_wait3A_57 = tpu.memref_slice %arg9[%add3A_11, %dma_wait3A_56] : memref<10240x128xf32, #tpu.memory_space<vmem_shared>> -> memref<80x128xf32, #tpu.memory_space<vmem_shared>>
      tpu.wait_dma2 semaphore(%run_scoped3A : memref<!tpu.dma_semaphore, #tpu.memory_space<semaphore_mem>>) src(%arg8 : memref<80x128xf32, #tpu.memory_space<vmem>>) dst(%dma_wait3A_57 : memref<80x128xf32, #tpu.memory_space<vmem_shared>>)
      tpu.yield
    }) : () -> ()
    %mul3A_12 = arith.constant 640 : i32
    %mul3A_13 = arith.muli %arg1, %mul3A_12 : i32
    %add3A_14 = arith.constant 80 : i32
    %add3A_15 = arith.addi %mul3A_13, %add3A_14 : i32
    "tpu.region"() ({
      %run_scoped3A = tpu.sem_alloc : memref<!tpu.dma_semaphore, #tpu.memory_space<semaphore_mem>>
      %dma_start3A = arith.constant 0 : i32
      %dma_start3A_52 = tpu.memref_slice %arg9[%add3A_15, %dma_start3A] : memref<10240x128xf32, #tpu.memory_space<vmem_shared>> -> memref<80x128xf32, #tpu.memory_space<vmem_shared>>
      %dma_start3A_53 = arith.constant 0 : i32
      %dma_start3A_54 = tpu.memref_slice %arg9[%add3A_15, %dma_start3A_53] : memref<10240x128xf32, #tpu.memory_space<vmem_shared>> -> memref<80x128xf32, #tpu.memory_space<vmem_shared>>
      tpu.enqueue_dma source(%arg8 : memref<80x128xf32, #tpu.memory_space<vmem>>) target(%dma_start3A_54 : memref<80x128xf32, #tpu.memory_space<vmem_shared>>) target_semaphore(%run_scoped3A : memref<!tpu.dma_semaphore, #tpu.memory_space<semaphore_mem>>)
      %dma_wait3A = arith.constant 0 : i32
      %dma_wait3A_55 = tpu.memref_slice %arg9[%add3A_15, %dma_wait3A] : memref<10240x128xf32, #tpu.memory_space<vmem_shared>> -> memref<80x128xf32, #tpu.memory_space<vmem_shared>>
      %dma_wait3A_56 = arith.constant 0 : i32
      %dma_wait3A_57 = tpu.memref_slice %arg9[%add3A_15, %dma_wait3A_56] : memref<10240x128xf32, #tpu.memory_space<vmem_shared>> -> memref<80x128xf32, #tpu.memory_space<vmem_shared>>
      tpu.wait_dma2 semaphore(%run_scoped3A : memref<!tpu.dma_semaphore, #tpu.memory_space<semaphore_mem>>) src(%arg8 : memref<80x128xf32, #tpu.memory_space<vmem>>) dst(%dma_wait3A_57 : memref<80x128xf32, #tpu.memory_space<vmem_shared>>)
      tpu.yield
    }) : () -> ()
    %mul3A_16 = arith.constant 640 : i32
    %mul3A_17 = arith.muli %arg1, %mul3A_16 : i32
    %add3A_18 = arith.constant 160 : i32
    %add3A_19 = arith.addi %mul3A_17, %add3A_18 : i32
    "tpu.region"() ({
      %run_scoped3A = tpu.sem_alloc : memref<!tpu.dma_semaphore, #tpu.memory_space<semaphore_mem>>
      %dma_start3A = arith.constant 0 : i32
      %dma_start3A_52 = tpu.memref_slice %arg9[%add3A_19, %dma_start3A] : memref<10240x128xf32, #tpu.memory_space<vmem_shared>> -> memref<80x128xf32, #tpu.memory_space<vmem_shared>>
      %dma_start3A_53 = arith.constant 0 : i32
      %dma_start3A_54 = tpu.memref_slice %arg9[%add3A_19, %dma_start3A_53] : memref<10240x128xf32, #tpu.memory_space<vmem_shared>> -> memref<80x128xf32, #tpu.memory_space<vmem_shared>>
      tpu.enqueue_dma source(%arg8 : memref<80x128xf32, #tpu.memory_space<vmem>>) target(%dma_start3A_54 : memref<80x128xf32, #tpu.memory_space<vmem_shared>>) target_semaphore(%run_scoped3A : memref<!tpu.dma_semaphore, #tpu.memory_space<semaphore_mem>>)
      %dma_wait3A = arith.constant 0 : i32
      %dma_wait3A_55 = tpu.memref_slice %arg9[%add3A_19, %dma_wait3A] : memref<10240x128xf32, #tpu.memory_space<vmem_shared>> -> memref<80x128xf32, #tpu.memory_space<vmem_shared>>
      %dma_wait3A_56 = arith.constant 0 : i32
      %dma_wait3A_57 = tpu.memref_slice %arg9[%add3A_19, %dma_wait3A_56] : memref<10240x128xf32, #tpu.memory_space<vmem_shared>> -> memref<80x128xf32, #tpu.memory_space<vmem_shared>>
      tpu.wait_dma2 semaphore(%run_scoped3A : memref<!tpu.dma_semaphore, #tpu.memory_space<semaphore_mem>>) src(%arg8 : memref<80x128xf32, #tpu.memory_space<vmem>>) dst(%dma_wait3A_57 : memref<80x128xf32, #tpu.memory_space<vmem_shared>>)
      tpu.yield
    }) : () -> ()
    %mul3A_20 = arith.constant 640 : i32
    %mul3A_21 = arith.muli %arg1, %mul3A_20 : i32
    %add3A_22 = arith.constant 240 : i32
    %add3A_23 = arith.addi %mul3A_21, %add3A_22 : i32
    "tpu.region"() ({
      %run_scoped3A = tpu.sem_alloc : memref<!tpu.dma_semaphore, #tpu.memory_space<semaphore_mem>>
      %dma_start3A = arith.constant 0 : i32
      %dma_start3A_52 = tpu.memref_slice %arg9[%add3A_23, %dma_start3A] : memref<10240x128xf32, #tpu.memory_space<vmem_shared>> -> memref<80x128xf32, #tpu.memory_space<vmem_shared>>
      %dma_start3A_53 = arith.constant 0 : i32
      %dma_start3A_54 = tpu.memref_slice %arg9[%add3A_23, %dma_start3A_53] : memref<10240x128xf32, #tpu.memory_space<vmem_shared>> -> memref<80x128xf32, #tpu.memory_space<vmem_shared>>
      tpu.enqueue_dma source(%arg8 : memref<80x128xf32, #tpu.memory_space<vmem>>) target(%dma_start3A_54 : memref<80x128xf32, #tpu.memory_space<vmem_shared>>) target_semaphore(%run_scoped3A : memref<!tpu.dma_semaphore, #tpu.memory_space<semaphore_mem>>)
      %dma_wait3A = arith.constant 0 : i32
      %dma_wait3A_55 = tpu.memref_slice %arg9[%add3A_23, %dma_wait3A] : memref<10240x128xf32, #tpu.memory_space<vmem_shared>> -> memref<80x128xf32, #tpu.memory_space<vmem_shared>>
      %dma_wait3A_56 = arith.constant 0 : i32
      %dma_wait3A_57 = tpu.memref_slice %arg9[%add3A_23, %dma_wait3A_56] : memref<10240x128xf32, #tpu.memory_space<vmem_shared>> -> memref<80x128xf32, #tpu.memory_space<vmem_shared>>
      tpu.wait_dma2 semaphore(%run_scoped3A : memref<!tpu.dma_semaphore, #tpu.memory_space<semaphore_mem>>) src(%arg8 : memref<80x128xf32, #tpu.memory_space<vmem>>) dst(%dma_wait3A_57 : memref<80x128xf32, #tpu.memory_space<vmem_shared>>)
      tpu.yield
    }) : () -> ()
    %mul3A_24 = arith.constant 640 : i32
    %mul3A_25 = arith.muli %arg1, %mul3A_24 : i32
    %add3A_26 = arith.constant 320 : i32
    %add3A_27 = arith.addi %mul3A_25, %add3A_26 : i32
    "tpu.region"() ({
      %run_scoped3A = tpu.sem_alloc : memref<!tpu.dma_semaphore, #tpu.memory_space<semaphore_mem>>
      %dma_start3A = arith.constant 0 : i32
      %dma_start3A_52 = tpu.memref_slice %arg9[%add3A_27, %dma_start3A] : memref<10240x128xf32, #tpu.memory_space<vmem_shared>> -> memref<80x128xf32, #tpu.memory_space<vmem_shared>>
      %dma_start3A_53 = arith.constant 0 : i32
      %dma_start3A_54 = tpu.memref_slice %arg9[%add3A_27, %dma_start3A_53] : memref<10240x128xf32, #tpu.memory_space<vmem_shared>> -> memref<80x128xf32, #tpu.memory_space<vmem_shared>>
      tpu.enqueue_dma source(%arg8 : memref<80x128xf32, #tpu.memory_space<vmem>>) target(%dma_start3A_54 : memref<80x128xf32, #tpu.memory_space<vmem_shared>>) target_semaphore(%run_scoped3A : memref<!tpu.dma_semaphore, #tpu.memory_space<semaphore_mem>>)
      %dma_wait3A = arith.constant 0 : i32
      %dma_wait3A_55 = tpu.memref_slice %arg9[%add3A_27, %dma_wait3A] : memref<10240x128xf32, #tpu.memory_space<vmem_shared>> -> memref<80x128xf32, #tpu.memory_space<vmem_shared>>
      %dma_wait3A_56 = arith.constant 0 : i32
      %dma_wait3A_57 = tpu.memref_slice %arg9[%add3A_27, %dma_wait3A_56] : memref<10240x128xf32, #tpu.memory_space<vmem_shared>> -> memref<80x128xf32, #tpu.memory_space<vmem_shared>>
      tpu.wait_dma2 semaphore(%run_scoped3A : memref<!tpu.dma_semaphore, #tpu.memory_space<semaphore_mem>>) src(%arg8 : memref<80x128xf32, #tpu.memory_space<vmem>>) dst(%dma_wait3A_57 : memref<80x128xf32, #tpu.memory_space<vmem_shared>>)
      tpu.yield
    }) : () -> ()
    %mul3A_28 = arith.constant 640 : i32
    %mul3A_29 = arith.muli %arg1, %mul3A_28 : i32
    %add3A_30 = arith.constant 400 : i32
    %add3A_31 = arith.addi %mul3A_29, %add3A_30 : i32
    "tpu.region"() ({
      %run_scoped3A = tpu.sem_alloc : memref<!tpu.dma_semaphore, #tpu.memory_space<semaphore_mem>>
      %dma_start3A = arith.constant 0 : i32
      %dma_start3A_52 = tpu.memref_slice %arg9[%add3A_31, %dma_start3A] : memref<10240x128xf32, #tpu.memory_space<vmem_shared>> -> memref<80x128xf32, #tpu.memory_space<vmem_shared>>
      %dma_start3A_53 = arith.constant 0 : i32
      %dma_start3A_54 = tpu.memref_slice %arg9[%add3A_31, %dma_start3A_53] : memref<10240x128xf32, #tpu.memory_space<vmem_shared>> -> memref<80x128xf32, #tpu.memory_space<vmem_shared>>
      tpu.enqueue_dma source(%arg8 : memref<80x128xf32, #tpu.memory_space<vmem>>) target(%dma_start3A_54 : memref<80x128xf32, #tpu.memory_space<vmem_shared>>) target_semaphore(%run_scoped3A : memref<!tpu.dma_semaphore, #tpu.memory_space<semaphore_mem>>)
      %dma_wait3A = arith.constant 0 : i32
      %dma_wait3A_55 = tpu.memref_slice %arg9[%add3A_31, %dma_wait3A] : memref<10240x128xf32, #tpu.memory_space<vmem_shared>> -> memref<80x128xf32, #tpu.memory_space<vmem_shared>>
      %dma_wait3A_56 = arith.constant 0 : i32
      %dma_wait3A_57 = tpu.memref_slice %arg9[%add3A_31, %dma_wait3A_56] : memref<10240x128xf32, #tpu.memory_space<vmem_shared>> -> memref<80x128xf32, #tpu.memory_space<vmem_shared>>
      tpu.wait_dma2 semaphore(%run_scoped3A : memref<!tpu.dma_semaphore, #tpu.memory_space<semaphore_mem>>) src(%arg8 : memref<80x128xf32, #tpu.memory_space<vmem>>) dst(%dma_wait3A_57 : memref<80x128xf32, #tpu.memory_space<vmem_shared>>)
      tpu.yield
    }) : () -> ()
    %mul3A_32 = arith.constant 640 : i32
    %mul3A_33 = arith.muli %arg1, %mul3A_32 : i32
    %add3A_34 = arith.constant 480 : i32
    %add3A_35 = arith.addi %mul3A_33, %add3A_34 : i32
    "tpu.region"() ({
      %run_scoped3A = tpu.sem_alloc : memref<!tpu.dma_semaphore, #tpu.memory_space<semaphore_mem>>
      %dma_start3A = arith.constant 0 : i32
      %dma_start3A_52 = tpu.memref_slice %arg9[%add3A_35, %dma_start3A] : memref<10240x128xf32, #tpu.memory_space<vmem_shared>> -> memref<80x128xf32, #tpu.memory_space<vmem_shared>>
      %dma_start3A_53 = arith.constant 0 : i32
      %dma_start3A_54 = tpu.memref_slice %arg9[%add3A_35, %dma_start3A_53] : memref<10240x128xf32, #tpu.memory_space<vmem_shared>> -> memref<80x128xf32, #tpu.memory_space<vmem_shared>>
      tpu.enqueue_dma source(%arg8 : memref<80x128xf32, #tpu.memory_space<vmem>>) target(%dma_start3A_54 : memref<80x128xf32, #tpu.memory_space<vmem_shared>>) target_semaphore(%run_scoped3A : memref<!tpu.dma_semaphore, #tpu.memory_space<semaphore_mem>>)
      %dma_wait3A = arith.constant 0 : i32
      %dma_wait3A_55 = tpu.memref_slice %arg9[%add3A_35, %dma_wait3A] : memref<10240x128xf32, #tpu.memory_space<vmem_shared>> -> memref<80x128xf32, #tpu.memory_space<vmem_shared>>
      %dma_wait3A_56 = arith.constant 0 : i32
      %dma_wait3A_57 = tpu.memref_slice %arg9[%add3A_35, %dma_wait3A_56] : memref<10240x128xf32, #tpu.memory_space<vmem_shared>> -> memref<80x128xf32, #tpu.memory_space<vmem_shared>>
      tpu.wait_dma2 semaphore(%run_scoped3A : memref<!tpu.dma_semaphore, #tpu.memory_space<semaphore_mem>>) src(%arg8 : memref<80x128xf32, #tpu.memory_space<vmem>>) dst(%dma_wait3A_57 : memref<80x128xf32, #tpu.memory_space<vmem_shared>>)
      tpu.yield
    }) : () -> ()
    %mul3A_36 = arith.constant 640 : i32
    %mul3A_37 = arith.muli %arg1, %mul3A_36 : i32
    %add3A_38 = arith.constant 560 : i32
    %add3A_39 = arith.addi %mul3A_37, %add3A_38 : i32
    "tpu.region"() ({
      %run_scoped3A = tpu.sem_alloc : memref<!tpu.dma_semaphore, #tpu.memory_space<semaphore_mem>>
      %dma_start3A = arith.constant 0 : i32
      %dma_start3A_52 = tpu.memref_slice %arg9[%add3A_39, %dma_start3A] : memref<10240x128xf32, #tpu.memory_space<vmem_shared>> -> memref<80x128xf32, #tpu.memory_space<vmem_shared>>
      %dma_start3A_53 = arith.constant 0 : i32
      %dma_start3A_54 = tpu.memref_slice %arg9[%add3A_39, %dma_start3A_53] : memref<10240x128xf32, #tpu.memory_space<vmem_shared>> -> memref<80x128xf32, #tpu.memory_space<vmem_shared>>
      tpu.enqueue_dma source(%arg8 : memref<80x128xf32, #tpu.memory_space<vmem>>) target(%dma_start3A_54 : memref<80x128xf32, #tpu.memory_space<vmem_shared>>) target_semaphore(%run_scoped3A : memref<!tpu.dma_semaphore, #tpu.memory_space<semaphore_mem>>)
      %dma_wait3A = arith.constant 0 : i32
      %dma_wait3A_55 = tpu.memref_slice %arg9[%add3A_39, %dma_wait3A] : memref<10240x128xf32, #tpu.memory_space<vmem_shared>> -> memref<80x128xf32, #tpu.memory_space<vmem_shared>>
      %dma_wait3A_56 = arith.constant 0 : i32
      %dma_wait3A_57 = tpu.memref_slice %arg9[%add3A_39, %dma_wait3A_56] : memref<10240x128xf32, #tpu.memory_space<vmem_shared>> -> memref<80x128xf32, #tpu.memory_space<vmem_shared>>
      tpu.wait_dma2 semaphore(%run_scoped3A : memref<!tpu.dma_semaphore, #tpu.memory_space<semaphore_mem>>) src(%arg8 : memref<80x128xf32, #tpu.memory_space<vmem>>) dst(%dma_wait3A_57 : memref<80x128xf32, #tpu.memory_space<vmem_shared>>)
      tpu.yield
    }) : () -> ()
    %barrier3A = arith.constant 0 : index
    tpu.barrier barrier_id(%barrier3A)
    %scan3A_40 = arith.constant 0 : i32
    %scan3A_41 = arith.constant 0 : i32
    %scan3A_42 = arith.constant 125 : i32
    %scan3A_43 = arith.addi %scan3A_41, %scan3A_42 : i32
    %scan3A_44 = arith.constant 1 : i32
    %scan3A_45 = scf.for %scan3A_52 = %scan3A_41 to %scan3A_43 step %scan3A_44 iter_args(%scan3A_53 = %scan3A_40) -> (i32)  : i32 {
      %dma_start3A = arith.constant 0 : i32
      %dma_start3A_54 = tpu.memref_slice %arg6[%scan3A_52, %dma_start3A] : memref<125x80xi32, #tpu.memory_space<vmem>> -> memref<1x80xi32, #tpu.memory_space<vmem>>
      %dma_start3A_55 = tpu.memref_squeeze %dma_start3A_54 : memref<1x80xi32, #tpu.memory_space<vmem>> -> memref<80xi32, #tpu.memory_space<vmem>>
      %dma_start3A_56 = arith.constant 0 : i32
      %dma_start3A_57 = arith.constant 0 : i32
      %dma_start3A_58 = tpu.memref_slice %arg2[%dma_start3A_56, %dma_start3A_57] : memref<10000x128xf32, #tpu.memory_space<hbm>> -> memref<10000x128xf32, #tpu.memory_space<hbm>>
      tpu.enqueue_indirect_dma source(%dma_start3A_58 : memref<10000x128xf32, #tpu.memory_space<hbm>>) target(%arg8 : memref<80x128xf32, #tpu.memory_space<vmem>>) offsets(%dma_start3A_55 : memref<80xi32, #tpu.memory_space<vmem>>) semaphore(%arg10 : memref<!tpu.dma_semaphore, #tpu.memory_space<semaphore_mem>>)
      %dma_wait3A = arith.constant 0 : i32
      %dma_wait3A_59 = tpu.memref_slice %arg6[%scan3A_52, %dma_wait3A] : memref<125x80xi32, #tpu.memory_space<vmem>> -> memref<1x80xi32, #tpu.memory_space<vmem>>
      %dma_wait3A_60 = tpu.memref_squeeze %dma_wait3A_59 : memref<1x80xi32, #tpu.memory_space<vmem>> -> memref<80xi32, #tpu.memory_space<vmem>>
      %dma_wait3A_61 = arith.constant 0 : i32
      %dma_wait3A_62 = arith.constant 0 : i32
      %dma_wait3A_63 = tpu.memref_slice %arg2[%dma_wait3A_61, %dma_wait3A_62] : memref<10000x128xf32, #tpu.memory_space<hbm>> -> memref<10000x128xf32, #tpu.memory_space<hbm>>
      tpu.wait_indirect_dma semaphore(%arg10 : memref<!tpu.dma_semaphore, #tpu.memory_space<semaphore_mem>>) src(%dma_wait3A_63 : memref<10000x128xf32, #tpu.memory_space<hbm>>) dst(%arg8 : memref<80x128xf32, #tpu.memory_space<vmem>>)
      "tpu.region"() ({
        %run_scoped3A = tpu.sem_alloc : memref<!tpu.dma_semaphore, #tpu.memory_space<semaphore_mem>>
        %dma_start3A_65 = arith.constant 0 : i32
        %dma_start3A_66 = tpu.memref_slice %arg7[%scan3A_52, %dma_start3A_65] : memref<125x80xi32, #tpu.memory_space<vmem>> -> memref<1x80xi32, #tpu.memory_space<vmem>>
        %dma_start3A_67 = tpu.memref_squeeze %dma_start3A_66 : memref<1x80xi32, #tpu.memory_space<vmem>> -> memref<80xi32, #tpu.memory_space<vmem>>
        %dma_start3A_68 = arith.constant 0 : i32
        %dma_start3A_69 = arith.constant 0 : i32
        %dma_start3A_70 = tpu.memref_slice %arg9[%dma_start3A_68, %dma_start3A_69] : memref<10240x128xf32, #tpu.memory_space<vmem_shared>> -> memref<10240x128xf32, #tpu.memory_space<vmem_shared>>
        tpu.enqueue_indirect_dma source(%arg8 : memref<80x128xf32, #tpu.memory_space<vmem>>) target(%dma_start3A_70 : memref<10240x128xf32, #tpu.memory_space<vmem_shared>>) offsets(%dma_start3A_67 : memref<80xi32, #tpu.memory_space<vmem>>) semaphore(%run_scoped3A : memref<!tpu.dma_semaphore, #tpu.memory_space<semaphore_mem>>) {add = true}
        %dma_wait3A_71 = arith.constant 0 : i32
        %dma_wait3A_72 = tpu.memref_slice %arg7[%scan3A_52, %dma_wait3A_71] : memref<125x80xi32, #tpu.memory_space<vmem>> -> memref<1x80xi32, #tpu.memory_space<vmem>>
        %dma_wait3A_73 = tpu.memref_squeeze %dma_wait3A_72 : memref<1x80xi32, #tpu.memory_space<vmem>> -> memref<80xi32, #tpu.memory_space<vmem>>
        %dma_wait3A_74 = arith.constant 0 : i32
        %dma_wait3A_75 = arith.constant 0 : i32
        %dma_wait3A_76 = tpu.memref_slice %arg9[%dma_wait3A_74, %dma_wait3A_75] : memref<10240x128xf32, #tpu.memory_space<vmem_shared>> -> memref<10240x128xf32, #tpu.memory_space<vmem_shared>>
        tpu.wait_indirect_dma semaphore(%run_scoped3A : memref<!tpu.dma_semaphore, #tpu.memory_space<semaphore_mem>>) src(%arg8 : memref<80x128xf32, #tpu.memory_space<vmem>>) dst(%dma_wait3A_76 : memref<10240x128xf32, #tpu.memory_space<vmem_shared>>)
        tpu.yield
      }) : () -> ()
      %scan3A_64 = arith.constant 0 : i32
      scf.yield %scan3A_64 : i32
    }
    %scan3A_46 = arith.constant 125 : i32
    %barrier3A_47 = arith.constant 0 : index
    tpu.barrier barrier_id(%barrier3A_47)
    %mul3A_48 = arith.constant 640 : i32
    %mul3A_49 = arith.muli %arg1, %mul3A_48 : i32
    %mul3A_50 = arith.constant 640 : i32
    %mul3A_51 = arith.muli %arg1, %mul3A_50 : i32
    "tpu.region"() ({
      %run_scoped3A = tpu.sem_alloc : memref<!tpu.dma_semaphore, #tpu.memory_space<semaphore_mem>>
      %dma_start3A = arith.constant 0 : i32
      %dma_start3A_52 = tpu.memref_slice %arg5[%arg0, %mul3A_51, %dma_start3A] : memref<2x10240x128xf32, #tpu.memory_space<hbm>> -> memref<1x640x128xf32, #tpu.memory_space<hbm>>
      %dma_start3A_53 = tpu.memref_squeeze %dma_start3A_52 : memref<1x640x128xf32, #tpu.memory_space<hbm>> -> memref<640x128xf32, #tpu.memory_space<hbm>>
      %dma_start3A_54 = arith.constant 0 : i32
      %dma_start3A_55 = tpu.memref_slice %arg9[%mul3A_49, %dma_start3A_54] : memref<10240x128xf32, #tpu.memory_space<vmem_shared>> -> memref<640x128xf32, #tpu.memory_space<vmem_shared>>
      tpu.enqueue_dma source(%dma_start3A_55 : memref<640x128xf32, #tpu.memory_space<vmem_shared>>) target(%dma_start3A_53 : memref<640x128xf32, #tpu.memory_space<hbm>>) target_semaphore(%run_scoped3A : memref<!tpu.dma_semaphore, #tpu.memory_space<semaphore_mem>>)
      %dma_wait3A = arith.constant 0 : i32
      %dma_wait3A_56 = tpu.memref_slice %arg5[%arg0, %mul3A_51, %dma_wait3A] : memref<2x10240x128xf32, #tpu.memory_space<hbm>> -> memref<1x640x128xf32, #tpu.memory_space<hbm>>
      %dma_wait3A_57 = tpu.memref_squeeze %dma_wait3A_56 : memref<1x640x128xf32, #tpu.memory_space<hbm>> -> memref<640x128xf32, #tpu.memory_space<hbm>>
      %dma_wait3A_58 = arith.constant 0 : i32
      %dma_wait3A_59 = tpu.memref_slice %arg9[%mul3A_49, %dma_wait3A_58] : memref<10240x128xf32, #tpu.memory_space<vmem_shared>> -> memref<640x128xf32, #tpu.memory_space<vmem_shared>>
      tpu.wait_dma2 semaphore(%run_scoped3A : memref<!tpu.dma_semaphore, #tpu.memory_space<semaphore_mem>>) src(%dma_wait3A_59 : memref<640x128xf32, #tpu.memory_space<vmem_shared>>) dst(%dma_wait3A_57 : memref<640x128xf32, #tpu.memory_space<hbm>>)
      tpu.yield
    }) : () -> ()
    return
  }
}

#map = affine_map<(d0, d1) -> (0, 0)>
#map1 = affine_map<(d0, d1) -> (0, 0, 0)>
module attributes {stable_mosaic.version = 14 : i64} {
  func.func @prop(%arg0: i32, %arg1: i32, %arg2: memref<10000x128xf32, #tpu.memory_space<hbm>>, %arg3: memref<32x125x80xi32, #tpu.memory_space<hbm>>, %arg4: memref<32x125x80xi32, #tpu.memory_space<hbm>>, %arg5: memref<2x10240x128xf32, #tpu.memory_space<hbm>>, %arg6: memref<125x80xi32, #tpu.memory_space<vmem>>, %arg7: memref<125x80xi32, #tpu.memory_space<vmem>>, %arg8: memref<80x128xf32, #tpu.memory_space<vmem>>, %arg9: memref<10240x128xf32, #tpu.memory_space<vmem_shared>>, %arg10: memref<!tpu.dma_semaphore, #tpu.memory_space<semaphore_mem>>) attributes {dimension_semantics = [#tpu.dimension_semantics<core_parallel>, #tpu.dimension_semantics<subcore_parallel>], iteration_bounds = array<i64: 2, 16>, scalar_prefetch = 0 : i64, scratch_operands = 5 : i64, tpu.core_type = #tpu.core_type<sc_vector_subcore>, window_params = [{transform_indices = #map}, {transform_indices = #map1}, {transform_indices = #map1}, {transform_indices = #map1}]} {
    %mul3A = arith.constant 16 : i32
    %mul3A_0 = arith.muli %arg0, %mul3A : i32
    %add3A = arith.addi %mul3A_0, %arg1 : i32
    "tpu.region"() ({
      %run_scoped3A = tpu.sem_alloc : memref<!tpu.dma_semaphore, #tpu.memory_space<semaphore_mem>>
      %dma_start3A = arith.constant 0 : i32
      %dma_start3A_52 = arith.constant 0 : i32
      %dma_start3A_53 = tpu.memref_slice %arg3[%add3A, %dma_start3A, %dma_start3A_52] : memref<32x125x80xi32, #tpu.memory_space<hbm>> -> memref<1x125x80xi32, #tpu.memory_space<hbm>>
      %dma_start3A_54 = tpu.memref_squeeze %dma_start3A_53 : memref<1x125x80xi32, #tpu.memory_space<hbm>> -> memref<125x80xi32, #tpu.memory_space<hbm>>
      %dma_start3A_55 = arith.constant 0 : i32
      %dma_start3A_56 = arith.constant 0 : i32
      %dma_start3A_57 = tpu.memref_slice %arg3[%add3A, %dma_start3A_55, %dma_start3A_56] : memref<32x125x80xi32, #tpu.memory_space<hbm>> -> memref<1x125x80xi32, #tpu.memory_space<hbm>>
      %dma_start3A_58 = tpu.memref_squeeze %dma_start3A_57 : memref<1x125x80xi32, #tpu.memory_space<hbm>> -> memref<125x80xi32, #tpu.memory_space<hbm>>
      tpu.enqueue_dma source(%dma_start3A_58 : memref<125x80xi32, #tpu.memory_space<hbm>>) target(%arg6 : memref<125x80xi32, #tpu.memory_space<vmem>>) target_semaphore(%run_scoped3A : memref<!tpu.dma_semaphore, #tpu.memory_space<semaphore_mem>>)
      %dma_wait3A = arith.constant 0 : i32
      %dma_wait3A_59 = arith.constant 0 : i32
      %dma_wait3A_60 = tpu.memref_slice %arg3[%add3A, %dma_wait3A, %dma_wait3A_59] : memref<32x125x80xi32, #tpu.memory_space<hbm>> -> memref<1x125x80xi32, #tpu.memory_space<hbm>>
      %dma_wait3A_61 = tpu.memref_squeeze %dma_wait3A_60 : memref<1x125x80xi32, #tpu.memory_space<hbm>> -> memref<125x80xi32, #tpu.memory_space<hbm>>
      %dma_wait3A_62 = arith.constant 0 : i32
      %dma_wait3A_63 = arith.constant 0 : i32
      %dma_wait3A_64 = tpu.memref_slice %arg3[%add3A, %dma_wait3A_62, %dma_wait3A_63] : memref<32x125x80xi32, #tpu.memory_space<hbm>> -> memref<1x125x80xi32, #tpu.memory_space<hbm>>
      %dma_wait3A_65 = tpu.memref_squeeze %dma_wait3A_64 : memref<1x125x80xi32, #tpu.memory_space<hbm>> -> memref<125x80xi32, #tpu.memory_space<hbm>>
      tpu.wait_dma2 semaphore(%run_scoped3A : memref<!tpu.dma_semaphore, #tpu.memory_space<semaphore_mem>>) src(%dma_wait3A_65 : memref<125x80xi32, #tpu.memory_space<hbm>>) dst(%arg6 : memref<125x80xi32, #tpu.memory_space<vmem>>)
      tpu.yield
    }) : () -> ()
    "tpu.region"() ({
      %run_scoped3A = tpu.sem_alloc : memref<!tpu.dma_semaphore, #tpu.memory_space<semaphore_mem>>
      %dma_start3A = arith.constant 0 : i32
      %dma_start3A_52 = arith.constant 0 : i32
      %dma_start3A_53 = tpu.memref_slice %arg4[%add3A, %dma_start3A, %dma_start3A_52] : memref<32x125x80xi32, #tpu.memory_space<hbm>> -> memref<1x125x80xi32, #tpu.memory_space<hbm>>
      %dma_start3A_54 = tpu.memref_squeeze %dma_start3A_53 : memref<1x125x80xi32, #tpu.memory_space<hbm>> -> memref<125x80xi32, #tpu.memory_space<hbm>>
      %dma_start3A_55 = arith.constant 0 : i32
      %dma_start3A_56 = arith.constant 0 : i32
      %dma_start3A_57 = tpu.memref_slice %arg4[%add3A, %dma_start3A_55, %dma_start3A_56] : memref<32x125x80xi32, #tpu.memory_space<hbm>> -> memref<1x125x80xi32, #tpu.memory_space<hbm>>
      %dma_start3A_58 = tpu.memref_squeeze %dma_start3A_57 : memref<1x125x80xi32, #tpu.memory_space<hbm>> -> memref<125x80xi32, #tpu.memory_space<hbm>>
      tpu.enqueue_dma source(%dma_start3A_58 : memref<125x80xi32, #tpu.memory_space<hbm>>) target(%arg7 : memref<125x80xi32, #tpu.memory_space<vmem>>) target_semaphore(%run_scoped3A : memref<!tpu.dma_semaphore, #tpu.memory_space<semaphore_mem>>)
      %dma_wait3A = arith.constant 0 : i32
      %dma_wait3A_59 = arith.constant 0 : i32
      %dma_wait3A_60 = tpu.memref_slice %arg4[%add3A, %dma_wait3A, %dma_wait3A_59] : memref<32x125x80xi32, #tpu.memory_space<hbm>> -> memref<1x125x80xi32, #tpu.memory_space<hbm>>
      %dma_wait3A_61 = tpu.memref_squeeze %dma_wait3A_60 : memref<1x125x80xi32, #tpu.memory_space<hbm>> -> memref<125x80xi32, #tpu.memory_space<hbm>>
      %dma_wait3A_62 = arith.constant 0 : i32
      %dma_wait3A_63 = arith.constant 0 : i32
      %dma_wait3A_64 = tpu.memref_slice %arg4[%add3A, %dma_wait3A_62, %dma_wait3A_63] : memref<32x125x80xi32, #tpu.memory_space<hbm>> -> memref<1x125x80xi32, #tpu.memory_space<hbm>>
      %dma_wait3A_65 = tpu.memref_squeeze %dma_wait3A_64 : memref<1x125x80xi32, #tpu.memory_space<hbm>> -> memref<125x80xi32, #tpu.memory_space<hbm>>
      tpu.wait_dma2 semaphore(%run_scoped3A : memref<!tpu.dma_semaphore, #tpu.memory_space<semaphore_mem>>) src(%dma_wait3A_65 : memref<125x80xi32, #tpu.memory_space<hbm>>) dst(%arg7 : memref<125x80xi32, #tpu.memory_space<vmem>>)
      tpu.yield
    }) : () -> ()
    %broadcast_in_dim3A = arith.constant 0.000000e+00 : f32
    %broadcast_in_dim3A_1 = vector.broadcast %broadcast_in_dim3A : f32 to vector<16xf32>
    %scan3A = arith.constant 0 : i32
    %scan3A_2 = arith.constant 0 : i32
    %scan3A_3 = arith.constant 80 : i32
    %scan3A_4 = arith.addi %scan3A_2, %scan3A_3 : i32
    %scan3A_5 = arith.constant 1 : i32
    %scan3A_6 = scf.for %scan3A_52 = %scan3A_2 to %scan3A_4 step %scan3A_5 iter_args(%scan3A_53 = %scan3A) -> (i32)  : i32 {
      %swap3A = arith.index_cast %scan3A_52 : i32 to index
      %swap3A_54 = arith.constant 0 : index
      %swap3A_55 = tpu.vector_load %arg8[%swap3A, %swap3A_54] {strides = array<i32>} : memref<80x128xf32, #tpu.memory_space<vmem>>, vector<1x16xf32>,
      %swap3A_56 = vector.shape_cast %swap3A_55 : vector<1x16xf32> to vector<16xf32>
      %swap3A_57 = vector.shape_cast %broadcast_in_dim3A_1 : vector<16xf32> to vector<1x16xf32>
      tpu.vector_store %arg8[%swap3A, %swap3A_54], %swap3A_57 {strides = array<i32>} : memref<80x128xf32, #tpu.memory_space<vmem>>, vector<1x16xf32>,
      %swap3A_58 = arith.index_cast %scan3A_52 : i32 to index
      %swap3A_59 = arith.constant 16 : index
      %swap3A_60 = tpu.vector_load %arg8[%swap3A_58, %swap3A_59] {strides = array<i32>} : memref<80x128xf32, #tpu.memory_space<vmem>>, vector<1x16xf32>,
      %swap3A_61 = vector.shape_cast %swap3A_60 : vector<1x16xf32> to vector<16xf32>
      %swap3A_62 = vector.shape_cast %broadcast_in_dim3A_1 : vector<16xf32> to vector<1x16xf32>
      tpu.vector_store %arg8[%swap3A_58, %swap3A_59], %swap3A_62 {strides = array<i32>} : memref<80x128xf32, #tpu.memory_space<vmem>>, vector<1x16xf32>,
      %swap3A_63 = arith.index_cast %scan3A_52 : i32 to index
      %swap3A_64 = arith.constant 32 : index
      %swap3A_65 = tpu.vector_load %arg8[%swap3A_63, %swap3A_64] {strides = array<i32>} : memref<80x128xf32, #tpu.memory_space<vmem>>, vector<1x16xf32>,
      %swap3A_66 = vector.shape_cast %swap3A_65 : vector<1x16xf32> to vector<16xf32>
      %swap3A_67 = vector.shape_cast %broadcast_in_dim3A_1 : vector<16xf32> to vector<1x16xf32>
      tpu.vector_store %arg8[%swap3A_63, %swap3A_64], %swap3A_67 {strides = array<i32>} : memref<80x128xf32, #tpu.memory_space<vmem>>, vector<1x16xf32>,
      %swap3A_68 = arith.index_cast %scan3A_52 : i32 to index
      %swap3A_69 = arith.constant 48 : index
      %swap3A_70 = tpu.vector_load %arg8[%swap3A_68, %swap3A_69] {strides = array<i32>} : memref<80x128xf32, #tpu.memory_space<vmem>>, vector<1x16xf32>,
      %swap3A_71 = vector.shape_cast %swap3A_70 : vector<1x16xf32> to vector<16xf32>
      %swap3A_72 = vector.shape_cast %broadcast_in_dim3A_1 : vector<16xf32> to vector<1x16xf32>
      tpu.vector_store %arg8[%swap3A_68, %swap3A_69], %swap3A_72 {strides = array<i32>} : memref<80x128xf32, #tpu.memory_space<vmem>>, vector<1x16xf32>,
      %swap3A_73 = arith.index_cast %scan3A_52 : i32 to index
      %swap3A_74 = arith.constant 64 : index
      %swap3A_75 = tpu.vector_load %arg8[%swap3A_73, %swap3A_74] {strides = array<i32>} : memref<80x128xf32, #tpu.memory_space<vmem>>, vector<1x16xf32>,
      %swap3A_76 = vector.shape_cast %swap3A_75 : vector<1x16xf32> to vector<16xf32>
      %swap3A_77 = vector.shape_cast %broadcast_in_dim3A_1 : vector<16xf32> to vector<1x16xf32>
      tpu.vector_store %arg8[%swap3A_73, %swap3A_74], %swap3A_77 {strides = array<i32>} : memref<80x128xf32, #tpu.memory_space<vmem>>, vector<1x16xf32>,
      %swap3A_78 = arith.index_cast %scan3A_52 : i32 to index
      %swap3A_79 = arith.constant 80 : index
      %swap3A_80 = tpu.vector_load %arg8[%swap3A_78, %swap3A_79] {strides = array<i32>} : memref<80x128xf32, #tpu.memory_space<vmem>>, vector<1x16xf32>,
      %swap3A_81 = vector.shape_cast %swap3A_80 : vector<1x16xf32> to vector<16xf32>
      %swap3A_82 = vector.shape_cast %broadcast_in_dim3A_1 : vector<16xf32> to vector<1x16xf32>
      tpu.vector_store %arg8[%swap3A_78, %swap3A_79], %swap3A_82 {strides = array<i32>} : memref<80x128xf32, #tpu.memory_space<vmem>>, vector<1x16xf32>,
      %swap3A_83 = arith.index_cast %scan3A_52 : i32 to index
      %swap3A_84 = arith.constant 96 : index
      %swap3A_85 = tpu.vector_load %arg8[%swap3A_83, %swap3A_84] {strides = array<i32>} : memref<80x128xf32, #tpu.memory_space<vmem>>, vector<1x16xf32>,
      %swap3A_86 = vector.shape_cast %swap3A_85 : vector<1x16xf32> to vector<16xf32>
      %swap3A_87 = vector.shape_cast %broadcast_in_dim3A_1 : vector<16xf32> to vector<1x16xf32>
      tpu.vector_store %arg8[%swap3A_83, %swap3A_84], %swap3A_87 {strides = array<i32>} : memref<80x128xf32, #tpu.memory_space<vmem>>, vector<1x16xf32>,
      %swap3A_88 = arith.index_cast %scan3A_52 : i32 to index
      %swap3A_89 = arith.constant 112 : index
      %swap3A_90 = tpu.vector_load %arg8[%swap3A_88, %swap3A_89] {strides = array<i32>} : memref<80x128xf32, #tpu.memory_space<vmem>>, vector<1x16xf32>,
      %swap3A_91 = vector.shape_cast %swap3A_90 : vector<1x16xf32> to vector<16xf32>
      %swap3A_92 = vector.shape_cast %broadcast_in_dim3A_1 : vector<16xf32> to vector<1x16xf32>
      tpu.vector_store %arg8[%swap3A_88, %swap3A_89], %swap3A_92 {strides = array<i32>} : memref<80x128xf32, #tpu.memory_space<vmem>>, vector<1x16xf32>,
      %scan3A_93 = arith.constant 0 : i32
      scf.yield %scan3A_93 : i32
    }
    %scan3A_7 = arith.constant 80 : i32
    %mul3A_8 = arith.constant 640 : i32
    %mul3A_9 = arith.muli %arg1, %mul3A_8 : i32
    %add3A_10 = arith.constant 0 : i32
    %add3A_11 = arith.addi %mul3A_9, %add3A_10 : i32
    "tpu.region"() ({
      %run_scoped3A = tpu.sem_alloc : memref<!tpu.dma_semaphore, #tpu.memory_space<semaphore_mem>>
      %dma_start3A = arith.constant 0 : i32
      %dma_start3A_52 = tpu.memref_slice %arg9[%add3A_11, %dma_start3A] : memref<10240x128xf32, #tpu.memory_space<vmem_shared>> -> memref<80x128xf32, #tpu.memory_space<vmem_shared>>
      %dma_start3A_53 = arith.constant 0 : i32
      %dma_start3A_54 = tpu.memref_slice %arg9[%add3A_11, %dma_start3A_53] : memref<10240x128xf32, #tpu.memory_space<vmem_shared>> -> memref<80x128xf32, #tpu.memory_space<vmem_shared>>
      tpu.enqueue_dma source(%arg8 : memref<80x128xf32, #tpu.memory_space<vmem>>) target(%dma_start3A_54 : memref<80x128xf32, #tpu.memory_space<vmem_shared>>) target_semaphore(%run_scoped3A : memref<!tpu.dma_semaphore, #tpu.memory_space<semaphore_mem>>)
      %dma_wait3A = arith.constant 0 : i32
      %dma_wait3A_55 = tpu.memref_slice %arg9[%add3A_11, %dma_wait3A] : memref<10240x128xf32, #tpu.memory_space<vmem_shared>> -> memref<80x128xf32, #tpu.memory_space<vmem_shared>>
      %dma_wait3A_56 = arith.constant 0 : i32
      %dma_wait3A_57 = tpu.memref_slice %arg9[%add3A_11, %dma_wait3A_56] : memref<10240x128xf32, #tpu.memory_space<vmem_shared>> -> memref<80x128xf32, #tpu.memory_space<vmem_shared>>
      tpu.wait_dma2 semaphore(%run_scoped3A : memref<!tpu.dma_semaphore, #tpu.memory_space<semaphore_mem>>) src(%arg8 : memref<80x128xf32, #tpu.memory_space<vmem>>) dst(%dma_wait3A_57 : memref<80x128xf32, #tpu.memory_space<vmem_shared>>)
      tpu.yield
    }) : () -> ()
    %mul3A_12 = arith.constant 640 : i32
    %mul3A_13 = arith.muli %arg1, %mul3A_12 : i32
    %add3A_14 = arith.constant 80 : i32
    %add3A_15 = arith.addi %mul3A_13, %add3A_14 : i32
    "tpu.region"() ({
      %run_scoped3A = tpu.sem_alloc : memref<!tpu.dma_semaphore, #tpu.memory_space<semaphore_mem>>
      %dma_start3A = arith.constant 0 : i32
      %dma_start3A_52 = tpu.memref_slice %arg9[%add3A_15, %dma_start3A] : memref<10240x128xf32, #tpu.memory_space<vmem_shared>> -> memref<80x128xf32, #tpu.memory_space<vmem_shared>>
      %dma_start3A_53 = arith.constant 0 : i32
      %dma_start3A_54 = tpu.memref_slice %arg9[%add3A_15, %dma_start3A_53] : memref<10240x128xf32, #tpu.memory_space<vmem_shared>> -> memref<80x128xf32, #tpu.memory_space<vmem_shared>>
      tpu.enqueue_dma source(%arg8 : memref<80x128xf32, #tpu.memory_space<vmem>>) target(%dma_start3A_54 : memref<80x128xf32, #tpu.memory_space<vmem_shared>>) target_semaphore(%run_scoped3A : memref<!tpu.dma_semaphore, #tpu.memory_space<semaphore_mem>>)
      %dma_wait3A = arith.constant 0 : i32
      %dma_wait3A_55 = tpu.memref_slice %arg9[%add3A_15, %dma_wait3A] : memref<10240x128xf32, #tpu.memory_space<vmem_shared>> -> memref<80x128xf32, #tpu.memory_space<vmem_shared>>
      %dma_wait3A_56 = arith.constant 0 : i32
      %dma_wait3A_57 = tpu.memref_slice %arg9[%add3A_15, %dma_wait3A_56] : memref<10240x128xf32, #tpu.memory_space<vmem_shared>> -> memref<80x128xf32, #tpu.memory_space<vmem_shared>>
      tpu.wait_dma2 semaphore(%run_scoped3A : memref<!tpu.dma_semaphore, #tpu.memory_space<semaphore_mem>>) src(%arg8 : memref<80x128xf32, #tpu.memory_space<vmem>>) dst(%dma_wait3A_57 : memref<80x128xf32, #tpu.memory_space<vmem_shared>>)
      tpu.yield
    }) : () -> ()
    %mul3A_16 = arith.constant 640 : i32
    %mul3A_17 = arith.muli %arg1, %mul3A_16 : i32
    %add3A_18 = arith.constant 160 : i32
    %add3A_19 = arith.addi %mul3A_17, %add3A_18 : i32
    "tpu.region"() ({
      %run_scoped3A = tpu.sem_alloc : memref<!tpu.dma_semaphore, #tpu.memory_space<semaphore_mem>>
      %dma_start3A = arith.constant 0 : i32
      %dma_start3A_52 = tpu.memref_slice %arg9[%add3A_19, %dma_start3A] : memref<10240x128xf32, #tpu.memory_space<vmem_shared>> -> memref<80x128xf32, #tpu.memory_space<vmem_shared>>
      %dma_start3A_53 = arith.constant 0 : i32
      %dma_start3A_54 = tpu.memref_slice %arg9[%add3A_19, %dma_start3A_53] : memref<10240x128xf32, #tpu.memory_space<vmem_shared>> -> memref<80x128xf32, #tpu.memory_space<vmem_shared>>
      tpu.enqueue_dma source(%arg8 : memref<80x128xf32, #tpu.memory_space<vmem>>) target(%dma_start3A_54 : memref<80x128xf32, #tpu.memory_space<vmem_shared>>) target_semaphore(%run_scoped3A : memref<!tpu.dma_semaphore, #tpu.memory_space<semaphore_mem>>)
      %dma_wait3A = arith.constant 0 : i32
      %dma_wait3A_55 = tpu.memref_slice %arg9[%add3A_19, %dma_wait3A] : memref<10240x128xf32, #tpu.memory_space<vmem_shared>> -> memref<80x128xf32, #tpu.memory_space<vmem_shared>>
      %dma_wait3A_56 = arith.constant 0 : i32
      %dma_wait3A_57 = tpu.memref_slice %arg9[%add3A_19, %dma_wait3A_56] : memref<10240x128xf32, #tpu.memory_space<vmem_shared>> -> memref<80x128xf32, #tpu.memory_space<vmem_shared>>
      tpu.wait_dma2 semaphore(%run_scoped3A : memref<!tpu.dma_semaphore, #tpu.memory_space<semaphore_mem>>) src(%arg8 : memref<80x128xf32, #tpu.memory_space<vmem>>) dst(%dma_wait3A_57 : memref<80x128xf32, #tpu.memory_space<vmem_shared>>)
      tpu.yield
    }) : () -> ()
    %mul3A_20 = arith.constant 640 : i32
    %mul3A_21 = arith.muli %arg1, %mul3A_20 : i32
    %add3A_22 = arith.constant 240 : i32
    %add3A_23 = arith.addi %mul3A_21, %add3A_22 : i32
    "tpu.region"() ({
      %run_scoped3A = tpu.sem_alloc : memref<!tpu.dma_semaphore, #tpu.memory_space<semaphore_mem>>
      %dma_start3A = arith.constant 0 : i32
      %dma_start3A_52 = tpu.memref_slice %arg9[%add3A_23, %dma_start3A] : memref<10240x128xf32, #tpu.memory_space<vmem_shared>> -> memref<80x128xf32, #tpu.memory_space<vmem_shared>>
      %dma_start3A_53 = arith.constant 0 : i32
      %dma_start3A_54 = tpu.memref_slice %arg9[%add3A_23, %dma_start3A_53] : memref<10240x128xf32, #tpu.memory_space<vmem_shared>> -> memref<80x128xf32, #tpu.memory_space<vmem_shared>>
      tpu.enqueue_dma source(%arg8 : memref<80x128xf32, #tpu.memory_space<vmem>>) target(%dma_start3A_54 : memref<80x128xf32, #tpu.memory_space<vmem_shared>>) target_semaphore(%run_scoped3A : memref<!tpu.dma_semaphore, #tpu.memory_space<semaphore_mem>>)
      %dma_wait3A = arith.constant 0 : i32
      %dma_wait3A_55 = tpu.memref_slice %arg9[%add3A_23, %dma_wait3A] : memref<10240x128xf32, #tpu.memory_space<vmem_shared>> -> memref<80x128xf32, #tpu.memory_space<vmem_shared>>
      %dma_wait3A_56 = arith.constant 0 : i32
      %dma_wait3A_57 = tpu.memref_slice %arg9[%add3A_23, %dma_wait3A_56] : memref<10240x128xf32, #tpu.memory_space<vmem_shared>> -> memref<80x128xf32, #tpu.memory_space<vmem_shared>>
      tpu.wait_dma2 semaphore(%run_scoped3A : memref<!tpu.dma_semaphore, #tpu.memory_space<semaphore_mem>>) src(%arg8 : memref<80x128xf32, #tpu.memory_space<vmem>>) dst(%dma_wait3A_57 : memref<80x128xf32, #tpu.memory_space<vmem_shared>>)
      tpu.yield
    }) : () -> ()
    %mul3A_24 = arith.constant 640 : i32
    %mul3A_25 = arith.muli %arg1, %mul3A_24 : i32
    %add3A_26 = arith.constant 320 : i32
    %add3A_27 = arith.addi %mul3A_25, %add3A_26 : i32
    "tpu.region"() ({
      %run_scoped3A = tpu.sem_alloc : memref<!tpu.dma_semaphore, #tpu.memory_space<semaphore_mem>>
      %dma_start3A = arith.constant 0 : i32
      %dma_start3A_52 = tpu.memref_slice %arg9[%add3A_27, %dma_start3A] : memref<10240x128xf32, #tpu.memory_space<vmem_shared>> -> memref<80x128xf32, #tpu.memory_space<vmem_shared>>
      %dma_start3A_53 = arith.constant 0 : i32
      %dma_start3A_54 = tpu.memref_slice %arg9[%add3A_27, %dma_start3A_53] : memref<10240x128xf32, #tpu.memory_space<vmem_shared>> -> memref<80x128xf32, #tpu.memory_space<vmem_shared>>
      tpu.enqueue_dma source(%arg8 : memref<80x128xf32, #tpu.memory_space<vmem>>) target(%dma_start3A_54 : memref<80x128xf32, #tpu.memory_space<vmem_shared>>) target_semaphore(%run_scoped3A : memref<!tpu.dma_semaphore, #tpu.memory_space<semaphore_mem>>)
      %dma_wait3A = arith.constant 0 : i32
      %dma_wait3A_55 = tpu.memref_slice %arg9[%add3A_27, %dma_wait3A] : memref<10240x128xf32, #tpu.memory_space<vmem_shared>> -> memref<80x128xf32, #tpu.memory_space<vmem_shared>>
      %dma_wait3A_56 = arith.constant 0 : i32
      %dma_wait3A_57 = tpu.memref_slice %arg9[%add3A_27, %dma_wait3A_56] : memref<10240x128xf32, #tpu.memory_space<vmem_shared>> -> memref<80x128xf32, #tpu.memory_space<vmem_shared>>
      tpu.wait_dma2 semaphore(%run_scoped3A : memref<!tpu.dma_semaphore, #tpu.memory_space<semaphore_mem>>) src(%arg8 : memref<80x128xf32, #tpu.memory_space<vmem>>) dst(%dma_wait3A_57 : memref<80x128xf32, #tpu.memory_space<vmem_shared>>)
      tpu.yield
    }) : () -> ()
    %mul3A_28 = arith.constant 640 : i32
    %mul3A_29 = arith.muli %arg1, %mul3A_28 : i32
    %add3A_30 = arith.constant 400 : i32
    %add3A_31 = arith.addi %mul3A_29, %add3A_30 : i32
    "tpu.region"() ({
      %run_scoped3A = tpu.sem_alloc : memref<!tpu.dma_semaphore, #tpu.memory_space<semaphore_mem>>
      %dma_start3A = arith.constant 0 : i32
      %dma_start3A_52 = tpu.memref_slice %arg9[%add3A_31, %dma_start3A] : memref<10240x128xf32, #tpu.memory_space<vmem_shared>> -> memref<80x128xf32, #tpu.memory_space<vmem_shared>>
      %dma_start3A_53 = arith.constant 0 : i32
      %dma_start3A_54 = tpu.memref_slice %arg9[%add3A_31, %dma_start3A_53] : memref<10240x128xf32, #tpu.memory_space<vmem_shared>> -> memref<80x128xf32, #tpu.memory_space<vmem_shared>>
      tpu.enqueue_dma source(%arg8 : memref<80x128xf32, #tpu.memory_space<vmem>>) target(%dma_start3A_54 : memref<80x128xf32, #tpu.memory_space<vmem_shared>>) target_semaphore(%run_scoped3A : memref<!tpu.dma_semaphore, #tpu.memory_space<semaphore_mem>>)
      %dma_wait3A = arith.constant 0 : i32
      %dma_wait3A_55 = tpu.memref_slice %arg9[%add3A_31, %dma_wait3A] : memref<10240x128xf32, #tpu.memory_space<vmem_shared>> -> memref<80x128xf32, #tpu.memory_space<vmem_shared>>
      %dma_wait3A_56 = arith.constant 0 : i32
      %dma_wait3A_57 = tpu.memref_slice %arg9[%add3A_31, %dma_wait3A_56] : memref<10240x128xf32, #tpu.memory_space<vmem_shared>> -> memref<80x128xf32, #tpu.memory_space<vmem_shared>>
      tpu.wait_dma2 semaphore(%run_scoped3A : memref<!tpu.dma_semaphore, #tpu.memory_space<semaphore_mem>>) src(%arg8 : memref<80x128xf32, #tpu.memory_space<vmem>>) dst(%dma_wait3A_57 : memref<80x128xf32, #tpu.memory_space<vmem_shared>>)
      tpu.yield
    }) : () -> ()
    %mul3A_32 = arith.constant 640 : i32
    %mul3A_33 = arith.muli %arg1, %mul3A_32 : i32
    %add3A_34 = arith.constant 480 : i32
    %add3A_35 = arith.addi %mul3A_33, %add3A_34 : i32
    "tpu.region"() ({
      %run_scoped3A = tpu.sem_alloc : memref<!tpu.dma_semaphore, #tpu.memory_space<semaphore_mem>>
      %dma_start3A = arith.constant 0 : i32
      %dma_start3A_52 = tpu.memref_slice %arg9[%add3A_35, %dma_start3A] : memref<10240x128xf32, #tpu.memory_space<vmem_shared>> -> memref<80x128xf32, #tpu.memory_space<vmem_shared>>
      %dma_start3A_53 = arith.constant 0 : i32
      %dma_start3A_54 = tpu.memref_slice %arg9[%add3A_35, %dma_start3A_53] : memref<10240x128xf32, #tpu.memory_space<vmem_shared>> -> memref<80x128xf32, #tpu.memory_space<vmem_shared>>
      tpu.enqueue_dma source(%arg8 : memref<80x128xf32, #tpu.memory_space<vmem>>) target(%dma_start3A_54 : memref<80x128xf32, #tpu.memory_space<vmem_shared>>) target_semaphore(%run_scoped3A : memref<!tpu.dma_semaphore, #tpu.memory_space<semaphore_mem>>)
      %dma_wait3A = arith.constant 0 : i32
      %dma_wait3A_55 = tpu.memref_slice %arg9[%add3A_35, %dma_wait3A] : memref<10240x128xf32, #tpu.memory_space<vmem_shared>> -> memref<80x128xf32, #tpu.memory_space<vmem_shared>>
      %dma_wait3A_56 = arith.constant 0 : i32
      %dma_wait3A_57 = tpu.memref_slice %arg9[%add3A_35, %dma_wait3A_56] : memref<10240x128xf32, #tpu.memory_space<vmem_shared>> -> memref<80x128xf32, #tpu.memory_space<vmem_shared>>
      tpu.wait_dma2 semaphore(%run_scoped3A : memref<!tpu.dma_semaphore, #tpu.memory_space<semaphore_mem>>) src(%arg8 : memref<80x128xf32, #tpu.memory_space<vmem>>) dst(%dma_wait3A_57 : memref<80x128xf32, #tpu.memory_space<vmem_shared>>)
      tpu.yield
    }) : () -> ()
    %mul3A_36 = arith.constant 640 : i32
    %mul3A_37 = arith.muli %arg1, %mul3A_36 : i32
    %add3A_38 = arith.constant 560 : i32
    %add3A_39 = arith.addi %mul3A_37, %add3A_38 : i32
    "tpu.region"() ({
      %run_scoped3A = tpu.sem_alloc : memref<!tpu.dma_semaphore, #tpu.memory_space<semaphore_mem>>
      %dma_start3A = arith.constant 0 : i32
      %dma_start3A_52 = tpu.memref_slice %arg9[%add3A_39, %dma_start3A] : memref<10240x128xf32, #tpu.memory_space<vmem_shared>> -> memref<80x128xf32, #tpu.memory_space<vmem_shared>>
      %dma_start3A_53 = arith.constant 0 : i32
      %dma_start3A_54 = tpu.memref_slice %arg9[%add3A_39, %dma_start3A_53] : memref<10240x128xf32, #tpu.memory_space<vmem_shared>> -> memref<80x128xf32, #tpu.memory_space<vmem_shared>>
      tpu.enqueue_dma source(%arg8 : memref<80x128xf32, #tpu.memory_space<vmem>>) target(%dma_start3A_54 : memref<80x128xf32, #tpu.memory_space<vmem_shared>>) target_semaphore(%run_scoped3A : memref<!tpu.dma_semaphore, #tpu.memory_space<semaphore_mem>>)
      %dma_wait3A = arith.constant 0 : i32
      %dma_wait3A_55 = tpu.memref_slice %arg9[%add3A_39, %dma_wait3A] : memref<10240x128xf32, #tpu.memory_space<vmem_shared>> -> memref<80x128xf32, #tpu.memory_space<vmem_shared>>
      %dma_wait3A_56 = arith.constant 0 : i32
      %dma_wait3A_57 = tpu.memref_slice %arg9[%add3A_39, %dma_wait3A_56] : memref<10240x128xf32, #tpu.memory_space<vmem_shared>> -> memref<80x128xf32, #tpu.memory_space<vmem_shared>>
      tpu.wait_dma2 semaphore(%run_scoped3A : memref<!tpu.dma_semaphore, #tpu.memory_space<semaphore_mem>>) src(%arg8 : memref<80x128xf32, #tpu.memory_space<vmem>>) dst(%dma_wait3A_57 : memref<80x128xf32, #tpu.memory_space<vmem_shared>>)
      tpu.yield
    }) : () -> ()
    %barrier3A = arith.constant 0 : index
    tpu.barrier barrier_id(%barrier3A)
    %scan3A_40 = arith.constant 0 : i32
    %scan3A_41 = arith.constant 0 : i32
    %scan3A_42 = arith.constant 125 : i32
    %scan3A_43 = arith.addi %scan3A_41, %scan3A_42 : i32
    %scan3A_44 = arith.constant 1 : i32
    %scan3A_45 = scf.for %scan3A_52 = %scan3A_41 to %scan3A_43 step %scan3A_44 iter_args(%scan3A_53 = %scan3A_40) -> (i32)  : i32 {
      %dma_start3A = arith.constant 0 : i32
      %dma_start3A_54 = tpu.memref_slice %arg6[%scan3A_52, %dma_start3A] : memref<125x80xi32, #tpu.memory_space<vmem>> -> memref<1x80xi32, #tpu.memory_space<vmem>>
      %dma_start3A_55 = tpu.memref_squeeze %dma_start3A_54 : memref<1x80xi32, #tpu.memory_space<vmem>> -> memref<80xi32, #tpu.memory_space<vmem>>
      %dma_start3A_56 = arith.constant 0 : i32
      %dma_start3A_57 = arith.constant 0 : i32
      %dma_start3A_58 = tpu.memref_slice %arg2[%dma_start3A_56, %dma_start3A_57] : memref<10000x128xf32, #tpu.memory_space<hbm>> -> memref<10000x128xf32, #tpu.memory_space<hbm>>
      tpu.enqueue_indirect_dma source(%dma_start3A_58 : memref<10000x128xf32, #tpu.memory_space<hbm>>) target(%arg8 : memref<80x128xf32, #tpu.memory_space<vmem>>) offsets(%dma_start3A_55 : memref<80xi32, #tpu.memory_space<vmem>>) semaphore(%arg10 : memref<!tpu.dma_semaphore, #tpu.memory_space<semaphore_mem>>)
      %dma_wait3A = arith.constant 0 : i32
      %dma_wait3A_59 = tpu.memref_slice %arg6[%scan3A_52, %dma_wait3A] : memref<125x80xi32, #tpu.memory_space<vmem>> -> memref<1x80xi32, #tpu.memory_space<vmem>>
      %dma_wait3A_60 = tpu.memref_squeeze %dma_wait3A_59 : memref<1x80xi32, #tpu.memory_space<vmem>> -> memref<80xi32, #tpu.memory_space<vmem>>
      %dma_wait3A_61 = arith.constant 0 : i32
      %dma_wait3A_62 = arith.constant 0 : i32
      %dma_wait3A_63 = tpu.memref_slice %arg2[%dma_wait3A_61, %dma_wait3A_62] : memref<10000x128xf32, #tpu.memory_space<hbm>> -> memref<10000x128xf32, #tpu.memory_space<hbm>>
      tpu.wait_indirect_dma semaphore(%arg10 : memref<!tpu.dma_semaphore, #tpu.memory_space<semaphore_mem>>) src(%dma_wait3A_63 : memref<10000x128xf32, #tpu.memory_space<hbm>>) dst(%arg8 : memref<80x128xf32, #tpu.memory_space<vmem>>)
      "tpu.region"() ({
        %run_scoped3A = tpu.sem_alloc : memref<!tpu.dma_semaphore, #tpu.memory_space<semaphore_mem>>
        %dma_start3A_65 = arith.constant 0 : i32
        %dma_start3A_66 = tpu.memref_slice %arg7[%scan3A_52, %dma_start3A_65] : memref<125x80xi32, #tpu.memory_space<vmem>> -> memref<1x80xi32, #tpu.memory_space<vmem>>
        %dma_start3A_67 = tpu.memref_squeeze %dma_start3A_66 : memref<1x80xi32, #tpu.memory_space<vmem>> -> memref<80xi32, #tpu.memory_space<vmem>>
        %dma_start3A_68 = arith.constant 0 : i32
        %dma_start3A_69 = arith.constant 0 : i32
        %dma_start3A_70 = tpu.memref_slice %arg9[%dma_start3A_68, %dma_start3A_69] : memref<10240x128xf32, #tpu.memory_space<vmem_shared>> -> memref<10240x128xf32, #tpu.memory_space<vmem_shared>>
        tpu.enqueue_indirect_dma source(%arg8 : memref<80x128xf32, #tpu.memory_space<vmem>>) target(%dma_start3A_70 : memref<10240x128xf32, #tpu.memory_space<vmem_shared>>) offsets(%dma_start3A_67 : memref<80xi32, #tpu.memory_space<vmem>>) semaphore(%run_scoped3A : memref<!tpu.dma_semaphore, #tpu.memory_space<semaphore_mem>>) {add = true}
        %dma_wait3A_71 = arith.constant 0 : i32
        %dma_wait3A_72 = tpu.memref_slice %arg7[%scan3A_52, %dma_wait3A_71] : memref<125x80xi32, #tpu.memory_space<vmem>> -> memref<1x80xi32, #tpu.memory_space<vmem>>
        %dma_wait3A_73 = tpu.memref_squeeze %dma_wait3A_72 : memref<1x80xi32, #tpu.memory_space<vmem>> -> memref<80xi32, #tpu.memory_space<vmem>>
        %dma_wait3A_74 = arith.constant 0 : i32
        %dma_wait3A_75 = arith.constant 0 : i32
        %dma_wait3A_76 = tpu.memref_slice %arg9[%dma_wait3A_74, %dma_wait3A_75] : memref<10240x128xf32, #tpu.memory_space<vmem_shared>> -> memref<10240x128xf32, #tpu.memory_space<vmem_shared>>
        tpu.wait_indirect_dma semaphore(%run_scoped3A : memref<!tpu.dma_semaphore, #tpu.memory_space<semaphore_mem>>) src(%arg8 : memref<80x128xf32, #tpu.memory_space<vmem>>) dst(%dma_wait3A_76 : memref<10240x128xf32, #tpu.memory_space<vmem_shared>>)
        tpu.yield
      }) : () -> ()
      %scan3A_64 = arith.constant 0 : i32
      scf.yield %scan3A_64 : i32
    }
    %scan3A_46 = arith.constant 125 : i32
    %barrier3A_47 = arith.constant 0 : index
    tpu.barrier barrier_id(%barrier3A_47)
    %mul3A_48 = arith.constant 640 : i32
    %mul3A_49 = arith.muli %arg1, %mul3A_48 : i32
    %mul3A_50 = arith.constant 640 : i32
    %mul3A_51 = arith.muli %arg1, %mul3A_50 : i32
    "tpu.region"() ({
      %run_scoped3A = tpu.sem_alloc : memref<!tpu.dma_semaphore, #tpu.memory_space<semaphore_mem>>
      %dma_start3A = arith.constant 0 : i32
      %dma_start3A_52 = tpu.memref_slice %arg5[%arg0, %mul3A_51, %dma_start3A] : memref<2x10240x128xf32, #tpu.memory_space<hbm>> -> memref<1x640x128xf32, #tpu.memory_space<hbm>>
      %dma_start3A_53 = tpu.memref_squeeze %dma_start3A_52 : memref<1x640x128xf32, #tpu.memory_space<hbm>> -> memref<640x128xf32, #tpu.memory_space<hbm>>
      %dma_start3A_54 = arith.constant 0 : i32
      %dma_start3A_55 = tpu.memref_slice %arg9[%mul3A_49, %dma_start3A_54] : memref<10240x128xf32, #tpu.memory_space<vmem_shared>> -> memref<640x128xf32, #tpu.memory_space<vmem_shared>>
      tpu.enqueue_dma source(%dma_start3A_55 : memref<640x128xf32, #tpu.memory_space<vmem_shared>>) target(%dma_start3A_53 : memref<640x128xf32, #tpu.memory_space<hbm>>) target_semaphore(%run_scoped3A : memref<!tpu.dma_semaphore, #tpu.memory_space<semaphore_mem>>)
      %dma_wait3A = arith.constant 0 : i32
      %dma_wait3A_56 = tpu.memref_slice %arg5[%arg0, %mul3A_51, %dma_wait3A] : memref<2x10240x128xf32, #tpu.memory_space<hbm>> -> memref<1x640x128xf32, #tpu.memory_space<hbm>>
      %dma_wait3A_57 = tpu.memref_squeeze %dma_wait3A_56 : memref<1x640x128xf32, #tpu.memory_space<hbm>> -> memref<640x128xf32, #tpu.memory_space<hbm>>
      %dma_wait3A_58 = arith.constant 0 : i32
      %dma_wait3A_59 = tpu.memref_slice %arg9[%mul3A_49, %dma_wait3A_58] : memref<10240x128xf32, #tpu.memory_space<vmem_shared>> -> memref<640x128xf32, #tpu.memory_space<vmem_shared>>
      tpu.wait_dma2 semaphore(%run_scoped3A : memref<!tpu.dma_semaphore, #tpu.memory_space<semaphore_mem>>) src(%dma_wait3A_59 : memref<640x128xf32, #tpu.memory_space<vmem_shared>>) dst(%dma_wait3A_57 : memref<640x128xf32, #tpu.memory_space<hbm>>)
      tpu.yield
    }) : () -> ()
    return
  }
}

module attributes {stable_mosaic.version = 14 : i64} {
  func.func @_scale1_body(%arg0: i32, %arg1: memref<2x1000x128xf32, #tpu.memory_space<vmem>>, %arg2: memref<1000x128xf32, #tpu.memory_space<vmem>>, %arg3: memref<1000x128xf32, #tpu.memory_space<vmem>>, %arg4: memref<1000x128xf32, #tpu.memory_space<vmem>>, %arg5: memref<1000x128xf32, #tpu.memory_space<vmem>>) attributes {dimension_semantics = [#tpu.dimension_semantics<arbitrary>], iteration_bounds = array<i64: 10>, scalar_prefetch = 0 : i64, scratch_operands = 0 : i64, tpu.core_type = #tpu.core_type<tc>, window_params = [{transform_indices = @transform_0, window_bounds = array<i64: 2, 1000, 128>}, {transform_indices = @transform_1, window_bounds = array<i64: 1000, 128>}, {transform_indices = @transform_2, window_bounds = array<i64: 1000, 128>}, {transform_indices = @transform_3, window_bounds = array<i64: 1000, 128>}, {transform_indices = @transform_4, window_bounds = array<i64: 1000, 128>}]} {
    %get3A = arith.constant 0 : index
    %get3A_0 = arith.constant 0 : index
    %get3A_1 = arith.constant 0 : index
    %get3A_2 = vector.load %arg1[%get3A, %get3A_0, %get3A_1] : memref<2x1000x128xf32, #tpu.memory_space<vmem>>, vector<1x1000x1xf32>
    %get3A_3 = vector.shape_cast %get3A_2 : vector<1x1000x1xf32> to vector<1000xf32>
    %get3A_4 = arith.constant 1 : index
    %get3A_5 = arith.constant 0 : index
    %get3A_6 = arith.constant 0 : index
    %get3A_7 = vector.load %arg1[%get3A_4, %get3A_5, %get3A_6] : memref<2x1000x128xf32, #tpu.memory_space<vmem>>, vector<1x1000x1xf32>
    %get3A_8 = vector.shape_cast %get3A_7 : vector<1x1000x1xf32> to vector<1000xf32>
    %add3A = arith.addf %get3A_3, %get3A_8 : vector<1000xf32>
    %add3A_9 = arith.constant 2.000000e+00 : f32
    %add3A_10 = vector.broadcast %add3A_9 : f32 to vector<1000xf32>
    %add3A_11 = arith.addf %add3A, %add3A_10 : vector<1000xf32>
    %rsqrt3A = math.rsqrt %add3A_11 : vector<1000xf32>
    %broadcast_in_dim3A = vector.shape_cast %rsqrt3A : vector<1000xf32> to vector<1000x1xf32>
    %get3A_12 = arith.constant 0 : index
    %get3A_13 = arith.constant 0 : index
    %get3A_14 = vector.load %arg2[%get3A_12, %get3A_13] : memref<1000x128xf32, #tpu.memory_space<vmem>>, vector<1000x128xf32>
    %broadcast_in_dim3A_15 = vector.shape_cast %broadcast_in_dim3A : vector<1000x1xf32> to vector<1000x1xf32>
    %broadcast_in_dim3A_16 = vector.broadcast %broadcast_in_dim3A_15 : vector<1000x1xf32> to vector<1000x128xf32>
    %swap3A = arith.constant 0 : index
    %swap3A_17 = arith.constant 0 : index
    %swap3A_18 = vector.load %arg3[%swap3A, %swap3A_17] : memref<1000x128xf32, #tpu.memory_space<vmem>>, vector<1000x128xf32>
    tpu.vector_store %arg3[%swap3A, %swap3A_17], %broadcast_in_dim3A_16 {strides = array<i32>} : memref<1000x128xf32, #tpu.memory_space<vmem>>, vector<1000x128xf32>,
    %mul3A = vector.broadcast %broadcast_in_dim3A : vector<1000x1xf32> to vector<1000x128xf32>
    %mul3A_19 = arith.mulf %mul3A, %get3A_14 : vector<1000x128xf32>
    %swap3A_20 = arith.constant 0 : index
    %swap3A_21 = arith.constant 0 : index
    %swap3A_22 = vector.load %arg4[%swap3A_20, %swap3A_21] : memref<1000x128xf32, #tpu.memory_space<vmem>>, vector<1000x128xf32>
    tpu.vector_store %arg4[%swap3A_20, %swap3A_21], %mul3A_19 {strides = array<i32>} : memref<1000x128xf32, #tpu.memory_space<vmem>>, vector<1000x128xf32>,
    %mul3A_23 = arith.constant 2.000000e+00 : f32
    %mul3A_24 = vector.broadcast %mul3A_23 : f32 to vector<1000x1xf32>
    %mul3A_25 = arith.mulf %mul3A_24, %broadcast_in_dim3A : vector<1000x1xf32>
    %mul3A_26 = arith.mulf %mul3A_25, %broadcast_in_dim3A : vector<1000x1xf32>
    %mul3A_27 = vector.broadcast %mul3A_26 : vector<1000x1xf32> to vector<1000x128xf32>
    %mul3A_28 = arith.mulf %mul3A_27, %get3A_14 : vector<1000x128xf32>
    %swap3A_29 = arith.constant 0 : index
    %swap3A_30 = arith.constant 0 : index
    %swap3A_31 = vector.load %arg5[%swap3A_29, %swap3A_30] : memref<1000x128xf32, #tpu.memory_space<vmem>>, vector<1000x128xf32>
    tpu.vector_store %arg5[%swap3A_29, %swap3A_30], %mul3A_28 {strides = array<i32>} : memref<1000x128xf32, #tpu.memory_space<vmem>>, vector<1000x128xf32>,
    return
  }
  func.func @transform_0(%arg0: i32) -> (i32, i32, i32) {
    %c0_i32 = arith.constant 0 : i32
    %c0_i32_0 = arith.constant 0 : i32
    %c0_i32_1 = arith.constant 0 : i32
    return %c0_i32, %arg0, %c0_i32_0 : i32, i32, i32
  }
  func.func @transform_1(%arg0: i32) -> (i32, i32) {
    %c0_i32 = arith.constant 0 : i32
    %c0_i32_0 = arith.constant 0 : i32
    return %arg0, %c0_i32 : i32, i32
  }
  func.func @transform_2(%arg0: i32) -> (i32, i32) {
    %c0_i32 = arith.constant 0 : i32
    %c0_i32_0 = arith.constant 0 : i32
    return %arg0, %c0_i32 : i32, i32
  }
  func.func @transform_3(%arg0: i32) -> (i32, i32) {
    %c0_i32 = arith.constant 0 : i32
    %c0_i32_0 = arith.constant 0 : i32
    return %arg0, %c0_i32 : i32, i32
  }
  func.func @transform_4(%arg0: i32) -> (i32, i32) {
    %c0_i32 = arith.constant 0 : i32
    %c0_i32_0 = arith.constant 0 : i32
    return %arg0, %c0_i32 : i32, i32
  }
}

module attributes {stable_mosaic.version = 14 : i64} {
  func.func @_mm_body(%arg0: i32, %arg1: memref<1000x128xf32, #tpu.memory_space<vmem>>, %arg2: memref<128x128xf32, #tpu.memory_space<vmem>>, %arg3: memref<1000x128xf32, #tpu.memory_space<vmem>>) attributes {dimension_semantics = [#tpu.dimension_semantics<arbitrary>], iteration_bounds = array<i64: 10>, scalar_prefetch = 0 : i64, scratch_operands = 0 : i64, tpu.core_type = #tpu.core_type<tc>, window_params = [{transform_indices = @transform_0, window_bounds = array<i64: 1000, 128>}, {pipeline_mode = #tpu.pipeline_mode<synchronous>, transform_indices = @transform_1, window_bounds = array<i64: 128, 128>}, {transform_indices = @transform_2, window_bounds = array<i64: 1000, 128>}]} {
    %get3A = arith.constant 0 : index
    %get3A_0 = arith.constant 0 : index
    %get3A_1 = vector.load %arg1[%get3A, %get3A_0] : memref<1000x128xf32, #tpu.memory_space<vmem>>, vector<1000x128xf32>
    %get3A_2 = arith.constant 0 : index
    %get3A_3 = arith.constant 0 : index
    %get3A_4 = vector.load %arg2[%get3A_2, %get3A_3] : memref<128x128xf32, #tpu.memory_space<vmem>>, vector<128x128xf32>
    %dot_general3A = arith.constant dense<0.000000e+00> : vector<1000x128xf32>
    %dot_general3A_5 = tpu.matmul %get3A_1, %get3A_4, %dot_general3A {dimension_numbers = #tpu.dot_dimension_numbers<[1], [0], [0], [1], [0, 0, 1, 1], [], []>, transpose_lhs_hint = false} : vector<1000x128xf32>, vector<128x128xf32>, vector<1000x128xf32> -> vector<1000x128xf32>
    %swap3A = arith.constant 0 : index
    %swap3A_6 = arith.constant 0 : index
    %swap3A_7 = vector.load %arg3[%swap3A, %swap3A_6] : memref<1000x128xf32, #tpu.memory_space<vmem>>, vector<1000x128xf32>
    tpu.vector_store %arg3[%swap3A, %swap3A_6], %dot_general3A_5 {strides = array<i32>} : memref<1000x128xf32, #tpu.memory_space<vmem>>, vector<1000x128xf32>,
    return
  }
  func.func @transform_0(%arg0: i32) -> (i32, i32) {
    %c0_i32 = arith.constant 0 : i32
    %c0_i32_0 = arith.constant 0 : i32
    return %arg0, %c0_i32 : i32, i32
  }
  func.func @transform_1(%arg0: i32) -> (i32, i32) {
    %c0_i32 = arith.constant 0 : i32
    %c0_i32_0 = arith.constant 0 : i32
    %c0_i32_1 = arith.constant 0 : i32
    return %c0_i32, %c0_i32_0 : i32, i32
  }
  func.func @transform_2(%arg0: i32) -> (i32, i32) {
    %c0_i32 = arith.constant 0 : i32
    %c0_i32_0 = arith.constant 0 : i32
    return %arg0, %c0_i32 : i32, i32
  }
}

module attributes {stable_mosaic.version = 14 : i64} {
  func.func @_fuse_body(%arg0: i32, %arg1: memref<2x1000x128xf32, #tpu.memory_space<vmem>>, %arg2: memref<1000x128xf32, #tpu.memory_space<vmem>>, %arg3: memref<1000x128xf32, #tpu.memory_space<vmem>>, %arg4: memref<128x128xf32, #tpu.memory_space<vmem>>, %arg5: memref<1x128xf32, #tpu.memory_space<vmem>>, %arg6: memref<1x128xf32, #tpu.memory_space<vmem>>, %arg7: memref<1000x128xf32, #tpu.memory_space<vmem>>, %arg8: memref<1000x128xf32, #tpu.memory_space<vmem>>) attributes {dimension_semantics = [#tpu.dimension_semantics<arbitrary>], iteration_bounds = array<i64: 10>, scalar_prefetch = 0 : i64, scratch_operands = 0 : i64, tpu.core_type = #tpu.core_type<tc>, window_params = [{transform_indices = @transform_0, window_bounds = array<i64: 2, 1000, 128>}, {transform_indices = @transform_1, window_bounds = array<i64: 1000, 128>}, {transform_indices = @transform_2, window_bounds = array<i64: 1000, 128>}, {pipeline_mode = #tpu.pipeline_mode<synchronous>, transform_indices = @transform_3, window_bounds = array<i64: 128, 128>}, {pipeline_mode = #tpu.pipeline_mode<synchronous>, transform_indices = @transform_4, window_bounds = array<i64: 1, 128>}, {pipeline_mode = #tpu.pipeline_mode<synchronous>, transform_indices = @transform_5, window_bounds = array<i64: 1, 128>}, {transform_indices = @transform_6, window_bounds = array<i64: 1000, 128>}, {transform_indices = @transform_7, window_bounds = array<i64: 1000, 128>}]} {
    %get3A = arith.constant 0 : index
    %get3A_0 = arith.constant 0 : index
    %get3A_1 = vector.load %arg3[%get3A, %get3A_0] : memref<1000x128xf32, #tpu.memory_space<vmem>>, vector<1000x128xf32>
    %get3A_2 = arith.constant 0 : index
    %get3A_3 = arith.constant 0 : index
    %get3A_4 = arith.constant 0 : index
    %get3A_5 = vector.load %arg1[%get3A_2, %get3A_3, %get3A_4] : memref<2x1000x128xf32, #tpu.memory_space<vmem>>, vector<1x1000x128xf32>
    %get3A_6 = vector.shape_cast %get3A_5 : vector<1x1000x128xf32> to vector<1000x128xf32>
    %get3A_7 = arith.constant 1 : index
    %get3A_8 = arith.constant 0 : index
    %get3A_9 = arith.constant 0 : index
    %get3A_10 = vector.load %arg1[%get3A_7, %get3A_8, %get3A_9] : memref<2x1000x128xf32, #tpu.memory_space<vmem>>, vector<1x1000x128xf32>
    %get3A_11 = vector.shape_cast %get3A_10 : vector<1x1000x128xf32> to vector<1000x128xf32>
    %add3A = arith.addf %get3A_6, %get3A_11 : vector<1000x128xf32>
    %mul3A = arith.mulf %get3A_1, %add3A : vector<1000x128xf32>
    %get3A_12 = arith.constant 0 : index
    %get3A_13 = arith.constant 0 : index
    %get3A_14 = vector.load %arg2[%get3A_12, %get3A_13] : memref<1000x128xf32, #tpu.memory_space<vmem>>, vector<1000x128xf32>
    %add3A_15 = arith.addf %mul3A, %get3A_14 : vector<1000x128xf32>
    %get3A_16 = arith.constant 0 : index
    %get3A_17 = arith.constant 0 : index
    %get3A_18 = vector.load %arg5[%get3A_16, %get3A_17] : memref<1x128xf32, #tpu.memory_space<vmem>>, vector<1x128xf32>
    %mul3A_19 = arith.constant 0.999994993 : f32
    %mul3A_20 = vector.broadcast %mul3A_19 : f32 to vector<1000x128xf32>
    %mul3A_21 = arith.mulf %add3A_15, %mul3A_20 : vector<1000x128xf32>
    %mul3A_22 = vector.broadcast %get3A_18 : vector<1x128xf32> to vector<1000x128xf32>
    %mul3A_23 = arith.mulf %mul3A_22, %mul3A_21 : vector<1000x128xf32>
    %get3A_24 = arith.constant 0 : index
    %get3A_25 = arith.constant 0 : index
    %get3A_26 = vector.load %arg6[%get3A_24, %get3A_25] : memref<1x128xf32, #tpu.memory_space<vmem>>, vector<1x128xf32>
    %add3A_27 = vector.broadcast %get3A_26 : vector<1x128xf32> to vector<1000x128xf32>
    %add3A_28 = arith.addf %mul3A_23, %add3A_27 : vector<1000x128xf32>
    %max3A = arith.constant 0.000000e+00 : f32
    %max3A_29 = vector.broadcast %max3A : f32 to vector<1000x128xf32>
    %max3A_30 = arith.maximumf %add3A_28, %max3A_29 : vector<1000x128xf32>
    %get3A_31 = arith.constant 0 : index
    %get3A_32 = arith.constant 0 : index
    %get3A_33 = vector.load %arg4[%get3A_31, %get3A_32] : memref<128x128xf32, #tpu.memory_space<vmem>>, vector<128x128xf32>
    %dot_general3A = arith.constant dense<0.000000e+00> : vector<1000x128xf32>
    %dot_general3A_34 = tpu.matmul %max3A_30, %get3A_33, %dot_general3A {dimension_numbers = #tpu.dot_dimension_numbers<[1], [0], [0], [1], [0, 0, 1, 1], [], []>, transpose_lhs_hint = false} : vector<1000x128xf32>, vector<128x128xf32>, vector<1000x128xf32> -> vector<1000x128xf32>
    %mul3A_35 = arith.mulf %get3A_1, %dot_general3A_34 : vector<1000x128xf32>
    %swap3A = arith.constant 0 : index
    %swap3A_36 = arith.constant 0 : index
    %swap3A_37 = vector.load %arg7[%swap3A, %swap3A_36] : memref<1000x128xf32, #tpu.memory_space<vmem>>, vector<1000x128xf32>
    tpu.vector_store %arg7[%swap3A, %swap3A_36], %mul3A_35 {strides = array<i32>} : memref<1000x128xf32, #tpu.memory_space<vmem>>, vector<1000x128xf32>,
    %mul3A_38 = arith.constant 2.000000e+00 : f32
    %mul3A_39 = vector.broadcast %mul3A_38 : f32 to vector<1000x128xf32>
    %mul3A_40 = arith.mulf %mul3A_39, %get3A_1 : vector<1000x128xf32>
    %mul3A_41 = arith.mulf %mul3A_40, %get3A_1 : vector<1000x128xf32>
    %mul3A_42 = arith.mulf %mul3A_41, %dot_general3A_34 : vector<1000x128xf32>
    %swap3A_43 = arith.constant 0 : index
    %swap3A_44 = arith.constant 0 : index
    %swap3A_45 = vector.load %arg8[%swap3A_43, %swap3A_44] : memref<1000x128xf32, #tpu.memory_space<vmem>>, vector<1000x128xf32>
    tpu.vector_store %arg8[%swap3A_43, %swap3A_44], %mul3A_42 {strides = array<i32>} : memref<1000x128xf32, #tpu.memory_space<vmem>>, vector<1000x128xf32>,
    return
  }
  func.func @transform_0(%arg0: i32) -> (i32, i32, i32) {
    %c0_i32 = arith.constant 0 : i32
    %c0_i32_0 = arith.constant 0 : i32
    %c0_i32_1 = arith.constant 0 : i32
    return %c0_i32, %arg0, %c0_i32_0 : i32, i32, i32
  }
  func.func @transform_1(%arg0: i32) -> (i32, i32) {
    %c0_i32 = arith.constant 0 : i32
    %c0_i32_0 = arith.constant 0 : i32
    return %arg0, %c0_i32 : i32, i32
  }
  func.func @transform_2(%arg0: i32) -> (i32, i32) {
    %c0_i32 = arith.constant 0 : i32
    %c0_i32_0 = arith.constant 0 : i32
    return %arg0, %c0_i32 : i32, i32
  }
  func.func @transform_3(%arg0: i32) -> (i32, i32) {
    %c0_i32 = arith.constant 0 : i32
    %c0_i32_0 = arith.constant 0 : i32
    %c0_i32_1 = arith.constant 0 : i32
    return %c0_i32, %c0_i32_0 : i32, i32
  }
  func.func @transform_4(%arg0: i32) -> (i32, i32) {
    %c0_i32 = arith.constant 0 : i32
    %c0_i32_0 = arith.constant 0 : i32
    %c0_i32_1 = arith.constant 0 : i32
    return %c0_i32, %c0_i32_0 : i32, i32
  }
  func.func @transform_5(%arg0: i32) -> (i32, i32) {
    %c0_i32 = arith.constant 0 : i32
    %c0_i32_0 = arith.constant 0 : i32
    %c0_i32_1 = arith.constant 0 : i32
    return %c0_i32, %c0_i32_0 : i32, i32
  }
  func.func @transform_6(%arg0: i32) -> (i32, i32) {
    %c0_i32 = arith.constant 0 : i32
    %c0_i32_0 = arith.constant 0 : i32
    return %arg0, %c0_i32 : i32, i32
  }
  func.func @transform_7(%arg0: i32) -> (i32, i32) {
    %c0_i32 = arith.constant 0 : i32
    %c0_i32_0 = arith.constant 0 : i32
    return %arg0, %c0_i32 : i32, i32
  }
}

module attributes {stable_mosaic.version = 14 : i64} {
  func.func @_final_body(%arg0: i32, %arg1: memref<2x1000x128xf32, #tpu.memory_space<vmem>>, %arg2: memref<1000x128xf32, #tpu.memory_space<vmem>>, %arg3: memref<1000x128xf32, #tpu.memory_space<vmem>>, %arg4: memref<1x128xf32, #tpu.memory_space<vmem>>, %arg5: memref<1000x128xf32, #tpu.memory_space<vmem>>) attributes {dimension_semantics = [#tpu.dimension_semantics<arbitrary>], iteration_bounds = array<i64: 10>, scalar_prefetch = 0 : i64, scratch_operands = 0 : i64, tpu.core_type = #tpu.core_type<tc>, window_params = [{transform_indices = @transform_0, window_bounds = array<i64: 2, 1000, 128>}, {transform_indices = @transform_1, window_bounds = array<i64: 1000, 128>}, {transform_indices = @transform_2, window_bounds = array<i64: 1000, 128>}, {pipeline_mode = #tpu.pipeline_mode<synchronous>, transform_indices = @transform_3, window_bounds = array<i64: 1, 128>}, {transform_indices = @transform_4, window_bounds = array<i64: 1000, 128>}]} {
    %get3A = arith.constant 0 : index
    %get3A_0 = arith.constant 0 : index
    %get3A_1 = vector.load %arg3[%get3A, %get3A_0] : memref<1000x128xf32, #tpu.memory_space<vmem>>, vector<1000x128xf32>
    %get3A_2 = arith.constant 0 : index
    %get3A_3 = arith.constant 0 : index
    %get3A_4 = arith.constant 0 : index
    %get3A_5 = vector.load %arg1[%get3A_2, %get3A_3, %get3A_4] : memref<2x1000x128xf32, #tpu.memory_space<vmem>>, vector<1x1000x128xf32>
    %get3A_6 = vector.shape_cast %get3A_5 : vector<1x1000x128xf32> to vector<1000x128xf32>
    %get3A_7 = arith.constant 1 : index
    %get3A_8 = arith.constant 0 : index
    %get3A_9 = arith.constant 0 : index
    %get3A_10 = vector.load %arg1[%get3A_7, %get3A_8, %get3A_9] : memref<2x1000x128xf32, #tpu.memory_space<vmem>>, vector<1x1000x128xf32>
    %get3A_11 = vector.shape_cast %get3A_10 : vector<1x1000x128xf32> to vector<1000x128xf32>
    %add3A = arith.addf %get3A_6, %get3A_11 : vector<1000x128xf32>
    %mul3A = arith.mulf %get3A_1, %add3A : vector<1000x128xf32>
    %get3A_12 = arith.constant 0 : index
    %get3A_13 = arith.constant 0 : index
    %get3A_14 = vector.load %arg2[%get3A_12, %get3A_13] : memref<1000x128xf32, #tpu.memory_space<vmem>>, vector<1000x128xf32>
    %add3A_15 = arith.addf %mul3A, %get3A_14 : vector<1000x128xf32>
    %get3A_16 = arith.constant 0 : index
    %get3A_17 = arith.constant 0 : index
    %get3A_18 = vector.load %arg4[%get3A_16, %get3A_17] : memref<1x128xf32, #tpu.memory_space<vmem>>, vector<1x128xf32>
    %add3A_19 = vector.broadcast %get3A_18 : vector<1x128xf32> to vector<1000x128xf32>
    %add3A_20 = arith.addf %add3A_15, %add3A_19 : vector<1000x128xf32>
    %iota3A = tpu.iota {dimensions = array<i32: 1>} : vector<1000x128xi32>
    %lt3A = arith.constant 40 : i32
    %lt3A_21 = vector.broadcast %lt3A : i32 to vector<1000x128xi32>
    %lt3A_22 = arith.cmpi slt, %iota3A, %lt3A_21 : vector<1000x128xi32>
    %jit3A = arith.constant -1.000000e+30 : f32
    %broadcast_in_dim3A = vector.broadcast %jit3A : f32 to vector<1000x128xf32>
    %select_n3A = arith.select %lt3A_22, %add3A_20, %broadcast_in_dim3A : vector<1000x128xi1>, vector<1000x128xf32>
    %reduce_max3A = arith.constant dense<0xFF800000> : vector<1000xf32>
    %reduce_max3A_23 = vector.multi_reduction <maximumf>, %select_n3A, %reduce_max3A [1] : vector<1000x128xf32> to vector<1000xf32>
    %broadcast_in_dim3A_24 = vector.shape_cast %reduce_max3A_23 : vector<1000xf32> to vector<1000x1xf32>
    %sub3A = vector.broadcast %broadcast_in_dim3A_24 : vector<1000x1xf32> to vector<1000x128xf32>
    %sub3A_25 = arith.subf %add3A_20, %sub3A : vector<1000x128xf32>
    %exp3A = math.exp %sub3A_25 : vector<1000x128xf32>
    %jit3A_26 = arith.constant 0.000000e+00 : f32
    %broadcast_in_dim3A_27 = vector.broadcast %jit3A_26 : f32 to vector<1000x128xf32>
    %select_n3A_28 = arith.select %lt3A_22, %exp3A, %broadcast_in_dim3A_27 : vector<1000x128xi1>, vector<1000x128xf32>
    %reduce_sum3A = arith.constant dense<0.000000e+00> : vector<1000xf32>
    %reduce_sum3A_29 = vector.multi_reduction <add>, %select_n3A_28, %reduce_sum3A [1] : vector<1000x128xf32> to vector<1000xf32>
    %broadcast_in_dim3A_30 = vector.shape_cast %reduce_sum3A_29 : vector<1000xf32> to vector<1000x1xf32>
    %log3A = math.log %broadcast_in_dim3A_30 : vector<1000x1xf32>
    %sub3A_31 = vector.broadcast %broadcast_in_dim3A_24 : vector<1000x1xf32> to vector<1000x128xf32>
    %sub3A_32 = arith.subf %add3A_20, %sub3A_31 : vector<1000x128xf32>
    %sub3A_33 = vector.broadcast %log3A : vector<1000x1xf32> to vector<1000x128xf32>
    %sub3A_34 = arith.subf %sub3A_32, %sub3A_33 : vector<1000x128xf32>
    %swap3A = arith.constant 0 : index
    %swap3A_35 = arith.constant 0 : index
    %swap3A_36 = vector.load %arg5[%swap3A, %swap3A_35] : memref<1000x128xf32, #tpu.memory_space<vmem>>, vector<1000x128xf32>
    tpu.vector_store %arg5[%swap3A, %swap3A_35], %sub3A_34 {strides = array<i32>} : memref<1000x128xf32, #tpu.memory_space<vmem>>, vector<1000x128xf32>,
    return
  }
  func.func @transform_0(%arg0: i32) -> (i32, i32, i32) {
    %c0_i32 = arith.constant 0 : i32
    %c0_i32_0 = arith.constant 0 : i32
    %c0_i32_1 = arith.constant 0 : i32
    return %c0_i32, %arg0, %c0_i32_0 : i32, i32, i32
  }
  func.func @transform_1(%arg0: i32) -> (i32, i32) {
    %c0_i32 = arith.constant 0 : i32
    %c0_i32_0 = arith.constant 0 : i32
    return %arg0, %c0_i32 : i32, i32
  }
  func.func @transform_2(%arg0: i32) -> (i32, i32) {
    %c0_i32 = arith.constant 0 : i32
    %c0_i32_0 = arith.constant 0 : i32
    return %arg0, %c0_i32 : i32, i32
  }
  func.func @transform_3(%arg0: i32) -> (i32, i32) {
    %c0_i32 = arith.constant 0 : i32
    %c0_i32_0 = arith.constant 0 : i32
    %c0_i32_1 = arith.constant 0 : i32
    return %c0_i32, %c0_i32_0 : i32, i32
  }
  func.func @transform_4(%arg0: i32) -> (i32, i32) {
    %c0_i32 = arith.constant 0 : i32
    %c0_i32_0 = arith.constant 0 : i32
    return %arg0, %c0_i32 : i32, i32
  }
}

</mosaic_0001>

<sc_bundles>
// kernel: kernel.11.cloned.1.call-start
scs
__scs_entry_jumppad:
0x0: {  	(pc) =	sbr.rel $0x88, $3  }
0x1: {  	(tag) =	ssettag $0x0;
	lr =	simm.s32 $0x1  }
0x2: {  	[smem:$0x3F97] =	sst lr;
	_ =	strace $0xD0000000  }
0x3: {  	_ = 	snop  }
0x4: {  	_ = 	snop  }
0x5: {  	_ = 	snop  }
0x6: {  	_ = 	snop  }
0x7: {  	_ = 	snop  }
__scs_overlays_trampoline_lowered:
0x8: {  	[smem:$0x3FA6] =	sst s0  }
0x9: {  	[smem:$0x3FA7] =	sst s1  }
0xa: {  	[smem:$0x3FA8] =	sst s2  }
0xb: {  	[smem:$0x3FA9] =	sst s3  }
0xc: {  	[smem:$0x3FAA] =	sst s4  }
0xd: {  	[smem:$0x3FAB] =	sst s5  }
0xe: {  	[smem:$0x3FAC] =	sst s6  }
0xf: {  	[smem:$0x3FAD] =	sst s7  }
0x10: {  	[smem:$0x3FAE] =	sst s8  }
0x11: {  	[smem:$0x3FAF] =	sst s9;
	s0 =	simm.s32 @!p0 $0x0  }
0x12: {  	s1 =	sld [smem:$0x3F95];
	s0 =	simm.s32 @p0 $0x1  }
0x13: {  	[smem:$0x3FB0] =	sst s0;
	s0 =	simm.s32 @!p1 $0x0  }
0x14: {  	s2 =	sld [smem:$0x3F94];
	s0 =	simm.s32 @p1 $0x1  }
0x15: {  	[smem:$0x3FB1] =	sst s0;
	s0 =	simm.s32 @!p2 $0x0  }
0x16: {  	s3 =	sld [smem:$0x3FDB];
	s0 =	simm.s32 @p2 $0x1  }
0x17: {  	s4 =	simm.s32 $0x1BF5;
	[smem:$0x3FB3] =	sst s0  }
0x18: {  	s0 =	sld [smem:$0x3F96];
	_ =	swait.ge [sflag:s4], $0x0  }
0x19: {  	s7 =	sld [smem:$0x3F97]  }
0x1a: {  	s8 =	sadd.s32 $0xFFFFE003, lr  }
0x1b: {  	s9 =	sadd.s32 $0xFFFFFEF7, lr;
	s5 =	simm.s32 $0xFFFFFFFF;
	p2 =	slt.u32 s8, $0xFFFFF086  }
0x1c: {  	p1 =	slt.u32 s9, $0xF7A;
	s5 =	simm.s32 @!p2 $0x0  }
0x1d: {  	s5 =	simm.s32 @p1 $0x1;
	p0 =	seq.s32 s7, s2  }
0x1e: {  	s7 =	smul.u32 @!p0 $0xF7A, s2;
	p2 =	seq.s32 @!p0 s5, $0x0  }
0x1f: {  	s9 =	smul.u32 $0xF7A, s1;
	s8 =	simm.s32 @!p0 $0x1BF5;
	p2 =	por !p2, p0  }
0x20: {  	[sflag:s8] =	ssyncset.s32 @!p0 $0xFFFFF086;
	s6 =	sadd.s32 @!p0 s3, s7;
	s7 =	simm.s32 @!p0 $0x108  }
0x21: {  	s3 =	sadd.s32 s3, s9;
	s6 =	sadd.s32 @!p0 $0x88, s6;
	s7 =	simm.s32 @p2 $0x1082  }
0x22: {  	[simem:s7], [sflag:s8] =	dma.local @!p0 [hbm:s6], $0xF7A  }
0x23: {  	s9 =	sor.u32 $0xD0000000, s2;
	s6 =	simm.s32 $0x108;
	_ =	swait.ge @!p0 [sflag:s8], $0x0  }
0x24: {  	s3 =	sadd.s32 $0x88, s3;
	s6 =	simm.s32 @!p1 $0x1082;
	[sflag:s4] =	ssyncset.s32 $0xFFFFF086  }
0x25: {  	[simem:s6], [sflag:s4] =	dma.local [hbm:s3], $0xF7A  }
0x26: {  	[smem:$0x3F97] =	sst s1;
	(tag) =	ssettag s2;
	_ =	strace s9  }
0x27: {  	s1 =	sld [smem:$0x3FA7]  }
0x28: {  	s2 =	sld [smem:$0x3FA8]  }
0x29: {  	s4 =	sld [smem:$0x3FAA]  }
0x2a: {  	p0 =	seq.s32 s5, $0x0;
	s5 =	sld [smem:$0x3FAB]  }
0x2b: {  	s6 =	sld [smem:$0x3FAC]  }
0x2c: {  	s7 =	sld [smem:$0x3FAD]  }
0x2d: {  	s3 =	simm.s32 $0x108;
	s8 =	sld [smem:$0x3FAE]  }
0x2e: {  	s3 =	simm.s32 @!p0 $0x1082;
	s9 =	sld [smem:$0x3FAF]  }
0x2f: {  	lr =	sadd.s32 s0, s3;
	s0 =	sld [smem:$0x3FA6]  }
0x30: {  	s3 =	sld [smem:$0x3FA9]  }
0x31: {  	[smem:$0x3FB2] =	sst s10  }
0x32: {  	s10 =	sld [smem:$0x3FB0];
	_ =	sdelay $0x3  }
0x33: {  	p0 =	seq.s32 s10, $0x1;
	s10 =	sld [smem:$0x3FB2];
	_ =	sdelay $0x3  }
0x34: {  	[smem:$0x3FB2] =	sst s10  }
0x35: {  	s10 =	sld [smem:$0x3FB1];
	_ =	sdelay $0x3  }
0x36: {  	p1 =	seq.s32 s10, $0x1;
	s10 =	sld [smem:$0x3FB2];
	_ =	sdelay $0x3  }
0x37: {  	[smem:$0x3FB2] =	sst s10  }
0x38: {  	s10 =	sld [smem:$0x3FB3]  }
0x39: {  	_ = 	snop;
	(pc) =	sbr.ind lr, $3  }
0x3a: {  	_ = 	snop  }
0x3b: {  	_ = 	snop  }
0x3c: {  	p2 =	seq.s32 s10, $0x1;
	s10 =	sld [smem:$0x3FB2]  }
0x3d: {  	_ =	shalt  }
0x3e: {  	_ =	shalt  }
0x3f: {  	_ =	shalt  }
0x40: {  	_ =	shalt  }
0x41: {  	_ =	shalt  }
0x42: {  	_ =	shalt  }
0x43: {  	_ =	shalt  }
0x44: {  	_ =	shalt  }
0x45: {  	_ =	shalt  }
0x46: {  	_ =	shalt  }
0x47: {  	_ =	shalt  }
0x48: {  	_ =	shalt  }
0x49: {  	_ =	shalt  }
0x4a: {  	_ =	shalt  }
0x4b: {  	_ =	shalt  }
0x4c: {  	_ =	shalt  }
0x4d: {  	_ =	shalt  }
0x4e: {  	_ =	shalt  }
0x4f: {  	_ =	shalt  }
0x50: {  	_ =	shalt  }
0x51: {  	_ =	shalt  }
0x52: {  	_ =	shalt  }
0x53: {  	_ =	shalt  }
0x54: {  	_ =	shalt  }
0x55: {  	_ =	shalt  }
0x56: {  	_ =	shalt  }
0x57: {  	_ =	shalt  }
0x58: {  	_ =	shalt  }
0x59: {  	_ =	shalt  }
0x5a: {  	_ =	shalt  }
0x5b: {  	_ =	shalt  }
0x5c: {  	_ =	shalt  }
0x5d: {  	_ =	shalt  }
0x5e: {  	_ =	shalt  }
0x5f: {  	_ =	shalt  }
0x60: {  	_ =	shalt  }
0x61: {  	_ =	shalt  }
0x62: {  	_ =	shalt  }
0x63: {  	_ =	shalt  }
0x64: {  	_ =	shalt  }
0x65: {  	_ =	shalt  }
0x66: {  	_ =	shalt  }
0x67: {  	_ =	shalt  }
0x68: {  	_ =	shalt  }
0x69: {  	_ =	shalt  }
0x6a: {  	_ =	shalt  }
0x6b: {  	_ =	shalt  }
0x6c: {  	_ =	shalt  }
0x6d: {  	_ =	shalt  }
0x6e: {  	_ =	shalt  }
0x6f: {  	_ =	shalt  }
0x70: {  	_ =	shalt  }
0x71: {  	_ =	shalt  }
0x72: {  	_ =	shalt  }
0x73: {  	_ =	shalt  }
0x74: {  	_ =	shalt  }
0x75: {  	_ =	shalt  }
0x76: {  	_ =	shalt  }
0x77: {  	_ =	shalt  }
0x78: {  	_ =	shalt  }
0x79: {  	_ =	shalt  }
0x7a: {  	_ =	shalt  }
0x7b: {  	_ =	shalt  }
0x7c: {  	_ =	shalt  }
0x7d: {  	_ =	shalt  }
0x7e: {  	_ =	shalt  }
0x7f: {  	_ =	shalt  }
0x80: {  	_ =	shalt  }
0x81: {  	_ =	shalt  }
0x82: {  	_ =	shalt  }
0x83: {  	_ =	shalt  }
0x84: {  	_ =	shalt  }
0x85: {  	_ =	shalt  }
0x86: {  	_ =	shalt  }
0x87: {  	_ =	shalt  }
.Lfunc_end0:
.L_simem_size_0:
called_computation_lowered:
.L_overlay_start_0:
0x88: {  	s2 =	sld [smem:$0x3FD9]  }
0x89: {  	s3 =	sld [smem:$0x3FFE];
	_ =	sdelay $0x1  }
0x8a: {  	s1 =	srdreg.scid  }
0x8b: {  	s0 =	sand.u32 $0x1, s1  }
0x8c: {  	s16 =	sshll.u32 s0, $0xA;
	s2 =	sadd.s32 s3, s2  }
0x8d: {  	s2 =	sadd.s32 s2, s16  }
0x8e: {  	[smem:$0x3FBE] =	sst s2  }
0x8f: {  	_ = 	snop  }
0x90: {  	(tm) =	ssettm $0x1  }
0x91: {  	s17 =	sld [smem:$0x3FFB];
	_ =	sdelay $0x3  }
0x92: {  	_ =	strace s17  }
0x93: {  	s2 =	sld [smem:$0x3FFC];
	_ =	sdelay $0x3  }
0x94: {  	_ =	strace s2  }
0x95: {  	s2 =	sld [smem:$0x3FFD];
	_ =	sdelay $0x3  }
0x96: {  	_ =	strace s2  }
0x97: {  	_ =	strace $0x8FFFFFFF  }
0x98: {  	s18 =	sld [smem:$0x3FDB];
	_ =	sdelay $0x1  }
0x99: {  	s19 =	simm.s32 $_scs_section_size  }
0x9a: {  	s4 =	simm.s32 $_size__tile_overlayer_lowered;
	s5 =	simm.s32 $_tile_overlayer_lowered  }
0x9b: {  	s22 =	simm.s32 $0x1BFF;
	s21 =	sshll.u32 s5, $0x1;
	s2 =	sadd.s32 s19, s18  }
0x9c: {  	s6 =	simm.s32 $0x0;
	s20 =	sshll.u32 s4, $0x1;
	s4 =	sadd.s32 s21, s2  }
0x9d: {  	[timem:s6], [sflag:s22] =	dma.local [hbm:s4], s20  }
0x9e: {  	_ =	swait.ge [sflag:s22], s20  }
0x9f: {  	s3 =	ssub.s32 $0x0, s20;
	[sflag:s22] =	ssyncset.done $0x0  }
0xa0: {  	[sflag:s22] =	ssyncadd.s32 s3;
	_ =	sdelay $0x1  }
0xa1: {  	s23 =	simm.s32 $0x1B8B  }
0xa2: {  	_ =	swait.ge [sflag:s23], $0x1  }
0xa3: {  	[sflag:s23] =	ssyncset.done $0x0  }
0xa4: {  	s25 =	simm.s32 $0x1B8E;
	s24 =	sld [smem:$0x3FFE];
	[sflag:s23] =	ssyncadd.s32 $0xFFFFFFFF  }
0xa5: {  	s26 =	simm.s32 $execute0_lowered;
	[smem:$0x3FD2] =	sst s25  }
0xa6: {  	s4 =	sshll.u32 s26, $0x1;
	_ =	strace $0x80000046;
	[dreg:$0x1] =	wrdreg $0xFFFFFFFF  }
0xa7: {  	s28 =	simm.s32 $_size_execute0_lowered;
	s2 =	sadd.s32 s2, s4;
	[dreg:$0x0] =	wrdreg $0x0  }
0xa8: {  	s4 =	sshll.u32 s28, $0x1;
	[dreg:$0x2] =	wrdreg s2  }
0xa9: {  	[dreg:$0x3] =	wrdreg s4  }
0xaa: {  	[dreg:$0x4] =	wrdreg $0xC0  }
0xab: {  	_ =	task [dreg:s6], $0x5FFFF  }
0xac: {  	[dreg:$0x1] =	wrdreg $0xFFFFFFFF  }
0xad: {  	[dreg:$0x0] =	wrdreg $0x60  }
0xae: {  	[dreg:$0x2] =	wrdreg s24  }
0xaf: {  	[dreg:$0x3] =	wrdreg $0x68000  }
0xb0: {  	[dreg:$0x4] =	wrdreg $0x9  }
0xb1: {  	_ =	task.clear_ibuf [dreg:s6], $0x5FFFF;
	_ =	strace $0x90000046  }
0xb2: {  	s29 =	simm.s32 $0x9;
	_ =	strace $0x80000048  }
0xb3: {  	_ =	swait.ge [sflag:s29], $0x1  }
0xb4: {  	[sflag:s29] =	ssyncadd.s32 $0xFFFFFFFF  }
0xb5: {  	_ =	strace $0x90000048  }
0xb6: {  	_ =	sfence  }
0xb7: {  	s30 =	sld [smem:$0x0];
	_ =	sdelay $0x2  }
0xb8: {  	s31 =	sshll.u32 s1, $0xD;
	s1 =	sshrl.u32 s1, $0x2  }
0xb9: {  	s3 =	sand.u32 $0x4000, s31;
	s1 =	sadd.s32 s1, s30  }
0xba: {  	s0 =	sor.u32 s3, s0;
	s1 =	sshll.u32 s1, $0x11  }
0xbb: {  	s0 =	sor.u32 s1, s0  }
0xbc: {  	s0 =	sadd.s32 $0x8F2B, s0  }
0xbd: {  	[sflag:s0] =	ssyncadd.remote.s32 $0x1  }
0xbe: {  	_ =	sfence.sel $0xFFFF  }
0xbf: {  	[dreg:$0x0] =	wrdreg $0xFFFFFFFF;
	(pc) =	sbr.abs _section_cstart, $3  }
0xc0: {  	[dreg:$0x1] =	wrdreg $0xFFFFFFFF  }
0xc1: {  	_ =	task.clear_ibuf [dreg:s6], $0x2FFFF;
	_ =	strace $0x9FFFFFFF  }
0xc2: {  	(tm) =	ssettm $0x7FFFFFFF  }
0xc3: {  	_ =	shalt  }
tec
execute0_lowered:
.L_overlay_start_1:
0x0: {  	(tag) =	ssettag $0x1  }
0x1: {  	s4 =	rddreg [dreg:$0x0]  }
0x2: {  	s2 =	rddreg [dreg:$0x1]  }
0x3: {  	s0 =	srdreg.scid;
	s1 =	rddreg [dreg:$0x2];
	s3 =	simm.s32 $0x0  }
0x4: {  	s15 =	simm.s32 $0x1;
	s16 =	simm.s32 $0x4000;
	s5 =	sand.u32 $0x1, s0  }
0x5: {  	s17 =	simm.s32 $0x50;
	s0 =	stileid.u32;
	s6 =	smul.u32 $0x140000, s5  }
0x6: {  	s20 =	simm.s32 $0x0;
	[smem:$0x7FF] =	sst s3;
	s7 =	smul.u32 $0x14000, s0  }
0x7: {  	s26 =	sshll.u32 s0, $0xB;
	s8 =	smul.u32 $0x50000, s0;
	_ =	strace $0x80000047  }
0x8: {  	s28 =	ssub.s32 $0x2, s5;
	s29 =	sshll.u32 s5, $0xF;
	s18 =	sshll.u32 s0, $0x6  }
0x9: {  	s31 =	sshrl.u32 s28, $0x1;
	s18 =	sor.u32 $0x1C01, s18;
	s6 =	sadd.s32 s7, s6  }
0xa: {  	s7 =	sadd.s32 s26, s4;
	s30 =	sshrl.u32 s8, $0x2;
	s14 =	ssub.s32 s28, s31  }
0xb: {  	s6 =	sshrl.u32 s6, $0x3;
	s7 =	sadd.s32 s29, s7;
	s14 =	smax.u32 s14, $0x1  }
0xc: {  	s13 =	sadd.s32 s6, s4;
	s4 =	sadd.s32 s30, s2;
	s5 =	sadd.s32 $0x2C00, s7  }
0xd: {  	s6 =	sadd.s32 $0x2800, s4;
	s7 =	sadd.s32 $0x5000, s4;
	s8 =	sadd.s32 $0x7800, s4  }
0xe: {  	s9 =	sadd.s32 $0xA000, s4;
	s10 =	sadd.s32 $0xC800, s4;
	s11 =	sadd.s32 $0xF000, s4  }
0xf: {  	v0 =	vimm.f32 $0.0e+00;
	v1 =	vimm.f32 $1.000000000e+00;
	s12 =	sadd.s32 $0x11800, s4;
	s13 =	sadd.s32 $0x12C00, s13;
	s19 =	sshrl.u32 s4, $0x3  }
.LBB2_1:
0x10: {  	[tilespmem:s3], [sflag:$0x1] =	stream.linear.gather [hbm4b:s5+s3], $0x3E80, $0x38;
	[tilespmem:$0x1A800] =	vst v63  }
0x11: {  	_ =	swait.ge [sflag:s15], $0x3E80  }
0x12: {  	[sflag:s15] =	ssyncset.done $0x0  }
0x13: {  	s21 =	simm.s32 $0x0;
	s22 =	simm.s32 $0x200;
	[sflag:s15] =	ssyncadd.s32 $0xFFFFC180  }
.LBB2_2:
0x14: {  	p0 =	sne.s32 s22, $0x9E00;
	[tilespmem:s21+$0x4070] =	vst v0  }
0x15: {  	[tilespmem:s21+$0x4000] =	vst v0  }
0x16: {  	[tilespmem:s21+$0x4010] =	vst v0  }
.Ltmp0:
0x17: {  	[tilespmem:s21+$0x4020] =	vst v0;
	(pc) =	sbr.rel @p0 .LBB2_2-.Ltmp0, $4  }
0x18: {  	[tilespmem:s21+$0x4030] =	vst v0  }
0x19: {  	[tilespmem:s21+$0x4040] =	vst v0  }
0x1a: {  	[tilespmem:s21+$0x4050] =	vst v0  }
0x1b: {  	[tilespmem:s21+$0x4060] =	vst v0;
	s21 =	sshra.s32 s22, $0x2;
	s22 =	sadd.s32 $0x200, s22  }
0x1c: {  	[tilespmem:s21+$0x4070] =	vst v0  }
0x1d: {  	[tilespmem:s21+$0x4000] =	vst v0  }
0x1e: {  	[tilespmem:s21+$0x4010] =	vst v0  }
0x1f: {  	[tilespmem:s21+$0x4020] =	vst v0  }
0x20: {  	[tilespmem:s21+$0x4030] =	vst v0  }
0x21: {  	[tilespmem:s21+$0x4040] =	vst v0  }
0x22: {  	[tilespmem:s21+$0x4050] =	vst v0  }
0x23: {  	[tilespmem:s21+$0x4060] =	vst v0  }
0x24: {  	[spmem:s4] =	stream.linear.scatter [tilespmem:s16], [sflag:$0x1], $0x2800, $0x38;
	[tilespmem:$0x1A800] =	vst v63  }
0x25: {  	_ =	swait.ge [sflag:s15], $0x2800  }
0x26: {  	[sflag:s15] =	ssyncset.done $0x0  }
0x27: {  	[sflag:s15] =	ssyncadd.s32 $0xFFFFD800  }
0x28: {  	[spmem:s6] =	stream.linear.scatter [tilespmem:s16], [sflag:$0x1], $0x2800, $0x38;
	[tilespmem:$0x1A800] =	vst v63  }
0x29: {  	_ =	swait.ge [sflag:s15], $0x2800  }
0x2a: {  	[sflag:s15] =	ssyncset.done $0x0  }
0x2b: {  	[sflag:s15] =	ssyncadd.s32 $0xFFFFD800  }
0x2c: {  	[spmem:s7] =	stream.linear.scatter [tilespmem:s16], [sflag:$0x1], $0x2800, $0x38;
	[tilespmem:$0x1A800] =	vst v63  }
0x2d: {  	_ =	swait.ge [sflag:s15], $0x2800  }
0x2e: {  	[sflag:s15] =	ssyncset.done $0x0  }
0x2f: {  	[sflag:s15] =	ssyncadd.s32 $0xFFFFD800  }
0x30: {  	[spmem:s8] =	stream.linear.scatter [tilespmem:s16], [sflag:$0x1], $0x2800, $0x38;
	[tilespmem:$0x1A800] =	vst v63  }
0x31: {  	_ =	swait.ge [sflag:s15], $0x2800  }
0x32: {  	[sflag:s15] =	ssyncset.done $0x0  }
0x33: {  	[sflag:s15] =	ssyncadd.s32 $0xFFFFD800  }
0x34: {  	[spmem:s9] =	stream.linear.scatter [tilespmem:s16], [sflag:$0x1], $0x2800, $0x38;
	[tilespmem:$0x1A800] =	vst v63  }
0x35: {  	_ =	swait.ge [sflag:s15], $0x2800  }
0x36: {  	[sflag:s15] =	ssyncset.done $0x0  }
0x37: {  	[sflag:s15] =	ssyncadd.s32 $0xFFFFD800  }
0x38: {  	[spmem:s10] =	stream.linear.scatter [tilespmem:s16], [sflag:$0x1], $0x2800, $0x38;
	[tilespmem:$0x1A800] =	vst v63  }
0x39: {  	_ =	swait.ge [sflag:s15], $0x2800  }
0x3a: {  	[sflag:s15] =	ssyncset.done $0x0  }
0x3b: {  	[sflag:s15] =	ssyncadd.s32 $0xFFFFD800  }
0x3c: {  	[spmem:s11] =	stream.linear.scatter [tilespmem:s16], [sflag:$0x1], $0x2800, $0x38;
	[tilespmem:$0x1A800] =	vst v63  }
0x3d: {  	_ =	swait.ge [sflag:s15], $0x2800  }
0x3e: {  	[sflag:s15] =	ssyncset.done $0x0  }
0x3f: {  	[sflag:s15] =	ssyncadd.s32 $0xFFFFD800  }
0x40: {  	[spmem:s12] =	stream.linear.scatter [tilespmem:s16], [sflag:$0x1], $0x2800, $0x38;
	[tilespmem:$0x1A800] =	vst v63  }
0x41: {  	_ =	swait.ge [sflag:s15], $0x2800  }
0x42: {  	[sflag:s15] =	ssyncset.done $0x0  }
0x43: {  	s21 =	simm.s32 $0x0;
	s22 =	simm.s32 $0x200;
	[sflag:s15] =	ssyncadd.s32 $0xFFFFD800  }
.LBB2_4:
0x44: {  	p0 =	sne.s32 s22, $0x9E00;
	[tilespmem:s21+$0x4070] =	vst v1  }
0x45: {  	[tilespmem:s21+$0x4000] =	vst v1  }
0x46: {  	[tilespmem:s21+$0x4010] =	vst v1  }
.Ltmp1:
0x47: {  	[tilespmem:s21+$0x4020] =	vst v1;
	(pc) =	sbr.rel @p0 .LBB2_4-.Ltmp1, $4  }
0x48: {  	[tilespmem:s21+$0x4030] =	vst v1  }
0x49: {  	[tilespmem:s21+$0x4040] =	vst v1  }
0x4a: {  	[tilespmem:s21+$0x4050] =	vst v1  }
0x4b: {  	[tilespmem:s21+$0x4060] =	vst v1;
	s21 =	sshra.s32 s22, $0x2;
	s22 =	sadd.s32 $0x200, s22  }
0x4c: {  	[tilespmem:s21+$0x4070] =	vst v1  }
0x4d: {  	[tilespmem:s21+$0x4000] =	vst v1  }
0x4e: {  	[tilespmem:s21+$0x4010] =	vst v1  }
0x4f: {  	[tilespmem:s21+$0x4020] =	vst v1  }
0x50: {  	[tilespmem:s21+$0x4030] =	vst v1  }
0x51: {  	[tilespmem:s21+$0x4040] =	vst v1  }
0x52: {  	[tilespmem:s21+$0x4050] =	vst v1  }
0x53: {  	[tilespmem:s21+$0x4060] =	vst v1  }
0x54: {  	s31 =	simm.s32 $0x0;
	[bflag:$0x0] =	sbarrier.arrive $0xFFFF  }
0x55: {  	[spmem:s2] =	stream.indirect.scatter.add.f32 [tilespmem:s16], [sflag:$0x1], $0x80, s31, s17, $0xb8;
	[tilespmem:$0x1A800] =	vst v63  }
0x56: {  	_ =	swait.ge [sflag:s15], $0x2800  }
0x57: {  	s21 =	simm.s32 $0x200;
	[sflag:s15] =	ssyncset.done $0x0  }
.LBB2_6:
0x58: {  	s22 =	sshra.s32 s21, $0x2;
	[sflag:s15] =	ssyncadd.s32 $0xFFFFD800;
	p0 =	sne.s32 s21, $0xF800  }
0x59: {  	[spmem:s2] =	stream.indirect.scatter.add.f32 [tilespmem:s16], [sflag:$0x1], $0x80, s22, s17, $0xb8;
	[tilespmem:$0x1A800] =	vst v63  }
.Ltmp2:
0x5a: {  	_ = 	snop;
	(pc) =	sbr.rel @p0 .LBB2_6-.Ltmp2, $4  }
0x5b: {  	_ = 	snop  }
0x5c: {  	s21 =	sadd.s32 $0x200, s21  }
0x5d: {  	_ =	swait.ge [sflag:s15], $0x2800  }
0x5e: {  	[sflag:s15] =	ssyncset.done $0x0  }
0x5f: {  	s20 =	sadd.s32 $0x1, s20  }
0x60: {  	[sflag:s15] =	ssyncadd.s32 $0xFFFFD800;
	p0 =	sne.s32 s20, s14  }
.Ltmp3:
0x61: {  	[bflag:$0x0] =	sbarrier.arrive $0xFFFF;
	(pc) =	sbr.rel @p0 .LBB2_1-.Ltmp3, $4  }
0x62: {  	[hbm:s13], [sflag:s18] =	dma.local [spmem:s19], $0x2800  }
0x63: {  	_ =	swait.ge [sflag:s15], $0x2800  }
0x64: {  	[sflag:s15] =	ssyncset.done $0x0  }
0x65: {  	[sflag:s15] =	ssyncadd.s32 $0xFFFFD800  }
0x66: {  	_ =	sfence.sel $0x180000  }
0x67: {  	[bflag:$0x0] =	sbarrier.arrive $0xFFFF  }
0x68: {  	p0 =	sne.s32 s0, $0x0;
	_ =	strace $0x90000047  }
0x69: {  	s0 =	sadd.s32 @!p0 $0x100000, s1;
	[bflag:$0x2] =	sbarrier.arrive $0xFFFF  }
0x6a: {  	[sflag:s0] =	ssyncadd.tile.s32 @!p0 $0x1;
	_ =	shalt  }
.Lfunc_end2:
_tile_overlayer_lowered:
.L_overlay_start_2:
0x6b: {  	(tag) =	ssettag $0x2  }
0x6c: {  	s0 =	rddreg [dreg:$0x0];
	s2 =	stileid.u32  }
0x6d: {  	s1 =	rddreg [dreg:$0x1];
	p0 =	sne.s32 s2, $0x0  }
0x6e: {  	s3 =	rddreg [dreg:$0x2];
	[bflag:$0x3] =	sbarrier.arrive $0xFFFF;
	s2 =	simm.s32 @!p0 $0x1C01  }
0x6f: {  	[timem:s3], [sflag:s2] =	dma.local @!p0 [hbm:s0], s1  }
0x70: {  	s0 =	simm.s32 @!p0 $0x1  }
0x71: {  	_ =	swait.ge @!p0 [sflag:s0], s1  }
0x72: {  	s1 =	ssub.s32 @!p0 $0x0, s1;
	[sflag:s0] =	ssyncset.done @!p0 $0x0  }
0x73: {  	[sflag:s0] =	ssyncadd.s32 @!p0 s1  }
0x74: {  	[bflag:$0x3] =	sbarrier.arrive $0xFFFF  }
0x75: {  	_ =	shalt  }

// kernel: kernel.14.cloned.1.call-start
scs
__scs_entry_jumppad:
0x0: {  	(pc) =	sbr.rel $0x88, $3  }
0x1: {  	(tag) =	ssettag $0x0;
	lr =	simm.s32 $0x1  }
0x2: {  	[smem:$0x3F97] =	sst lr;
	_ =	strace $0xD0000000  }
0x3: {  	_ = 	snop  }
0x4: {  	_ = 	snop  }
0x5: {  	_ = 	snop  }
0x6: {  	_ = 	snop  }
0x7: {  	_ = 	snop  }
__scs_overlays_trampoline_lowered:
0x8: {  	[smem:$0x3FA6] =	sst s0  }
0x9: {  	[smem:$0x3FA7] =	sst s1  }
0xa: {  	[smem:$0x3FA8] =	sst s2  }
0xb: {  	[smem:$0x3FA9] =	sst s3  }
0xc: {  	[smem:$0x3FAA] =	sst s4  }
0xd: {  	[smem:$0x3FAB] =	sst s5  }
0xe: {  	[smem:$0x3FAC] =	sst s6  }
0xf: {  	[smem:$0x3FAD] =	sst s7  }
0x10: {  	[smem:$0x3FAE] =	sst s8  }
0x11: {  	[smem:$0x3FAF] =	sst s9;
	s0 =	simm.s32 @!p0 $0x0  }
0x12: {  	s1 =	sld [smem:$0x3F95];
	s0 =	simm.s32 @p0 $0x1  }
0x13: {  	[smem:$0x3FB0] =	sst s0;
	s0 =	simm.s32 @!p1 $0x0  }
0x14: {  	s2 =	sld [smem:$0x3F94];
	s0 =	simm.s32 @p1 $0x1  }
0x15: {  	[smem:$0x3FB1] =	sst s0;
	s0 =	simm.s32 @!p2 $0x0  }
0x16: {  	s3 =	sld [smem:$0x3FDB];
	s0 =	simm.s32 @p2 $0x1  }
0x17: {  	s4 =	simm.s32 $0x1BF5;
	[smem:$0x3FB3] =	sst s0  }
0x18: {  	s0 =	sld [smem:$0x3F96];
	_ =	swait.ge [sflag:s4], $0x0  }
0x19: {  	s7 =	sld [smem:$0x3F97]  }
0x1a: {  	s8 =	sadd.s32 $0xFFFFE003, lr  }
0x1b: {  	s9 =	sadd.s32 $0xFFFFFEF7, lr;
	s5 =	simm.s32 $0xFFFFFFFF;
	p2 =	slt.u32 s8, $0xFFFFF086  }
0x1c: {  	p1 =	slt.u32 s9, $0xF7A;
	s5 =	simm.s32 @!p2 $0x0  }
0x1d: {  	s5 =	simm.s32 @p1 $0x1;
	p0 =	seq.s32 s7, s2  }
0x1e: {  	s7 =	smul.u32 @!p0 $0xF7A, s2;
	p2 =	seq.s32 @!p0 s5, $0x0  }
0x1f: {  	s9 =	smul.u32 $0xF7A, s1;
	s8 =	simm.s32 @!p0 $0x1BF5;
	p2 =	por !p2, p0  }
0x20: {  	[sflag:s8] =	ssyncset.s32 @!p0 $0xFFFFF086;
	s6 =	sadd.s32 @!p0 s3, s7;
	s7 =	simm.s32 @!p0 $0x108  }
0x21: {  	s3 =	sadd.s32 s3, s9;
	s6 =	sadd.s32 @!p0 $0x88, s6;
	s7 =	simm.s32 @p2 $0x1082  }
0x22: {  	[simem:s7], [sflag:s8] =	dma.local @!p0 [hbm:s6], $0xF7A  }
0x23: {  	s9 =	sor.u32 $0xD0000000, s2;
	s6 =	simm.s32 $0x108;
	_ =	swait.ge @!p0 [sflag:s8], $0x0  }
0x24: {  	s3 =	sadd.s32 $0x88, s3;
	s6 =	simm.s32 @!p1 $0x1082;
	[sflag:s4] =	ssyncset.s32 $0xFFFFF086  }
0x25: {  	[simem:s6], [sflag:s4] =	dma.local [hbm:s3], $0xF7A  }
0x26: {  	[smem:$0x3F97] =	sst s1;
	(tag) =	ssettag s2;
	_ =	strace s9  }
0x27: {  	s1 =	sld [smem:$0x3FA7]  }
0x28: {  	s2 =	sld [smem:$0x3FA8]  }
0x29: {  	s4 =	sld [smem:$0x3FAA]  }
0x2a: {  	p0 =	seq.s32 s5, $0x0;
	s5 =	sld [smem:$0x3FAB]  }
0x2b: {  	s6 =	sld [smem:$0x3FAC]  }
0x2c: {  	s7 =	sld [smem:$0x3FAD]  }
0x2d: {  	s3 =	simm.s32 $0x108;
	s8 =	sld [smem:$0x3FAE]  }
0x2e: {  	s3 =	simm.s32 @!p0 $0x1082;
	s9 =	sld [smem:$0x3FAF]  }
0x2f: {  	lr =	sadd.s32 s0, s3;
	s0 =	sld [smem:$0x3FA6]  }
0x30: {  	s3 =	sld [smem:$0x3FA9]  }
0x31: {  	[smem:$0x3FB2] =	sst s10  }
0x32: {  	s10 =	sld [smem:$0x3FB0];
	_ =	sdelay $0x3  }
0x33: {  	p0 =	seq.s32 s10, $0x1;
	s10 =	sld [smem:$0x3FB2];
	_ =	sdelay $0x3  }
0x34: {  	[smem:$0x3FB2] =	sst s10  }
0x35: {  	s10 =	sld [smem:$0x3FB1];
	_ =	sdelay $0x3  }
0x36: {  	p1 =	seq.s32 s10, $0x1;
	s10 =	sld [smem:$0x3FB2];
	_ =	sdelay $0x3  }
0x37: {  	[smem:$0x3FB2] =	sst s10  }
0x38: {  	s10 =	sld [smem:$0x3FB3]  }
0x39: {  	_ = 	snop;
	(pc) =	sbr.ind lr, $3  }
0x3a: {  	_ = 	snop  }
0x3b: {  	_ = 	snop  }
0x3c: {  	p2 =	seq.s32 s10, $0x1;
	s10 =	sld [smem:$0x3FB2]  }
0x3d: {  	_ =	shalt  }
0x3e: {  	_ =	shalt  }
0x3f: {  	_ =	shalt  }
0x40: {  	_ =	shalt  }
0x41: {  	_ =	shalt  }
0x42: {  	_ =	shalt  }
0x43: {  	_ =	shalt  }
0x44: {  	_ =	shalt  }
0x45: {  	_ =	shalt  }
0x46: {  	_ =	shalt  }
0x47: {  	_ =	shalt  }
0x48: {  	_ =	shalt  }
0x49: {  	_ =	shalt  }
0x4a: {  	_ =	shalt  }
0x4b: {  	_ =	shalt  }
0x4c: {  	_ =	shalt  }
0x4d: {  	_ =	shalt  }
0x4e: {  	_ =	shalt  }
0x4f: {  	_ =	shalt  }
0x50: {  	_ =	shalt  }
0x51: {  	_ =	shalt  }
0x52: {  	_ =	shalt  }
0x53: {  	_ =	shalt  }
0x54: {  	_ =	shalt  }
0x55: {  	_ =	shalt  }
0x56: {  	_ =	shalt  }
0x57: {  	_ =	shalt  }
0x58: {  	_ =	shalt  }
0x59: {  	_ =	shalt  }
0x5a: {  	_ =	shalt  }
0x5b: {  	_ =	shalt  }
0x5c: {  	_ =	shalt  }
0x5d: {  	_ =	shalt  }
0x5e: {  	_ =	shalt  }
0x5f: {  	_ =	shalt  }
0x60: {  	_ =	shalt  }
0x61: {  	_ =	shalt  }
0x62: {  	_ =	shalt  }
0x63: {  	_ =	shalt  }
0x64: {  	_ =	shalt  }
0x65: {  	_ =	shalt  }
0x66: {  	_ =	shalt  }
0x67: {  	_ =	shalt  }
0x68: {  	_ =	shalt  }
0x69: {  	_ =	shalt  }
0x6a: {  	_ =	shalt  }
0x6b: {  	_ =	shalt  }
0x6c: {  	_ =	shalt  }
0x6d: {  	_ =	shalt  }
0x6e: {  	_ =	shalt  }
0x6f: {  	_ =	shalt  }
0x70: {  	_ =	shalt  }
0x71: {  	_ =	shalt  }
0x72: {  	_ =	shalt  }
0x73: {  	_ =	shalt  }
0x74: {  	_ =	shalt  }
0x75: {  	_ =	shalt  }
0x76: {  	_ =	shalt  }
0x77: {  	_ =	shalt  }
0x78: {  	_ =	shalt  }
0x79: {  	_ =	shalt  }
0x7a: {  	_ =	shalt  }
0x7b: {  	_ =	shalt  }
0x7c: {  	_ =	shalt  }
0x7d: {  	_ =	shalt  }
0x7e: {  	_ =	shalt  }
0x7f: {  	_ =	shalt  }
0x80: {  	_ =	shalt  }
0x81: {  	_ =	shalt  }
0x82: {  	_ =	shalt  }
0x83: {  	_ =	shalt  }
0x84: {  	_ =	shalt  }
0x85: {  	_ =	shalt  }
0x86: {  	_ =	shalt  }
0x87: {  	_ =	shalt  }
.Lfunc_end0:
.L_simem_size_0:
called_computation.1_lowered:
.L_overlay_start_0:
0x88: {  	s2 =	sld [smem:$0x3FD9]  }
0x89: {  	s3 =	sld [smem:$0x3FFE];
	_ =	sdelay $0x1  }
0x8a: {  	s1 =	srdreg.scid  }
0x8b: {  	s0 =	sand.u32 $0x1, s1  }
0x8c: {  	s16 =	sshll.u32 s0, $0xA;
	s2 =	sadd.s32 s3, s2  }
0x8d: {  	s2 =	sadd.s32 s2, s16  }
0x8e: {  	[smem:$0x3FBE] =	sst s2  }
0x8f: {  	_ = 	snop  }
0x90: {  	(tm) =	ssettm $0x1  }
0x91: {  	s17 =	sld [smem:$0x3FFB];
	_ =	sdelay $0x3  }
0x92: {  	_ =	strace s17  }
0x93: {  	s2 =	sld [smem:$0x3FFC];
	_ =	sdelay $0x3  }
0x94: {  	_ =	strace s2  }
0x95: {  	s2 =	sld [smem:$0x3FFD];
	_ =	sdelay $0x3  }
0x96: {  	_ =	strace s2  }
0x97: {  	_ =	strace $0x8FFFFFFF  }
0x98: {  	s18 =	sld [smem:$0x3FDB];
	_ =	sdelay $0x1  }
0x99: {  	s19 =	simm.s32 $_scs_section_size  }
0x9a: {  	s4 =	simm.s32 $_size__tile_overlayer_lowered;
	s5 =	simm.s32 $_tile_overlayer_lowered  }
0x9b: {  	s22 =	simm.s32 $0x1BFF;
	s21 =	sshll.u32 s5, $0x1;
	s2 =	sadd.s32 s19, s18  }
0x9c: {  	s6 =	simm.s32 $0x0;
	s20 =	sshll.u32 s4, $0x1;
	s4 =	sadd.s32 s21, s2  }
0x9d: {  	[timem:s6], [sflag:s22] =	dma.local [hbm:s4], s20  }
0x9e: {  	_ =	swait.ge [sflag:s22], s20  }
0x9f: {  	s3 =	ssub.s32 $0x0, s20;
	[sflag:s22] =	ssyncset.done $0x0  }
0xa0: {  	[sflag:s22] =	ssyncadd.s32 s3;
	_ =	sdelay $0x1  }
0xa1: {  	s23 =	simm.s32 $0x1B8B  }
0xa2: {  	_ =	swait.ge [sflag:s23], $0x1  }
0xa3: {  	[sflag:s23] =	ssyncset.done $0x0  }
0xa4: {  	s25 =	simm.s32 $0x1B8E;
	s24 =	sld [smem:$0x3FFE];
	[sflag:s23] =	ssyncadd.s32 $0xFFFFFFFF  }
0xa5: {  	s26 =	simm.s32 $execute0_lowered;
	[smem:$0x3FD2] =	sst s25  }
0xa6: {  	s4 =	sshll.u32 s26, $0x1;
	_ =	strace $0x80000049;
	[dreg:$0x1] =	wrdreg $0xFFFFFFFF  }
0xa7: {  	s28 =	simm.s32 $_size_execute0_lowered;
	s2 =	sadd.s32 s2, s4;
	[dreg:$0x0] =	wrdreg $0x0  }
0xa8: {  	s4 =	sshll.u32 s28, $0x1;
	[dreg:$0x2] =	wrdreg s2  }
0xa9: {  	[dreg:$0x3] =	wrdreg s4  }
0xaa: {  	[dreg:$0x4] =	wrdreg $0xC0  }
0xab: {  	_ =	task [dreg:s6], $0x5FFFF  }
0xac: {  	[dreg:$0x1] =	wrdreg $0xFFFFFFFF  }
0xad: {  	[dreg:$0x0] =	wrdreg $0x60  }
0xae: {  	[dreg:$0x2] =	wrdreg s24  }
0xaf: {  	[dreg:$0x3] =	wrdreg $0xA8000  }
0xb0: {  	[dreg:$0x4] =	wrdreg $0x9  }
0xb1: {  	_ =	task.clear_ibuf [dreg:s6], $0x5FFFF;
	_ =	strace $0x90000049  }
0xb2: {  	s29 =	simm.s32 $0x9;
	_ =	strace $0x8000004B  }
0xb3: {  	_ =	swait.ge [sflag:s29], $0x1  }
0xb4: {  	[sflag:s29] =	ssyncadd.s32 $0xFFFFFFFF  }
0xb5: {  	_ =	strace $0x9000004B  }
0xb6: {  	_ =	sfence  }
0xb7: {  	s30 =	sld [smem:$0x0];
	_ =	sdelay $0x2  }
0xb8: {  	s31 =	sshll.u32 s1, $0xD;
	s1 =	sshrl.u32 s1, $0x2  }
0xb9: {  	s3 =	sand.u32 $0x4000, s31;
	s1 =	sadd.s32 s1, s30  }
0xba: {  	s0 =	sor.u32 s3, s0;
	s1 =	sshll.u32 s1, $0x11  }
0xbb: {  	s0 =	sor.u32 s1, s0  }
0xbc: {  	s0 =	sadd.s32 $0x8F2B, s0  }
0xbd: {  	[sflag:s0] =	ssyncadd.remote.s32 $0x1  }
0xbe: {  	_ =	sfence.sel $0xFFFF  }
0xbf: {  	[dreg:$0x0] =	wrdreg $0xFFFFFFFF;
	(pc) =	sbr.abs _section_cstart, $3  }
0xc0: {  	[dreg:$0x1] =	wrdreg $0xFFFFFFFF  }
0xc1: {  	_ =	task.clear_ibuf [dreg:s6], $0x2FFFF;
	_ =	strace $0x9FFFFFFF  }
0xc2: {  	(tm) =	ssettm $0x7FFFFFFF  }
0xc3: {  	_ =	shalt  }
tec
execute0_lowered:
.L_overlay_start_1:
0x0: {  	(tag) =	ssettag $0x1  }
0x1: {  	s5 =	rddreg [dreg:$0x0]  }
0x2: {  	s1 =	rddreg [dreg:$0x1]  }
0x3: {  	s0 =	rddreg [dreg:$0x2]  }
0x4: {  	s3 =	simm.s32 $0x0;
	s2 =	srdreg.scid;
	s17 =	simm.s32 $0x2  }
0x5: {  	s18 =	simm.s32 $0x4000;
	s19 =	simm.s32 $0x8000;
	s20 =	simm.s32 $0x50  }
0x6: {  	s21 =	simm.s32 $0x1;
	s24 =	simm.s32 $0x0;
	[smem:$0x7FF] =	sst s3  }
0x7: {  	s6 =	sand.u32 $0x1, s2;
	s2 =	stileid.u32;
	s4 =	sadd.s32 $0x12C00, s5  }
0x8: {  	s7 =	smul.u32 $0x140000, s6;
	s8 =	sshll.u32 s6, $0xF;
	s9 =	sshll.u32 s2, $0xB  }
0x9: {  	s10 =	smul.u32 $0x14000, s2;
	_ =	strace $0x8000004A;
	s6 =	ssub.s32 $0x2, s6  }
0xa: {  	s29 =	smul.u32 $0x50000, s2;
	s22 =	sshll.u32 s2, $0x6;
	s8 =	sor.u32 s9, s8  }
0xb: {  	s30 =	sshrl.u32 s6, $0x1;
	s22 =	sor.u32 $0x1C02, s22;
	s7 =	sadd.s32 s10, s7  }
0xc: {  	s8 =	sadd.s32 s8, s5;
	s16 =	ssub.s32 s6, s30;
	s31 =	sshrl.u32 s29, $0x2  }
0xd: {  	s7 =	sshrl.u32 s7, $0x3;
	s6 =	sadd.s32 $0x2C00, s8;
	s16 =	smax.u32 s16, $0x1  }
0xe: {  	s15 =	sadd.s32 s7, s5;
	s5 =	sadd.s32 $0x62C00, s8;
	s7 =	sadd.s32 s31, s1  }
0xf: {  	s8 =	sadd.s32 $0x2800, s7;
	s9 =	sadd.s32 $0x5000, s7;
	s10 =	sadd.s32 $0x7800, s7  }
0x10: {  	s11 =	sadd.s32 $0xA000, s7;
	s12 =	sadd.s32 $0xC800, s7;
	s13 =	sadd.s32 $0xF000, s7  }
0x11: {  	v0 =	vimm.f32 $0.0e+00;
	s14 =	sadd.s32 $0x11800, s7;
	s15 =	sadd.s32 $0x72C00, s15;
	s23 =	sshrl.u32 s7, $0x3  }
.LBB2_1:
0x12: {  	[tilespmem:s3], [sflag:$0x2] =	stream.linear.gather [hbm4b:s5+s3], $0x3E80, $0x38;
	[tilespmem:$0x1E800] =	vst v63  }
0x13: {  	_ =	swait.ge [sflag:s17], $0x3E80  }
0x14: {  	[sflag:s17] =	ssyncset.done $0x0  }
0x15: {  	[sflag:s17] =	ssyncadd.s32 $0xFFFFC180  }
0x16: {  	[tilespmem:s18], [sflag:$0x2] =	stream.linear.gather [hbm4b:s6+s3], $0x3E80, $0x38;
	[tilespmem:$0x1E800] =	vst v63  }
0x17: {  	_ =	swait.ge [sflag:s17], $0x3E80  }
0x18: {  	[sflag:s17] =	ssyncset.done $0x0  }
0x19: {  	s25 =	simm.s32 $0x0;
	s26 =	simm.s32 $0x200;
	[sflag:s17] =	ssyncadd.s32 $0xFFFFC180  }
.LBB2_2:
0x1a: {  	p0 =	sne.s32 s26, $0x9E00;
	[tilespmem:s25+$0x8070] =	vst v0  }
0x1b: {  	[tilespmem:s25+$0x8000] =	vst v0  }
0x1c: {  	[tilespmem:s25+$0x8010] =	vst v0  }
.Ltmp0:
0x1d: {  	[tilespmem:s25+$0x8020] =	vst v0;
	(pc) =	sbr.rel @p0 .LBB2_2-.Ltmp0, $4  }
0x1e: {  	[tilespmem:s25+$0x8030] =	vst v0  }
0x1f: {  	[tilespmem:s25+$0x8040] =	vst v0  }
0x20: {  	[tilespmem:s25+$0x8050] =	vst v0  }
0x21: {  	[tilespmem:s25+$0x8060] =	vst v0;
	s25 =	sshra.s32 s26, $0x2;
	s26 =	sadd.s32 $0x200, s26  }
0x22: {  	[tilespmem:s25+$0x8070] =	vst v0  }
0x23: {  	[tilespmem:s25+$0x8000] =	vst v0  }
0x24: {  	[tilespmem:s25+$0x8010] =	vst v0  }
0x25: {  	[tilespmem:s25+$0x8020] =	vst v0  }
0x26: {  	[tilespmem:s25+$0x8030] =	vst v0  }
0x27: {  	[tilespmem:s25+$0x8040] =	vst v0  }
0x28: {  	[tilespmem:s25+$0x8050] =	vst v0  }
0x29: {  	[tilespmem:s25+$0x8060] =	vst v0  }
0x2a: {  	[spmem:s7] =	stream.linear.scatter [tilespmem:s19], [sflag:$0x2], $0x2800, $0x38;
	[tilespmem:$0x1E800] =	vst v63  }
0x2b: {  	_ =	swait.ge [sflag:s17], $0x2800  }
0x2c: {  	[sflag:s17] =	ssyncset.done $0x0  }
0x2d: {  	[sflag:s17] =	ssyncadd.s32 $0xFFFFD800  }
0x2e: {  	[spmem:s8] =	stream.linear.scatter [tilespmem:s19], [sflag:$0x2], $0x2800, $0x38;
	[tilespmem:$0x1E800] =	vst v63  }
0x2f: {  	_ =	swait.ge [sflag:s17], $0x2800  }
0x30: {  	[sflag:s17] =	ssyncset.done $0x0  }
0x31: {  	[sflag:s17] =	ssyncadd.s32 $0xFFFFD800  }
0x32: {  	[spmem:s9] =	stream.linear.scatter [tilespmem:s19], [sflag:$0x2], $0x2800, $0x38;
	[tilespmem:$0x1E800] =	vst v63  }
0x33: {  	_ =	swait.ge [sflag:s17], $0x2800  }
0x34: {  	[sflag:s17] =	ssyncset.done $0x0  }
0x35: {  	[sflag:s17] =	ssyncadd.s32 $0xFFFFD800  }
0x36: {  	[spmem:s10] =	stream.linear.scatter [tilespmem:s19], [sflag:$0x2], $0x2800, $0x38;
	[tilespmem:$0x1E800] =	vst v63  }
0x37: {  	_ =	swait.ge [sflag:s17], $0x2800  }
0x38: {  	[sflag:s17] =	ssyncset.done $0x0  }
0x39: {  	[sflag:s17] =	ssyncadd.s32 $0xFFFFD800  }
0x3a: {  	[spmem:s11] =	stream.linear.scatter [tilespmem:s19], [sflag:$0x2], $0x2800, $0x38;
	[tilespmem:$0x1E800] =	vst v63  }
0x3b: {  	_ =	swait.ge [sflag:s17], $0x2800  }
0x3c: {  	[sflag:s17] =	ssyncset.done $0x0  }
0x3d: {  	[sflag:s17] =	ssyncadd.s32 $0xFFFFD800  }
0x3e: {  	[spmem:s12] =	stream.linear.scatter [tilespmem:s19], [sflag:$0x2], $0x2800, $0x38;
	[tilespmem:$0x1E800] =	vst v63  }
0x3f: {  	_ =	swait.ge [sflag:s17], $0x2800  }
0x40: {  	[sflag:s17] =	ssyncset.done $0x0  }
0x41: {  	[sflag:s17] =	ssyncadd.s32 $0xFFFFD800  }
0x42: {  	[spmem:s13] =	stream.linear.scatter [tilespmem:s19], [sflag:$0x2], $0x2800, $0x38;
	[tilespmem:$0x1E800] =	vst v63  }
0x43: {  	_ =	swait.ge [sflag:s17], $0x2800  }
0x44: {  	[sflag:s17] =	ssyncset.done $0x0  }
0x45: {  	[sflag:s17] =	ssyncadd.s32 $0xFFFFD800  }
0x46: {  	[spmem:s14] =	stream.linear.scatter [tilespmem:s19], [sflag:$0x2], $0x2800, $0x38;
	[tilespmem:$0x1E800] =	vst v63  }
0x47: {  	_ =	swait.ge [sflag:s17], $0x2800  }
0x48: {  	[sflag:s17] =	ssyncset.done $0x0  }
0x49: {  	[sflag:s17] =	ssyncadd.s32 $0xFFFFD800  }
0x4a: {  	s30 =	simm.s32 $0x0;
	[bflag:$0x0] =	sbarrier.arrive $0xFFFF  }
0x4b: {  	[tilespmem:s19], [sflag:$0x1] =	stream.indirect.gather [hbm4b:s4+s20], $0x80, s30, s20, $0xb8;
	[tilespmem:$0x1E800] =	vst v63  }
0x4c: {  	_ =	swait.ge [sflag:s21], $0x2800  }
0x4d: {  	[sflag:s21] =	ssyncset.done $0x0  }
0x4e: {  	s31 =	simm.s32 $0x4000;
	[sflag:s21] =	ssyncadd.s32 $0xFFFFD800  }
0x4f: {  	[spmem:s1] =	stream.indirect.scatter.add.f32 [tilespmem:s19], [sflag:$0x2], $0x80, s31, s20, $0xb8;
	[tilespmem:$0x1E800] =	vst v63  }
0x50: {  	_ =	swait.ge [sflag:s17], $0x2800  }
0x51: {  	s25 =	simm.s32 $0x200;
	s26 =	simm.s32 $0x400;
	[sflag:s17] =	ssyncset.done $0x0  }
.LBB2_4:
0x52: {  	s28 =	sshra.s32 s25, $0x2  }
0x53: {  	[sflag:s17] =	ssyncadd.s32 $0xFFFFD800;
	s25 =	smov.u32 s26;
	s29 =	sadd.s32 $0x200, s26  }
0x54: {  	[tilespmem:s19], [sflag:$0x1] =	stream.indirect.gather [hbm4b:s4+s20], $0x80, s28, s20, $0xb8;
	[tilespmem:$0x1E800] =	vst v63  }
0x55: {  	p0 =	sne.s32 s26, $0xF800;
	_ =	swait.ge [sflag:s21], $0x2800  }
.Ltmp1:
0x56: {  	[sflag:s21] =	ssyncset.done $0x0;
	(pc) =	sbr.rel @p0 .LBB2_4-.Ltmp1, $4  }
0x57: {  	s26 =	sadd.s32 $0x4000, s28;
	[sflag:s21] =	ssyncadd.s32 $0xFFFFD800  }
0x58: {  	[spmem:s1] =	stream.indirect.scatter.add.f32 [tilespmem:s19], [sflag:$0x2], $0x80, s26, s20, $0xb8;
	[tilespmem:$0x1E800] =	vst v63  }
0x59: {  	_ =	swait.ge [sflag:s17], $0x2800  }
0x5a: {  	s26 =	smov.u32 s29;
	[sflag:s17] =	ssyncset.done $0x0  }
0x5b: {  	s25 =	sshra.s32 s25, $0x2;
	[sflag:s17] =	ssyncadd.s32 $0xFFFFD800  }
0x5c: {  	[tilespmem:s19], [sflag:$0x1] =	stream.indirect.gather [hbm4b:s4+s20], $0x80, s25, s20, $0xb8;
	[tilespmem:$0x1E800] =	vst v63  }
0x5d: {  	_ =	swait.ge [sflag:s21], $0x2800  }
0x5e: {  	[sflag:s21] =	ssyncset.done $0x0  }
0x5f: {  	s25 =	sadd.s32 $0x4000, s25;
	[sflag:s21] =	ssyncadd.s32 $0xFFFFD800  }
0x60: {  	[spmem:s1] =	stream.indirect.scatter.add.f32 [tilespmem:s19], [sflag:$0x2], $0x80, s25, s20, $0xb8;
	[tilespmem:$0x1E800] =	vst v63  }
0x61: {  	_ =	swait.ge [sflag:s17], $0x2800  }
0x62: {  	s24 =	sadd.s32 $0x1, s24;
	[sflag:s17] =	ssyncset.done $0x0  }
0x63: {  	p0 =	sne.s32 s24, s16;
	[sflag:s17] =	ssyncadd.s32 $0xFFFFD800  }
.Ltmp2:
0x64: {  	[bflag:$0x0] =	sbarrier.arrive $0xFFFF;
	(pc) =	sbr.rel @p0 .LBB2_1-.Ltmp2, $4  }
0x65: {  	[hbm:s15], [sflag:s22] =	dma.local [spmem:s23], $0x2800  }
0x66: {  	_ =	swait.ge [sflag:s17], $0x2800  }
0x67: {  	[sflag:s17] =	ssyncset.done $0x0  }
0x68: {  	[sflag:s17] =	ssyncadd.s32 $0xFFFFD800  }
0x69: {  	_ =	sfence.sel $0x180000  }
0x6a: {  	[bflag:$0x0] =	sbarrier.arrive $0xFFFF  }
0x6b: {  	p0 =	sne.s32 s2, $0x0;
	_ =	strace $0x9000004A  }
0x6c: {  	s0 =	sadd.s32 @!p0 $0x100000, s0;
	[bflag:$0x2] =	sbarrier.arrive $0xFFFF  }
0x6d: {  	[sflag:s0] =	ssyncadd.tile.s32 @!p0 $0x1;
	_ =	shalt  }
.Lfunc_end2:
_tile_overlayer_lowered:
.L_overlay_start_2:
0x6e: {  	(tag) =	ssettag $0x2  }
0x6f: {  	s0 =	rddreg [dreg:$0x0];
	s2 =	stileid.u32  }
0x70: {  	s1 =	rddreg [dreg:$0x1];
	p0 =	sne.s32 s2, $0x0  }
0x71: {  	s3 =	rddreg [dreg:$0x2];
	[bflag:$0x3] =	sbarrier.arrive $0xFFFF;
	s2 =	simm.s32 @!p0 $0x1C02  }
0x72: {  	[timem:s3], [sflag:s2] =	dma.local @!p0 [hbm:s0], s1  }
0x73: {  	s0 =	simm.s32 @!p0 $0x2  }
0x74: {  	_ =	swait.ge @!p0 [sflag:s0], s1  }
0x75: {  	s1 =	ssub.s32 @!p0 $0x0, s1;
	[sflag:s0] =	ssyncset.done @!p0 $0x0  }
0x76: {  	[sflag:s0] =	ssyncadd.s32 @!p0 s1  }
0x77: {  	[bflag:$0x3] =	sbarrier.arrive $0xFFFF  }
0x78: {  	_ =	shalt  }

// kernel: kernel.17.cloned.1.call-start
scs
__scs_entry_jumppad:
0x0: {  	(pc) =	sbr.rel $0x88, $3  }
0x1: {  	(tag) =	ssettag $0x0;
	lr =	simm.s32 $0x1  }
0x2: {  	[smem:$0x3F97] =	sst lr;
	_ =	strace $0xD0000000  }
0x3: {  	_ = 	snop  }
0x4: {  	_ = 	snop  }
0x5: {  	_ = 	snop  }
0x6: {  	_ = 	snop  }
0x7: {  	_ = 	snop  }
__scs_overlays_trampoline_lowered:
0x8: {  	[smem:$0x3FA6] =	sst s0  }
0x9: {  	[smem:$0x3FA7] =	sst s1  }
0xa: {  	[smem:$0x3FA8] =	sst s2  }
0xb: {  	[smem:$0x3FA9] =	sst s3  }
0xc: {  	[smem:$0x3FAA] =	sst s4  }
0xd: {  	[smem:$0x3FAB] =	sst s5  }
0xe: {  	[smem:$0x3FAC] =	sst s6  }
0xf: {  	[smem:$0x3FAD] =	sst s7  }
0x10: {  	[smem:$0x3FAE] =	sst s8  }
0x11: {  	[smem:$0x3FAF] =	sst s9;
	s0 =	simm.s32 @!p0 $0x0  }
0x12: {  	s1 =	sld [smem:$0x3F95];
	s0 =	simm.s32 @p0 $0x1  }
0x13: {  	[smem:$0x3FB0] =	sst s0;
	s0 =	simm.s32 @!p1 $0x0  }
0x14: {  	s2 =	sld [smem:$0x3F94];
	s0 =	simm.s32 @p1 $0x1  }
0x15: {  	[smem:$0x3FB1] =	sst s0;
	s0 =	simm.s32 @!p2 $0x0  }
0x16: {  	s3 =	sld [smem:$0x3FDB];
	s0 =	simm.s32 @p2 $0x1  }
0x17: {  	s4 =	simm.s32 $0x1BF5;
	[smem:$0x3FB3] =	sst s0  }
0x18: {  	s0 =	sld [smem:$0x3F96];
	_ =	swait.ge [sflag:s4], $0x0  }
0x19: {  	s7 =	sld [smem:$0x3F97]  }
0x1a: {  	s8 =	sadd.s32 $0xFFFFE003, lr  }
0x1b: {  	s9 =	sadd.s32 $0xFFFFFEF7, lr;
	s5 =	simm.s32 $0xFFFFFFFF;
	p2 =	slt.u32 s8, $0xFFFFF086  }
0x1c: {  	p1 =	slt.u32 s9, $0xF7A;
	s5 =	simm.s32 @!p2 $0x0  }
0x1d: {  	s5 =	simm.s32 @p1 $0x1;
	p0 =	seq.s32 s7, s2  }
0x1e: {  	s7 =	smul.u32 @!p0 $0xF7A, s2;
	p2 =	seq.s32 @!p0 s5, $0x0  }
0x1f: {  	s9 =	smul.u32 $0xF7A, s1;
	s8 =	simm.s32 @!p0 $0x1BF5;
	p2 =	por !p2, p0  }
0x20: {  	[sflag:s8] =	ssyncset.s32 @!p0 $0xFFFFF086;
	s6 =	sadd.s32 @!p0 s3, s7;
	s7 =	simm.s32 @!p0 $0x108  }
0x21: {  	s3 =	sadd.s32 s3, s9;
	s6 =	sadd.s32 @!p0 $0x88, s6;
	s7 =	simm.s32 @p2 $0x1082  }
0x22: {  	[simem:s7], [sflag:s8] =	dma.local @!p0 [hbm:s6], $0xF7A  }
0x23: {  	s9 =	sor.u32 $0xD0000000, s2;
	s6 =	simm.s32 $0x108;
	_ =	swait.ge @!p0 [sflag:s8], $0x0  }
0x24: {  	s3 =	sadd.s32 $0x88, s3;
	s6 =	simm.s32 @!p1 $0x1082;
	[sflag:s4] =	ssyncset.s32 $0xFFFFF086  }
0x25: {  	[simem:s6], [sflag:s4] =	dma.local [hbm:s3], $0xF7A  }
0x26: {  	[smem:$0x3F97] =	sst s1;
	(tag) =	ssettag s2;
	_ =	strace s9  }
0x27: {  	s1 =	sld [smem:$0x3FA7]  }
0x28: {  	s2 =	sld [smem:$0x3FA8]  }
0x29: {  	s4 =	sld [smem:$0x3FAA]  }
0x2a: {  	p0 =	seq.s32 s5, $0x0;
	s5 =	sld [smem:$0x3FAB]  }
0x2b: {  	s6 =	sld [smem:$0x3FAC]  }
0x2c: {  	s7 =	sld [smem:$0x3FAD]  }
0x2d: {  	s3 =	simm.s32 $0x108;
	s8 =	sld [smem:$0x3FAE]  }
0x2e: {  	s3 =	simm.s32 @!p0 $0x1082;
	s9 =	sld [smem:$0x3FAF]  }
0x2f: {  	lr =	sadd.s32 s0, s3;
	s0 =	sld [smem:$0x3FA6]  }
0x30: {  	s3 =	sld [smem:$0x3FA9]  }
0x31: {  	[smem:$0x3FB2] =	sst s10  }
0x32: {  	s10 =	sld [smem:$0x3FB0];
	_ =	sdelay $0x3  }
0x33: {  	p0 =	seq.s32 s10, $0x1;
	s10 =	sld [smem:$0x3FB2];
	_ =	sdelay $0x3  }
0x34: {  	[smem:$0x3FB2] =	sst s10  }
0x35: {  	s10 =	sld [smem:$0x3FB1];
	_ =	sdelay $0x3  }
0x36: {  	p1 =	seq.s32 s10, $0x1;
	s10 =	sld [smem:$0x3FB2];
	_ =	sdelay $0x3  }
0x37: {  	[smem:$0x3FB2] =	sst s10  }
0x38: {  	s10 =	sld [smem:$0x3FB3]  }
0x39: {  	_ = 	snop;
	(pc) =	sbr.ind lr, $3  }
0x3a: {  	_ = 	snop  }
0x3b: {  	_ = 	snop  }
0x3c: {  	p2 =	seq.s32 s10, $0x1;
	s10 =	sld [smem:$0x3FB2]  }
0x3d: {  	_ =	shalt  }
0x3e: {  	_ =	shalt  }
0x3f: {  	_ =	shalt  }
0x40: {  	_ =	shalt  }
0x41: {  	_ =	shalt  }
0x42: {  	_ =	shalt  }
0x43: {  	_ =	shalt  }
0x44: {  	_ =	shalt  }
0x45: {  	_ =	shalt  }
0x46: {  	_ =	shalt  }
0x47: {  	_ =	shalt  }
0x48: {  	_ =	shalt  }
0x49: {  	_ =	shalt  }
0x4a: {  	_ =	shalt  }
0x4b: {  	_ =	shalt  }
0x4c: {  	_ =	shalt  }
0x4d: {  	_ =	shalt  }
0x4e: {  	_ =	shalt  }
0x4f: {  	_ =	shalt  }
0x50: {  	_ =	shalt  }
0x51: {  	_ =	shalt  }
0x52: {  	_ =	shalt  }
0x53: {  	_ =	shalt  }
0x54: {  	_ =	shalt  }
0x55: {  	_ =	shalt  }
0x56: {  	_ =	shalt  }
0x57: {  	_ =	shalt  }
0x58: {  	_ =	shalt  }
0x59: {  	_ =	shalt  }
0x5a: {  	_ =	shalt  }
0x5b: {  	_ =	shalt  }
0x5c: {  	_ =	shalt  }
0x5d: {  	_ =	shalt  }
0x5e: {  	_ =	shalt  }
0x5f: {  	_ =	shalt  }
0x60: {  	_ =	shalt  }
0x61: {  	_ =	shalt  }
0x62: {  	_ =	shalt  }
0x63: {  	_ =	shalt  }
0x64: {  	_ =	shalt  }
0x65: {  	_ =	shalt  }
0x66: {  	_ =	shalt  }
0x67: {  	_ =	shalt  }
0x68: {  	_ =	shalt  }
0x69: {  	_ =	shalt  }
0x6a: {  	_ =	shalt  }
0x6b: {  	_ =	shalt  }
0x6c: {  	_ =	shalt  }
0x6d: {  	_ =	shalt  }
0x6e: {  	_ =	shalt  }
0x6f: {  	_ =	shalt  }
0x70: {  	_ =	shalt  }
0x71: {  	_ =	shalt  }
0x72: {  	_ =	shalt  }
0x73: {  	_ =	shalt  }
0x74: {  	_ =	shalt  }
0x75: {  	_ =	shalt  }
0x76: {  	_ =	shalt  }
0x77: {  	_ =	shalt  }
0x78: {  	_ =	shalt  }
0x79: {  	_ =	shalt  }
0x7a: {  	_ =	shalt  }
0x7b: {  	_ =	shalt  }
0x7c: {  	_ =	shalt  }
0x7d: {  	_ =	shalt  }
0x7e: {  	_ =	shalt  }
0x7f: {  	_ =	shalt  }
0x80: {  	_ =	shalt  }
0x81: {  	_ =	shalt  }
0x82: {  	_ =	shalt  }
0x83: {  	_ =	shalt  }
0x84: {  	_ =	shalt  }
0x85: {  	_ =	shalt  }
0x86: {  	_ =	shalt  }
0x87: {  	_ =	shalt  }
.Lfunc_end0:
.L_simem_size_0:
called_computation.2_lowered:
.L_overlay_start_0:
0x88: {  	s2 =	sld [smem:$0x3FD9]  }
0x89: {  	s3 =	sld [smem:$0x3FFE];
	_ =	sdelay $0x1  }
0x8a: {  	s1 =	srdreg.scid  }
0x8b: {  	s0 =	sand.u32 $0x1, s1  }
0x8c: {  	s16 =	sshll.u32 s0, $0xA;
	s2 =	sadd.s32 s3, s2  }
0x8d: {  	s2 =	sadd.s32 s2, s16  }
0x8e: {  	[smem:$0x3FBE] =	sst s2  }
0x8f: {  	_ = 	snop  }
0x90: {  	(tm) =	ssettm $0x1  }
0x91: {  	s17 =	sld [smem:$0x3FFB];
	_ =	sdelay $0x3  }
0x92: {  	_ =	strace s17  }
0x93: {  	s2 =	sld [smem:$0x3FFC];
	_ =	sdelay $0x3  }
0x94: {  	_ =	strace s2  }
0x95: {  	s2 =	sld [smem:$0x3FFD];
	_ =	sdelay $0x3  }
0x96: {  	_ =	strace s2  }
0x97: {  	_ =	strace $0x8FFFFFFF  }
0x98: {  	s18 =	sld [smem:$0x3FDB];
	_ =	sdelay $0x1  }
0x99: {  	s19 =	simm.s32 $_scs_section_size  }
0x9a: {  	s4 =	simm.s32 $_size__tile_overlayer_lowered;
	s5 =	simm.s32 $_tile_overlayer_lowered  }
0x9b: {  	s22 =	simm.s32 $0x1BFF;
	s21 =	sshll.u32 s5, $0x1;
	s2 =	sadd.s32 s19, s18  }
0x9c: {  	s6 =	simm.s32 $0x0;
	s20 =	sshll.u32 s4, $0x1;
	s4 =	sadd.s32 s21, s2  }
0x9d: {  	[timem:s6], [sflag:s22] =	dma.local [hbm:s4], s20  }
0x9e: {  	_ =	swait.ge [sflag:s22], s20  }
0x9f: {  	s3 =	ssub.s32 $0x0, s20;
	[sflag:s22] =	ssyncset.done $0x0  }
0xa0: {  	[sflag:s22] =	ssyncadd.s32 s3;
	_ =	sdelay $0x1  }
0xa1: {  	s23 =	simm.s32 $0x1B8B  }
0xa2: {  	_ =	swait.ge [sflag:s23], $0x1  }
0xa3: {  	[sflag:s23] =	ssyncset.done $0x0  }
0xa4: {  	s25 =	simm.s32 $0x1B8E;
	s24 =	sld [smem:$0x3FFE];
	[sflag:s23] =	ssyncadd.s32 $0xFFFFFFFF  }
0xa5: {  	s26 =	simm.s32 $execute0_lowered;
	[smem:$0x3FD2] =	sst s25  }
0xa6: {  	s4 =	sshll.u32 s26, $0x1;
	_ =	strace $0x8000004C;
	[dreg:$0x1] =	wrdreg $0xFFFFFFFF  }
0xa7: {  	s28 =	simm.s32 $_size_execute0_lowered;
	s2 =	sadd.s32 s2, s4;
	[dreg:$0x0] =	wrdreg $0x0  }
0xa8: {  	s4 =	sshll.u32 s28, $0x1;
	[dreg:$0x2] =	wrdreg s2  }
0xa9: {  	[dreg:$0x3] =	wrdreg s4  }
0xaa: {  	[dreg:$0x4] =	wrdreg $0xC0  }
0xab: {  	_ =	task [dreg:s6], $0x5FFFF  }
0xac: {  	[dreg:$0x1] =	wrdreg $0xFFFFFFFF  }
0xad: {  	[dreg:$0x0] =	wrdreg $0x60  }
0xae: {  	[dreg:$0x2] =	wrdreg s24  }
0xaf: {  	[dreg:$0x3] =	wrdreg $0xA8000  }
0xb0: {  	[dreg:$0x4] =	wrdreg $0x9  }
0xb1: {  	_ =	task.clear_ibuf [dreg:s6], $0x5FFFF;
	_ =	strace $0x9000004C  }
0xb2: {  	s29 =	simm.s32 $0x9;
	_ =	strace $0x8000004E  }
0xb3: {  	_ =	swait.ge [sflag:s29], $0x1  }
0xb4: {  	[sflag:s29] =	ssyncadd.s32 $0xFFFFFFFF  }
0xb5: {  	_ =	strace $0x9000004E  }
0xb6: {  	_ =	sfence  }
0xb7: {  	s30 =	sld [smem:$0x0];
	_ =	sdelay $0x2  }
0xb8: {  	s31 =	sshll.u32 s1, $0xD;
	s1 =	sshrl.u32 s1, $0x2  }
0xb9: {  	s3 =	sand.u32 $0x4000, s31;
	s1 =	sadd.s32 s1, s30  }
0xba: {  	s0 =	sor.u32 s3, s0;
	s1 =	sshll.u32 s1, $0x11  }
0xbb: {  	s0 =	sor.u32 s1, s0  }
0xbc: {  	s0 =	sadd.s32 $0x8F2B, s0  }
0xbd: {  	[sflag:s0] =	ssyncadd.remote.s32 $0x1  }
0xbe: {  	_ =	sfence.sel $0xFFFF  }
0xbf: {  	[dreg:$0x0] =	wrdreg $0xFFFFFFFF;
	(pc) =	sbr.abs _section_cstart, $3  }
0xc0: {  	[dreg:$0x1] =	wrdreg $0xFFFFFFFF  }
0xc1: {  	_ =	task.clear_ibuf [dreg:s6], $0x2FFFF;
	_ =	strace $0x9FFFFFFF  }
0xc2: {  	(tm) =	ssettm $0x7FFFFFFF  }
0xc3: {  	_ =	shalt  }
tec
execute0_lowered:
.L_overlay_start_1:
0x0: {  	(tag) =	ssettag $0x1  }
0x1: {  	s5 =	rddreg [dreg:$0x0]  }
0x2: {  	s1 =	rddreg [dreg:$0x1]  }
0x3: {  	s0 =	rddreg [dreg:$0x2]  }
0x4: {  	s3 =	simm.s32 $0x0;
	s2 =	srdreg.scid;
	s17 =	simm.s32 $0x2  }
0x5: {  	s18 =	simm.s32 $0x4000;
	s19 =	simm.s32 $0x8000;
	s20 =	simm.s32 $0x50  }
0x6: {  	s21 =	simm.s32 $0x1;
	s24 =	simm.s32 $0x0;
	[smem:$0x7FF] =	sst s3  }
0x7: {  	s6 =	sand.u32 $0x1, s2;
	s2 =	stileid.u32;
	s4 =	sadd.s32 $0x12C00, s5  }
0x8: {  	s7 =	smul.u32 $0x140000, s6;
	s8 =	sshll.u32 s6, $0xF;
	s9 =	sshll.u32 s2, $0xB  }
0x9: {  	s10 =	smul.u32 $0x14000, s2;
	_ =	strace $0x8000004D;
	s6 =	ssub.s32 $0x2, s6  }
0xa: {  	s29 =	smul.u32 $0x50000, s2;
	s22 =	sshll.u32 s2, $0x6;
	s8 =	sor.u32 s9, s8  }
0xb: {  	s30 =	sshrl.u32 s6, $0x1;
	s22 =	sor.u32 $0x1C02, s22;
	s7 =	sadd.s32 s10, s7  }
0xc: {  	s8 =	sadd.s32 s8, s5;
	s16 =	ssub.s32 s6, s30;
	s31 =	sshrl.u32 s29, $0x2  }
0xd: {  	s7 =	sshrl.u32 s7, $0x3;
	s6 =	sadd.s32 $0x2C00, s8;
	s16 =	smax.u32 s16, $0x1  }
0xe: {  	s15 =	sadd.s32 s7, s5;
	s5 =	sadd.s32 $0x62C00, s8;
	s7 =	sadd.s32 s31, s1  }
0xf: {  	s8 =	sadd.s32 $0x2800, s7;
	s9 =	sadd.s32 $0x5000, s7;
	s10 =	sadd.s32 $0x7800, s7  }
0x10: {  	s11 =	sadd.s32 $0xA000, s7;
	s12 =	sadd.s32 $0xC800, s7;
	s13 =	sadd.s32 $0xF000, s7  }
0x11: {  	v0 =	vimm.f32 $0.0e+00;
	s14 =	sadd.s32 $0x11800, s7;
	s15 =	sadd.s32 $0x72C00, s15;
	s23 =	sshrl.u32 s7, $0x3  }
.LBB2_1:
0x12: {  	[tilespmem:s3], [sflag:$0x2] =	stream.linear.gather [hbm4b:s5+s3], $0x3E80, $0x38;
	[tilespmem:$0x1E800] =	vst v63  }
0x13: {  	_ =	swait.ge [sflag:s17], $0x3E80  }
0x14: {  	[sflag:s17] =	ssyncset.done $0x0  }
0x15: {  	[sflag:s17] =	ssyncadd.s32 $0xFFFFC180  }
0x16: {  	[tilespmem:s18], [sflag:$0x2] =	stream.linear.gather [hbm4b:s6+s3], $0x3E80, $0x38;
	[tilespmem:$0x1E800] =	vst v63  }
0x17: {  	_ =	swait.ge [sflag:s17], $0x3E80  }
0x18: {  	[sflag:s17] =	ssyncset.done $0x0  }
0x19: {  	s25 =	simm.s32 $0x0;
	s26 =	simm.s32 $0x200;
	[sflag:s17] =	ssyncadd.s32 $0xFFFFC180  }
.LBB2_2:
0x1a: {  	p0 =	sne.s32 s26, $0x9E00;
	[tilespmem:s25+$0x8070] =	vst v0  }
0x1b: {  	[tilespmem:s25+$0x8000] =	vst v0  }
0x1c: {  	[tilespmem:s25+$0x8010] =	vst v0  }
.Ltmp0:
0x1d: {  	[tilespmem:s25+$0x8020] =	vst v0;
	(pc) =	sbr.rel @p0 .LBB2_2-.Ltmp0, $4  }
0x1e: {  	[tilespmem:s25+$0x8030] =	vst v0  }
0x1f: {  	[tilespmem:s25+$0x8040] =	vst v0  }
0x20: {  	[tilespmem:s25+$0x8050] =	vst v0  }
0x21: {  	[tilespmem:s25+$0x8060] =	vst v0;
	s25 =	sshra.s32 s26, $0x2;
	s26 =	sadd.s32 $0x200, s26  }
0x22: {  	[tilespmem:s25+$0x8070] =	vst v0  }
0x23: {  	[tilespmem:s25+$0x8000] =	vst v0  }
0x24: {  	[tilespmem:s25+$0x8010] =	vst v0  }
0x25: {  	[tilespmem:s25+$0x8020] =	vst v0  }
0x26: {  	[tilespmem:s25+$0x8030] =	vst v0  }
0x27: {  	[tilespmem:s25+$0x8040] =	vst v0  }
0x28: {  	[tilespmem:s25+$0x8050] =	vst v0  }
0x29: {  	[tilespmem:s25+$0x8060] =	vst v0  }
0x2a: {  	[spmem:s7] =	stream.linear.scatter [tilespmem:s19], [sflag:$0x2], $0x2800, $0x38;
	[tilespmem:$0x1E800] =	vst v63  }
0x2b: {  	_ =	swait.ge [sflag:s17], $0x2800  }
0x2c: {  	[sflag:s17] =	ssyncset.done $0x0  }
0x2d: {  	[sflag:s17] =	ssyncadd.s32 $0xFFFFD800  }
0x2e: {  	[spmem:s8] =	stream.linear.scatter [tilespmem:s19], [sflag:$0x2], $0x2800, $0x38;
	[tilespmem:$0x1E800] =	vst v63  }
0x2f: {  	_ =	swait.ge [sflag:s17], $0x2800  }
0x30: {  	[sflag:s17] =	ssyncset.done $0x0  }
0x31: {  	[sflag:s17] =	ssyncadd.s32 $0xFFFFD800  }
0x32: {  	[spmem:s9] =	stream.linear.scatter [tilespmem:s19], [sflag:$0x2], $0x2800, $0x38;
	[tilespmem:$0x1E800] =	vst v63  }
0x33: {  	_ =	swait.ge [sflag:s17], $0x2800  }
0x34: {  	[sflag:s17] =	ssyncset.done $0x0  }
0x35: {  	[sflag:s17] =	ssyncadd.s32 $0xFFFFD800  }
0x36: {  	[spmem:s10] =	stream.linear.scatter [tilespmem:s19], [sflag:$0x2], $0x2800, $0x38;
	[tilespmem:$0x1E800] =	vst v63  }
0x37: {  	_ =	swait.ge [sflag:s17], $0x2800  }
0x38: {  	[sflag:s17] =	ssyncset.done $0x0  }
0x39: {  	[sflag:s17] =	ssyncadd.s32 $0xFFFFD800  }
0x3a: {  	[spmem:s11] =	stream.linear.scatter [tilespmem:s19], [sflag:$0x2], $0x2800, $0x38;
	[tilespmem:$0x1E800] =	vst v63  }
0x3b: {  	_ =	swait.ge [sflag:s17], $0x2800  }
0x3c: {  	[sflag:s17] =	ssyncset.done $0x0  }
0x3d: {  	[sflag:s17] =	ssyncadd.s32 $0xFFFFD800  }
0x3e: {  	[spmem:s12] =	stream.linear.scatter [tilespmem:s19], [sflag:$0x2], $0x2800, $0x38;
	[tilespmem:$0x1E800] =	vst v63  }
0x3f: {  	_ =	swait.ge [sflag:s17], $0x2800  }
0x40: {  	[sflag:s17] =	ssyncset.done $0x0  }
0x41: {  	[sflag:s17] =	ssyncadd.s32 $0xFFFFD800  }
0x42: {  	[spmem:s13] =	stream.linear.scatter [tilespmem:s19], [sflag:$0x2], $0x2800, $0x38;
	[tilespmem:$0x1E800] =	vst v63  }
0x43: {  	_ =	swait.ge [sflag:s17], $0x2800  }
0x44: {  	[sflag:s17] =	ssyncset.done $0x0  }
0x45: {  	[sflag:s17] =	ssyncadd.s32 $0xFFFFD800  }
0x46: {  	[spmem:s14] =	stream.linear.scatter [tilespmem:s19], [sflag:$0x2], $0x2800, $0x38;
	[tilespmem:$0x1E800] =	vst v63  }
0x47: {  	_ =	swait.ge [sflag:s17], $0x2800  }
0x48: {  	[sflag:s17] =	ssyncset.done $0x0  }
0x49: {  	[sflag:s17] =	ssyncadd.s32 $0xFFFFD800  }
0x4a: {  	s30 =	simm.s32 $0x0;
	[bflag:$0x0] =	sbarrier.arrive $0xFFFF  }
0x4b: {  	[tilespmem:s19], [sflag:$0x1] =	stream.indirect.gather [hbm4b:s4+s20], $0x80, s30, s20, $0xb8;
	[tilespmem:$0x1E800] =	vst v63  }
0x4c: {  	_ =	swait.ge [sflag:s21], $0x2800  }
0x4d: {  	[sflag:s21] =	ssyncset.done $0x0  }
0x4e: {  	s31 =	simm.s32 $0x4000;
	[sflag:s21] =	ssyncadd.s32 $0xFFFFD800  }
0x4f: {  	[spmem:s1] =	stream.indirect.scatter.add.f32 [tilespmem:s19], [sflag:$0x2], $0x80, s31, s20, $0xb8;
	[tilespmem:$0x1E800] =	vst v63  }
0x50: {  	_ =	swait.ge [sflag:s17], $0x2800  }
0x51: {  	s25 =	simm.s32 $0x200;
	s26 =	simm.s32 $0x400;
	[sflag:s17] =	ssyncset.done $0x0  }
.LBB2_4:
0x52: {  	s28 =	sshra.s32 s25, $0x2  }
0x53: {  	[sflag:s17] =	ssyncadd.s32 $0xFFFFD800;
	s25 =	smov.u32 s26;
	s29 =	sadd.s32 $0x200, s26  }
0x54: {  	[tilespmem:s19], [sflag:$0x1] =	stream.indirect.gather [hbm4b:s4+s20], $0x80, s28, s20, $0xb8;
	[tilespmem:$0x1E800] =	vst v63  }
0x55: {  	p0 =	sne.s32 s26, $0xF800;
	_ =	swait.ge [sflag:s21], $0x2800  }
.Ltmp1:
0x56: {  	[sflag:s21] =	ssyncset.done $0x0;
	(pc) =	sbr.rel @p0 .LBB2_4-.Ltmp1, $4  }
0x57: {  	s26 =	sadd.s32 $0x4000, s28;
	[sflag:s21] =	ssyncadd.s32 $0xFFFFD800  }
0x58: {  	[spmem:s1] =	stream.indirect.scatter.add.f32 [tilespmem:s19], [sflag:$0x2], $0x80, s26, s20, $0xb8;
	[tilespmem:$0x1E800] =	vst v63  }
0x59: {  	_ =	swait.ge [sflag:s17], $0x2800  }
0x5a: {  	s26 =	smov.u32 s29;
	[sflag:s17] =	ssyncset.done $0x0  }
0x5b: {  	s25 =	sshra.s32 s25, $0x2;
	[sflag:s17] =	ssyncadd.s32 $0xFFFFD800  }
0x5c: {  	[tilespmem:s19], [sflag:$0x1] =	stream.indirect.gather [hbm4b:s4+s20], $0x80, s25, s20, $0xb8;
	[tilespmem:$0x1E800] =	vst v63  }
0x5d: {  	_ =	swait.ge [sflag:s21], $0x2800  }
0x5e: {  	[sflag:s21] =	ssyncset.done $0x0  }
0x5f: {  	s25 =	sadd.s32 $0x4000, s25;
	[sflag:s21] =	ssyncadd.s32 $0xFFFFD800  }
0x60: {  	[spmem:s1] =	stream.indirect.scatter.add.f32 [tilespmem:s19], [sflag:$0x2], $0x80, s25, s20, $0xb8;
	[tilespmem:$0x1E800] =	vst v63  }
0x61: {  	_ =	swait.ge [sflag:s17], $0x2800  }
0x62: {  	s24 =	sadd.s32 $0x1, s24;
	[sflag:s17] =	ssyncset.done $0x0  }
0x63: {  	p0 =	sne.s32 s24, s16;
	[sflag:s17] =	ssyncadd.s32 $0xFFFFD800  }
.Ltmp2:
0x64: {  	[bflag:$0x0] =	sbarrier.arrive $0xFFFF;
	(pc) =	sbr.rel @p0 .LBB2_1-.Ltmp2, $4  }
0x65: {  	[hbm:s15], [sflag:s22] =	dma.local [spmem:s23], $0x2800  }
0x66: {  	_ =	swait.ge [sflag:s17], $0x2800  }
0x67: {  	[sflag:s17] =	ssyncset.done $0x0  }
0x68: {  	[sflag:s17] =	ssyncadd.s32 $0xFFFFD800  }
0x69: {  	_ =	sfence.sel $0x180000  }
0x6a: {  	[bflag:$0x0] =	sbarrier.arrive $0xFFFF  }
0x6b: {  	p0 =	sne.s32 s2, $0x0;
	_ =	strace $0x9000004D  }
0x6c: {  	s0 =	sadd.s32 @!p0 $0x100000, s0;
	[bflag:$0x2] =	sbarrier.arrive $0xFFFF  }
0x6d: {  	[sflag:s0] =	ssyncadd.tile.s32 @!p0 $0x1;
	_ =	shalt  }
.Lfunc_end2:
_tile_overlayer_lowered:
.L_overlay_start_2:
0x6e: {  	(tag) =	ssettag $0x2  }
0x6f: {  	s0 =	rddreg [dreg:$0x0];
	s2 =	stileid.u32  }
0x70: {  	s1 =	rddreg [dreg:$0x1];
	p0 =	sne.s32 s2, $0x0  }
0x71: {  	s3 =	rddreg [dreg:$0x2];
	[bflag:$0x3] =	sbarrier.arrive $0xFFFF;
	s2 =	simm.s32 @!p0 $0x1C02  }
0x72: {  	[timem:s3], [sflag:s2] =	dma.local @!p0 [hbm:s0], s1  }
0x73: {  	s0 =	simm.s32 @!p0 $0x2  }
0x74: {  	_ =	swait.ge @!p0 [sflag:s0], s1  }
0x75: {  	s1 =	ssub.s32 @!p0 $0x0, s1;
	[sflag:s0] =	ssyncset.done @!p0 $0x0  }
0x76: {  	[sflag:s0] =	ssyncadd.s32 @!p0 s1  }
0x77: {  	[bflag:$0x3] =	sbarrier.arrive $0xFFFF  }
0x78: {  	_ =	shalt  }

// kernel: kernel.20.cloned.1.call-start
scs
__scs_entry_jumppad:
0x0: {  	(pc) =	sbr.rel $0x88, $3  }
0x1: {  	(tag) =	ssettag $0x0;
	lr =	simm.s32 $0x1  }
0x2: {  	[smem:$0x3F97] =	sst lr;
	_ =	strace $0xD0000000  }
0x3: {  	_ = 	snop  }
0x4: {  	_ = 	snop  }
0x5: {  	_ = 	snop  }
0x6: {  	_ = 	snop  }
0x7: {  	_ = 	snop  }
__scs_overlays_trampoline_lowered:
0x8: {  	[smem:$0x3FA6] =	sst s0  }
0x9: {  	[smem:$0x3FA7] =	sst s1  }
0xa: {  	[smem:$0x3FA8] =	sst s2  }
0xb: {  	[smem:$0x3FA9] =	sst s3  }
0xc: {  	[smem:$0x3FAA] =	sst s4  }
0xd: {  	[smem:$0x3FAB] =	sst s5  }
0xe: {  	[smem:$0x3FAC] =	sst s6  }
0xf: {  	[smem:$0x3FAD] =	sst s7  }
0x10: {  	[smem:$0x3FAE] =	sst s8  }
0x11: {  	[smem:$0x3FAF] =	sst s9;
	s0 =	simm.s32 @!p0 $0x0  }
0x12: {  	s1 =	sld [smem:$0x3F95];
	s0 =	simm.s32 @p0 $0x1  }
0x13: {  	[smem:$0x3FB0] =	sst s0;
	s0 =	simm.s32 @!p1 $0x0  }
0x14: {  	s2 =	sld [smem:$0x3F94];
	s0 =	simm.s32 @p1 $0x1  }
0x15: {  	[smem:$0x3FB1] =	sst s0;
	s0 =	simm.s32 @!p2 $0x0  }
0x16: {  	s3 =	sld [smem:$0x3FDB];
	s0 =	simm.s32 @p2 $0x1  }
0x17: {  	s4 =	simm.s32 $0x1BF5;
	[smem:$0x3FB3] =	sst s0  }
0x18: {  	s0 =	sld [smem:$0x3F96];
	_ =	swait.ge [sflag:s4], $0x0  }
0x19: {  	s7 =	sld [smem:$0x3F97]  }
0x1a: {  	s8 =	sadd.s32 $0xFFFFE003, lr  }
0x1b: {  	s9 =	sadd.s32 $0xFFFFFEF7, lr;
	s5 =	simm.s32 $0xFFFFFFFF;
	p2 =	slt.u32 s8, $0xFFFFF086  }
0x1c: {  	p1 =	slt.u32 s9, $0xF7A;
	s5 =	simm.s32 @!p2 $0x0  }
0x1d: {  	s5 =	simm.s32 @p1 $0x1;
	p0 =	seq.s32 s7, s2  }
0x1e: {  	s7 =	smul.u32 @!p0 $0xF7A, s2;
	p2 =	seq.s32 @!p0 s5, $0x0  }
0x1f: {  	s9 =	smul.u32 $0xF7A, s1;
	s8 =	simm.s32 @!p0 $0x1BF5;
	p2 =	por !p2, p0  }
0x20: {  	[sflag:s8] =	ssyncset.s32 @!p0 $0xFFFFF086;
	s6 =	sadd.s32 @!p0 s3, s7;
	s7 =	simm.s32 @!p0 $0x108  }
0x21: {  	s3 =	sadd.s32 s3, s9;
	s6 =	sadd.s32 @!p0 $0x88, s6;
	s7 =	simm.s32 @p2 $0x1082  }
0x22: {  	[simem:s7], [sflag:s8] =	dma.local @!p0 [hbm:s6], $0xF7A  }
0x23: {  	s9 =	sor.u32 $0xD0000000, s2;
	s6 =	simm.s32 $0x108;
	_ =	swait.ge @!p0 [sflag:s8], $0x0  }
0x24: {  	s3 =	sadd.s32 $0x88, s3;
	s6 =	simm.s32 @!p1 $0x1082;
	[sflag:s4] =	ssyncset.s32 $0xFFFFF086  }
0x25: {  	[simem:s6], [sflag:s4] =	dma.local [hbm:s3], $0xF7A  }
0x26: {  	[smem:$0x3F97] =	sst s1;
	(tag) =	ssettag s2;
	_ =	strace s9  }
0x27: {  	s1 =	sld [smem:$0x3FA7]  }
0x28: {  	s2 =	sld [smem:$0x3FA8]  }
0x29: {  	s4 =	sld [smem:$0x3FAA]  }
0x2a: {  	p0 =	seq.s32 s5, $0x0;
	s5 =	sld [smem:$0x3FAB]  }
0x2b: {  	s6 =	sld [smem:$0x3FAC]  }
0x2c: {  	s7 =	sld [smem:$0x3FAD]  }
0x2d: {  	s3 =	simm.s32 $0x108;
	s8 =	sld [smem:$0x3FAE]  }
0x2e: {  	s3 =	simm.s32 @!p0 $0x1082;
	s9 =	sld [smem:$0x3FAF]  }
0x2f: {  	lr =	sadd.s32 s0, s3;
	s0 =	sld [smem:$0x3FA6]  }
0x30: {  	s3 =	sld [smem:$0x3FA9]  }
0x31: {  	[smem:$0x3FB2] =	sst s10  }
0x32: {  	s10 =	sld [smem:$0x3FB0];
	_ =	sdelay $0x3  }
0x33: {  	p0 =	seq.s32 s10, $0x1;
	s10 =	sld [smem:$0x3FB2];
	_ =	sdelay $0x3  }
0x34: {  	[smem:$0x3FB2] =	sst s10  }
0x35: {  	s10 =	sld [smem:$0x3FB1];
	_ =	sdelay $0x3  }
0x36: {  	p1 =	seq.s32 s10, $0x1;
	s10 =	sld [smem:$0x3FB2];
	_ =	sdelay $0x3  }
0x37: {  	[smem:$0x3FB2] =	sst s10  }
0x38: {  	s10 =	sld [smem:$0x3FB3]  }
0x39: {  	_ = 	snop;
	(pc) =	sbr.ind lr, $3  }
0x3a: {  	_ = 	snop  }
0x3b: {  	_ = 	snop  }
0x3c: {  	p2 =	seq.s32 s10, $0x1;
	s10 =	sld [smem:$0x3FB2]  }
0x3d: {  	_ =	shalt  }
0x3e: {  	_ =	shalt  }
0x3f: {  	_ =	shalt  }
0x40: {  	_ =	shalt  }
0x41: {  	_ =	shalt  }
0x42: {  	_ =	shalt  }
0x43: {  	_ =	shalt  }
0x44: {  	_ =	shalt  }
0x45: {  	_ =	shalt  }
0x46: {  	_ =	shalt  }
0x47: {  	_ =	shalt  }
0x48: {  	_ =	shalt  }
0x49: {  	_ =	shalt  }
0x4a: {  	_ =	shalt  }
0x4b: {  	_ =	shalt  }
0x4c: {  	_ =	shalt  }
0x4d: {  	_ =	shalt  }
0x4e: {  	_ =	shalt  }
0x4f: {  	_ =	shalt  }
0x50: {  	_ =	shalt  }
0x51: {  	_ =	shalt  }
0x52: {  	_ =	shalt  }
0x53: {  	_ =	shalt  }
0x54: {  	_ =	shalt  }
0x55: {  	_ =	shalt  }
0x56: {  	_ =	shalt  }
0x57: {  	_ =	shalt  }
0x58: {  	_ =	shalt  }
0x59: {  	_ =	shalt  }
0x5a: {  	_ =	shalt  }
0x5b: {  	_ =	shalt  }
0x5c: {  	_ =	shalt  }
0x5d: {  	_ =	shalt  }
0x5e: {  	_ =	shalt  }
0x5f: {  	_ =	shalt  }
0x60: {  	_ =	shalt  }
0x61: {  	_ =	shalt  }
0x62: {  	_ =	shalt  }
0x63: {  	_ =	shalt  }
0x64: {  	_ =	shalt  }
0x65: {  	_ =	shalt  }
0x66: {  	_ =	shalt  }
0x67: {  	_ =	shalt  }
0x68: {  	_ =	shalt  }
0x69: {  	_ =	shalt  }
0x6a: {  	_ =	shalt  }
0x6b: {  	_ =	shalt  }
0x6c: {  	_ =	shalt  }
0x6d: {  	_ =	shalt  }
0x6e: {  	_ =	shalt  }
0x6f: {  	_ =	shalt  }
0x70: {  	_ =	shalt  }
0x71: {  	_ =	shalt  }
0x72: {  	_ =	shalt  }
0x73: {  	_ =	shalt  }
0x74: {  	_ =	shalt  }
0x75: {  	_ =	shalt  }
0x76: {  	_ =	shalt  }
0x77: {  	_ =	shalt  }
0x78: {  	_ =	shalt  }
0x79: {  	_ =	shalt  }
0x7a: {  	_ =	shalt  }
0x7b: {  	_ =	shalt  }
0x7c: {  	_ =	shalt  }
0x7d: {  	_ =	shalt  }
0x7e: {  	_ =	shalt  }
0x7f: {  	_ =	shalt  }
0x80: {  	_ =	shalt  }
0x81: {  	_ =	shalt  }
0x82: {  	_ =	shalt  }
0x83: {  	_ =	shalt  }
0x84: {  	_ =	shalt  }
0x85: {  	_ =	shalt  }
0x86: {  	_ =	shalt  }
0x87: {  	_ =	shalt  }
.Lfunc_end0:
.L_simem_size_0:
called_computation.3_lowered:
.L_overlay_start_0:
0x88: {  	s2 =	sld [smem:$0x3FD9]  }
0x89: {  	s3 =	sld [smem:$0x3FFE];
	_ =	sdelay $0x1  }
0x8a: {  	s1 =	srdreg.scid  }
0x8b: {  	s0 =	sand.u32 $0x1, s1  }
0x8c: {  	s16 =	sshll.u32 s0, $0xA;
	s2 =	sadd.s32 s3, s2  }
0x8d: {  	s2 =	sadd.s32 s2, s16  }
0x8e: {  	[smem:$0x3FBE] =	sst s2  }
0x8f: {  	_ = 	snop  }
0x90: {  	(tm) =	ssettm $0x1  }
0x91: {  	s17 =	sld [smem:$0x3FFB];
	_ =	sdelay $0x3  }
0x92: {  	_ =	strace s17  }
0x93: {  	s2 =	sld [smem:$0x3FFC];
	_ =	sdelay $0x3  }
0x94: {  	_ =	strace s2  }
0x95: {  	s2 =	sld [smem:$0x3FFD];
	_ =	sdelay $0x3  }
0x96: {  	_ =	strace s2  }
0x97: {  	_ =	strace $0x8FFFFFFF  }
0x98: {  	s18 =	sld [smem:$0x3FDB];
	_ =	sdelay $0x1  }
0x99: {  	s19 =	simm.s32 $_scs_section_size  }
0x9a: {  	s4 =	simm.s32 $_size__tile_overlayer_lowered;
	s5 =	simm.s32 $_tile_overlayer_lowered  }
0x9b: {  	s22 =	simm.s32 $0x1BFF;
	s21 =	sshll.u32 s5, $0x1;
	s2 =	sadd.s32 s19, s18  }
0x9c: {  	s6 =	simm.s32 $0x0;
	s20 =	sshll.u32 s4, $0x1;
	s4 =	sadd.s32 s21, s2  }
0x9d: {  	[timem:s6], [sflag:s22] =	dma.local [hbm:s4], s20  }
0x9e: {  	_ =	swait.ge [sflag:s22], s20  }
0x9f: {  	s3 =	ssub.s32 $0x0, s20;
	[sflag:s22] =	ssyncset.done $0x0  }
0xa0: {  	[sflag:s22] =	ssyncadd.s32 s3;
	_ =	sdelay $0x1  }
0xa1: {  	s23 =	simm.s32 $0x1B8B  }
0xa2: {  	_ =	swait.ge [sflag:s23], $0x1  }
0xa3: {  	[sflag:s23] =	ssyncset.done $0x0  }
0xa4: {  	s25 =	simm.s32 $0x1B8E;
	s24 =	sld [smem:$0x3FFE];
	[sflag:s23] =	ssyncadd.s32 $0xFFFFFFFF  }
0xa5: {  	s26 =	simm.s32 $execute0_lowered;
	[smem:$0x3FD2] =	sst s25  }
0xa6: {  	s4 =	sshll.u32 s26, $0x1;
	_ =	strace $0x8000004F;
	[dreg:$0x1] =	wrdreg $0xFFFFFFFF  }
0xa7: {  	s28 =	simm.s32 $_size_execute0_lowered;
	s2 =	sadd.s32 s2, s4;
	[dreg:$0x0] =	wrdreg $0x0  }
0xa8: {  	s4 =	sshll.u32 s28, $0x1;
	[dreg:$0x2] =	wrdreg s2  }
0xa9: {  	[dreg:$0x3] =	wrdreg s4  }
0xaa: {  	[dreg:$0x4] =	wrdreg $0xC0  }
0xab: {  	_ =	task [dreg:s6], $0x5FFFF  }
0xac: {  	[dreg:$0x1] =	wrdreg $0xFFFFFFFF  }
0xad: {  	[dreg:$0x0] =	wrdreg $0x60  }
0xae: {  	[dreg:$0x2] =	wrdreg s24  }
0xaf: {  	[dreg:$0x3] =	wrdreg $0xA8000  }
0xb0: {  	[dreg:$0x4] =	wrdreg $0x9  }
0xb1: {  	_ =	task.clear_ibuf [dreg:s6], $0x5FFFF;
	_ =	strace $0x9000004F  }
0xb2: {  	s29 =	simm.s32 $0x9;
	_ =	strace $0x80000051  }
0xb3: {  	_ =	swait.ge [sflag:s29], $0x1  }
0xb4: {  	[sflag:s29] =	ssyncadd.s32 $0xFFFFFFFF  }
0xb5: {  	_ =	strace $0x90000051  }
0xb6: {  	_ =	sfence  }
0xb7: {  	s30 =	sld [smem:$0x0];
	_ =	sdelay $0x2  }
0xb8: {  	s31 =	sshll.u32 s1, $0xD;
	s1 =	sshrl.u32 s1, $0x2  }
0xb9: {  	s3 =	sand.u32 $0x4000, s31;
	s1 =	sadd.s32 s1, s30  }
0xba: {  	s0 =	sor.u32 s3, s0;
	s1 =	sshll.u32 s1, $0x11  }
0xbb: {  	s0 =	sor.u32 s1, s0  }
0xbc: {  	s0 =	sadd.s32 $0x8F2B, s0  }
0xbd: {  	[sflag:s0] =	ssyncadd.remote.s32 $0x1  }
0xbe: {  	_ =	sfence.sel $0xFFFF  }
0xbf: {  	[dreg:$0x0] =	wrdreg $0xFFFFFFFF;
	(pc) =	sbr.abs _section_cstart, $3  }
0xc0: {  	[dreg:$0x1] =	wrdreg $0xFFFFFFFF  }
0xc1: {  	_ =	task.clear_ibuf [dreg:s6], $0x2FFFF;
	_ =	strace $0x9FFFFFFF  }
0xc2: {  	(tm) =	ssettm $0x7FFFFFFF  }
0xc3: {  	_ =	shalt  }
tec
execute0_lowered:
.L_overlay_start_1:
0x0: {  	(tag) =	ssettag $0x1  }
0x1: {  	s5 =	rddreg [dreg:$0x0]  }
0x2: {  	s1 =	rddreg [dreg:$0x1]  }
0x3: {  	s0 =	rddreg [dreg:$0x2]  }
0x4: {  	s3 =	simm.s32 $0x0;
	s2 =	srdreg.scid;
	s17 =	simm.s32 $0x2  }
0x5: {  	s18 =	simm.s32 $0x4000;
	s19 =	simm.s32 $0x8000;
	s20 =	simm.s32 $0x50  }
0x6: {  	s21 =	simm.s32 $0x1;
	s24 =	simm.s32 $0x0;
	[smem:$0x7FF] =	sst s3  }
0x7: {  	s6 =	sand.u32 $0x1, s2;
	s2 =	stileid.u32;
	s4 =	sadd.s32 $0x12C00, s5  }
0x8: {  	s7 =	smul.u32 $0x140000, s6;
	s8 =	sshll.u32 s6, $0xF;
	s9 =	sshll.u32 s2, $0xB  }
0x9: {  	s10 =	smul.u32 $0x14000, s2;
	_ =	strace $0x80000050;
	s6 =	ssub.s32 $0x2, s6  }
0xa: {  	s29 =	smul.u32 $0x50000, s2;
	s22 =	sshll.u32 s2, $0x6;
	s8 =	sor.u32 s9, s8  }
0xb: {  	s30 =	sshrl.u32 s6, $0x1;
	s22 =	sor.u32 $0x1C02, s22;
	s7 =	sadd.s32 s10, s7  }
0xc: {  	s8 =	sadd.s32 s8, s5;
	s16 =	ssub.s32 s6, s30;
	s31 =	sshrl.u32 s29, $0x2  }
0xd: {  	s7 =	sshrl.u32 s7, $0x3;
	s6 =	sadd.s32 $0x2C00, s8;
	s16 =	smax.u32 s16, $0x1  }
0xe: {  	s15 =	sadd.s32 s7, s5;
	s5 =	sadd.s32 $0x62C00, s8;
	s7 =	sadd.s32 s31, s1  }
0xf: {  	s8 =	sadd.s32 $0x2800, s7;
	s9 =	sadd.s32 $0x5000, s7;
	s10 =	sadd.s32 $0x7800, s7  }
0x10: {  	s11 =	sadd.s32 $0xA000, s7;
	s12 =	sadd.s32 $0xC800, s7;
	s13 =	sadd.s32 $0xF000, s7  }
0x11: {  	v0 =	vimm.f32 $0.0e+00;
	s14 =	sadd.s32 $0x11800, s7;
	s15 =	sadd.s32 $0x72C00, s15;
	s23 =	sshrl.u32 s7, $0x3  }
.LBB2_1:
0x12: {  	[tilespmem:s3], [sflag:$0x2] =	stream.linear.gather [hbm4b:s5+s3], $0x3E80, $0x38;
	[tilespmem:$0x1E800] =	vst v63  }
0x13: {  	_ =	swait.ge [sflag:s17], $0x3E80  }
0x14: {  	[sflag:s17] =	ssyncset.done $0x0  }
0x15: {  	[sflag:s17] =	ssyncadd.s32 $0xFFFFC180  }
0x16: {  	[tilespmem:s18], [sflag:$0x2] =	stream.linear.gather [hbm4b:s6+s3], $0x3E80, $0x38;
	[tilespmem:$0x1E800] =	vst v63  }
0x17: {  	_ =	swait.ge [sflag:s17], $0x3E80  }
0x18: {  	[sflag:s17] =	ssyncset.done $0x0  }
0x19: {  	s25 =	simm.s32 $0x0;
	s26 =	simm.s32 $0x200;
	[sflag:s17] =	ssyncadd.s32 $0xFFFFC180  }
.LBB2_2:
0x1a: {  	p0 =	sne.s32 s26, $0x9E00;
	[tilespmem:s25+$0x8070] =	vst v0  }
0x1b: {  	[tilespmem:s25+$0x8000] =	vst v0  }
0x1c: {  	[tilespmem:s25+$0x8010] =	vst v0  }
.Ltmp0:
0x1d: {  	[tilespmem:s25+$0x8020] =	vst v0;
	(pc) =	sbr.rel @p0 .LBB2_2-.Ltmp0, $4  }
0x1e: {  	[tilespmem:s25+$0x8030] =	vst v0  }
0x1f: {  	[tilespmem:s25+$0x8040] =	vst v0  }
0x20: {  	[tilespmem:s25+$0x8050] =	vst v0  }
0x21: {  	[tilespmem:s25+$0x8060] =	vst v0;
	s25 =	sshra.s32 s26, $0x2;
	s26 =	sadd.s32 $0x200, s26  }
0x22: {  	[tilespmem:s25+$0x8070] =	vst v0  }
0x23: {  	[tilespmem:s25+$0x8000] =	vst v0  }
0x24: {  	[tilespmem:s25+$0x8010] =	vst v0  }
0x25: {  	[tilespmem:s25+$0x8020] =	vst v0  }
0x26: {  	[tilespmem:s25+$0x8030] =	vst v0  }
0x27: {  	[tilespmem:s25+$0x8040] =	vst v0  }
0x28: {  	[tilespmem:s25+$0x8050] =	vst v0  }
0x29: {  	[tilespmem:s25+$0x8060] =	vst v0  }
0x2a: {  	[spmem:s7] =	stream.linear.scatter [tilespmem:s19], [sflag:$0x2], $0x2800, $0x38;
	[tilespmem:$0x1E800] =	vst v63  }
0x2b: {  	_ =	swait.ge [sflag:s17], $0x2800  }
0x2c: {  	[sflag:s17] =	ssyncset.done $0x0  }
0x2d: {  	[sflag:s17] =	ssyncadd.s32 $0xFFFFD800  }
0x2e: {  	[spmem:s8] =	stream.linear.scatter [tilespmem:s19], [sflag:$0x2], $0x2800, $0x38;
	[tilespmem:$0x1E800] =	vst v63  }
0x2f: {  	_ =	swait.ge [sflag:s17], $0x2800  }
0x30: {  	[sflag:s17] =	ssyncset.done $0x0  }
0x31: {  	[sflag:s17] =	ssyncadd.s32 $0xFFFFD800  }
0x32: {  	[spmem:s9] =	stream.linear.scatter [tilespmem:s19], [sflag:$0x2], $0x2800, $0x38;
	[tilespmem:$0x1E800] =	vst v63  }
0x33: {  	_ =	swait.ge [sflag:s17], $0x2800  }
0x34: {  	[sflag:s17] =	ssyncset.done $0x0  }
0x35: {  	[sflag:s17] =	ssyncadd.s32 $0xFFFFD800  }
0x36: {  	[spmem:s10] =	stream.linear.scatter [tilespmem:s19], [sflag:$0x2], $0x2800, $0x38;
	[tilespmem:$0x1E800] =	vst v63  }
0x37: {  	_ =	swait.ge [sflag:s17], $0x2800  }
0x38: {  	[sflag:s17] =	ssyncset.done $0x0  }
0x39: {  	[sflag:s17] =	ssyncadd.s32 $0xFFFFD800  }
0x3a: {  	[spmem:s11] =	stream.linear.scatter [tilespmem:s19], [sflag:$0x2], $0x2800, $0x38;
	[tilespmem:$0x1E800] =	vst v63  }
0x3b: {  	_ =	swait.ge [sflag:s17], $0x2800  }
0x3c: {  	[sflag:s17] =	ssyncset.done $0x0  }
0x3d: {  	[sflag:s17] =	ssyncadd.s32 $0xFFFFD800  }
0x3e: {  	[spmem:s12] =	stream.linear.scatter [tilespmem:s19], [sflag:$0x2], $0x2800, $0x38;
	[tilespmem:$0x1E800] =	vst v63  }
0x3f: {  	_ =	swait.ge [sflag:s17], $0x2800  }
0x40: {  	[sflag:s17] =	ssyncset.done $0x0  }
0x41: {  	[sflag:s17] =	ssyncadd.s32 $0xFFFFD800  }
0x42: {  	[spmem:s13] =	stream.linear.scatter [tilespmem:s19], [sflag:$0x2], $0x2800, $0x38;
	[tilespmem:$0x1E800] =	vst v63  }
0x43: {  	_ =	swait.ge [sflag:s17], $0x2800  }
0x44: {  	[sflag:s17] =	ssyncset.done $0x0  }
0x45: {  	[sflag:s17] =	ssyncadd.s32 $0xFFFFD800  }
0x46: {  	[spmem:s14] =	stream.linear.scatter [tilespmem:s19], [sflag:$0x2], $0x2800, $0x38;
	[tilespmem:$0x1E800] =	vst v63  }
0x47: {  	_ =	swait.ge [sflag:s17], $0x2800  }
0x48: {  	[sflag:s17] =	ssyncset.done $0x0  }
0x49: {  	[sflag:s17] =	ssyncadd.s32 $0xFFFFD800  }
0x4a: {  	s30 =	simm.s32 $0x0;
	[bflag:$0x0] =	sbarrier.arrive $0xFFFF  }
0x4b: {  	[tilespmem:s19], [sflag:$0x1] =	stream.indirect.gather [hbm4b:s4+s20], $0x80, s30, s20, $0xb8;
	[tilespmem:$0x1E800] =	vst v63  }
0x4c: {  	_ =	swait.ge [sflag:s21], $0x2800  }
0x4d: {  	[sflag:s21] =	ssyncset.done $0x0  }
0x4e: {  	s31 =	simm.s32 $0x4000;
	[sflag:s21] =	ssyncadd.s32 $0xFFFFD800  }
0x4f: {  	[spmem:s1] =	stream.indirect.scatter.add.f32 [tilespmem:s19], [sflag:$0x2], $0x80, s31, s20, $0xb8;
	[tilespmem:$0x1E800] =	vst v63  }
0x50: {  	_ =	swait.ge [sflag:s17], $0x2800  }
0x51: {  	s25 =	simm.s32 $0x200;
	s26 =	simm.s32 $0x400;
	[sflag:s17] =	ssyncset.done $0x0  }
.LBB2_4:
0x52: {  	s28 =	sshra.s32 s25, $0x2  }
0x53: {  	[sflag:s17] =	ssyncadd.s32 $0xFFFFD800;
	s25 =	smov.u32 s26;
	s29 =	sadd.s32 $0x200, s26  }
0x54: {  	[tilespmem:s19], [sflag:$0x1] =	stream.indirect.gather [hbm4b:s4+s20], $0x80, s28, s20, $0xb8;
	[tilespmem:$0x1E800] =	vst v63  }
0x55: {  	p0 =	sne.s32 s26, $0xF800;
	_ =	swait.ge [sflag:s21], $0x2800  }
.Ltmp1:
0x56: {  	[sflag:s21] =	ssyncset.done $0x0;
	(pc) =	sbr.rel @p0 .LBB2_4-.Ltmp1, $4  }
0x57: {  	s26 =	sadd.s32 $0x4000, s28;
	[sflag:s21] =	ssyncadd.s32 $0xFFFFD800  }
0x58: {  	[spmem:s1] =	stream.indirect.scatter.add.f32 [tilespmem:s19], [sflag:$0x2], $0x80, s26, s20, $0xb8;
	[tilespmem:$0x1E800] =	vst v63  }
0x59: {  	_ =	swait.ge [sflag:s17], $0x2800  }
0x5a: {  	s26 =	smov.u32 s29;
	[sflag:s17] =	ssyncset.done $0x0  }
0x5b: {  	s25 =	sshra.s32 s25, $0x2;
	[sflag:s17] =	ssyncadd.s32 $0xFFFFD800  }
0x5c: {  	[tilespmem:s19], [sflag:$0x1] =	stream.indirect.gather [hbm4b:s4+s20], $0x80, s25, s20, $0xb8;
	[tilespmem:$0x1E800] =	vst v63  }
0x5d: {  	_ =	swait.ge [sflag:s21], $0x2800  }
0x5e: {  	[sflag:s21] =	ssyncset.done $0x0  }
0x5f: {  	s25 =	sadd.s32 $0x4000, s25;
	[sflag:s21] =	ssyncadd.s32 $0xFFFFD800  }
0x60: {  	[spmem:s1] =	stream.indirect.scatter.add.f32 [tilespmem:s19], [sflag:$0x2], $0x80, s25, s20, $0xb8;
	[tilespmem:$0x1E800] =	vst v63  }
0x61: {  	_ =	swait.ge [sflag:s17], $0x2800  }
0x62: {  	s24 =	sadd.s32 $0x1, s24;
	[sflag:s17] =	ssyncset.done $0x0  }
0x63: {  	p0 =	sne.s32 s24, s16;
	[sflag:s17] =	ssyncadd.s32 $0xFFFFD800  }
.Ltmp2:
0x64: {  	[bflag:$0x0] =	sbarrier.arrive $0xFFFF;
	(pc) =	sbr.rel @p0 .LBB2_1-.Ltmp2, $4  }
0x65: {  	[hbm:s15], [sflag:s22] =	dma.local [spmem:s23], $0x2800  }
0x66: {  	_ =	swait.ge [sflag:s17], $0x2800  }
0x67: {  	[sflag:s17] =	ssyncset.done $0x0  }
0x68: {  	[sflag:s17] =	ssyncadd.s32 $0xFFFFD800  }
0x69: {  	_ =	sfence.sel $0x180000  }
0x6a: {  	[bflag:$0x0] =	sbarrier.arrive $0xFFFF  }
0x6b: {  	p0 =	sne.s32 s2, $0x0;
	_ =	strace $0x90000050  }
0x6c: {  	s0 =	sadd.s32 @!p0 $0x100000, s0;
	[bflag:$0x2] =	sbarrier.arrive $0xFFFF  }
0x6d: {  	[sflag:s0] =	ssyncadd.tile.s32 @!p0 $0x1;
	_ =	shalt  }
.Lfunc_end2:
_tile_overlayer_lowered:
.L_overlay_start_2:
0x6e: {  	(tag) =	ssettag $0x2  }
0x6f: {  	s0 =	rddreg [dreg:$0x0];
	s2 =	stileid.u32  }
0x70: {  	s1 =	rddreg [dreg:$0x1];
	p0 =	sne.s32 s2, $0x0  }
0x71: {  	s3 =	rddreg [dreg:$0x2];
	[bflag:$0x3] =	sbarrier.arrive $0xFFFF;
	s2 =	simm.s32 @!p0 $0x1C02  }
0x72: {  	[timem:s3], [sflag:s2] =	dma.local @!p0 [hbm:s0], s1  }
0x73: {  	s0 =	simm.s32 @!p0 $0x2  }
0x74: {  	_ =	swait.ge @!p0 [sflag:s0], s1  }
0x75: {  	s1 =	ssub.s32 @!p0 $0x0, s1;
	[sflag:s0] =	ssyncset.done @!p0 $0x0  }
0x76: {  	[sflag:s0] =	ssyncadd.s32 @!p0 s1  }
0x77: {  	[bflag:$0x3] =	sbarrier.arrive $0xFFFF  }
0x78: {  	_ =	shalt  }

</sc_bundles>
